<compile_context>
chip_gen: v7x
topology: tpu7x:2x2x1
jax: 0.10.2.dev20260603
libtpu: 0.0.44.dev20260713+nightly
codegen_flags: <defaults>
</compile_context>

<pallas_src>
import functools

import jax
import jax.numpy as jnp
from jax import lax
from jax.experimental import pallas as pl
from jax.experimental.pallas import tpu as pltpu
from jax.experimental.pallas import tpu_sc as plsc

NC = 2
NS = 16
NW = NC * NS


def _seg_sum(N, Npad, K, CHUNK, D):
    NZT = Npad // NS
    NTT = N // NS
    mesh = plsc.VectorSubcoreMesh(core_axis_name="c", subcore_axis_name="s")

    @functools.partial(
        pl.kernel,
        out_type=jax.ShapeDtypeStruct((NC, Npad, D), jnp.float32),
        mesh=mesh,
        compiler_params=pltpu.CompilerParams(use_tc_tiling_on_sc=False),
        scratch_types=[
            pltpu.VMEM((K, CHUNK), jnp.int32),
            pltpu.VMEM((K, CHUNK), jnp.int32),
            pltpu.VMEM((4, CHUNK, D), jnp.float32),
            pltpu.VMEM((NZT, D), jnp.float32),
            pltpu.VMEM((NTT, D), jnp.float32),
            pltpu.VMEM_SHARED((Npad, D), jnp.float32),
            pltpu.VMEM_SHARED((N, D), jnp.float32),
            [pltpu.SemaphoreType.DMA] * 4,
            [pltpu.SemaphoreType.DMA] * 4,
            pltpu.SemaphoreType.DMA,
            pltpu.SemaphoreType.DMA,
            pltpu.SemaphoreType.DMA,
        ],
    )
    def kfn(g_hbm, src_hbm, dst_hbm, zeros_hbm, out_hbm,
            src_v, dst_v, ring, zslab, tslab, acc, table,
            gsems, ssems, semA, semB, semC):
        cid = lax.axis_index("c")
        sid = lax.axis_index("s")
        wid = cid * NS + sid
        pltpu.async_copy(src_hbm.at[wid], src_v, semA)
        pltpu.async_copy(dst_hbm.at[wid], dst_v, semB)
        pltpu.async_copy(g_hbm.at[pl.ds(sid * NTT, NTT)], tslab, semC)
        pltpu.sync_copy(zeros_hbm, zslab)
        pltpu.sync_copy(zslab, acc.at[pl.ds(sid * NZT, NZT)])
        pltpu.make_async_copy(g_hbm.at[pl.ds(sid * NTT, NTT)], tslab,
                              semC).wait()
        pltpu.sync_copy(tslab, table.at[pl.ds(sid * NTT, NTT)])
        pltpu.make_async_copy(src_hbm.at[wid], src_v, semA).wait()
        pltpu.make_async_copy(dst_hbm.at[wid], dst_v, semB).wait()
        plsc.subcore_barrier()

        def gather(k, b):
            pltpu.async_copy(table.at[src_v.at[k]], ring.at[b], gsems[b])

        def wait_gather(b):
            pltpu.make_async_copy(table.at[src_v.at[0]], ring.at[b],
                                  gsems[b]).wait()

        def scatter(k, b):
            pltpu.async_copy(ring.at[b], acc.at[dst_v.at[k]], ssems[b],
                             add=True)

        def wait_scatter(b):
            pltpu.make_async_copy(ring.at[b], acc.at[dst_v.at[0]],
                                  ssems[b]).wait()

        gather(0, 0)
        gather(1, 1)
        wait_gather(0); scatter(0, 0); gather(2, 2)
        wait_gather(1); scatter(1, 1); gather(3, 3)

        def body(q, carry):
            k0 = 4 * q + 2
            for i in range(4):
                b = (2 + i) % 4
                b2 = (b + 2) % 4
                wait_gather(b)
                scatter(k0 + i, b)
                wait_scatter(b2)
                gather(k0 + i + 2, b2)
            return carry

        lax.fori_loop(0, (K - 4) // 4, body, 0)

        wait_gather(2); scatter(K - 2, 2)
        wait_gather(3); scatter(K - 1, 3)
        for b in range(4):
            wait_scatter(b)
        plsc.subcore_barrier()
        pltpu.sync_copy(acc.at[pl.ds(sid * NZT, NZT)],
                        out_hbm.at[cid].at[pl.ds(sid * NZT, NZT)])

    return kfn


def _deg_count(Npad, K, CHUNK):
    D = 8
    NZT = Npad // NS
    mesh = plsc.VectorSubcoreMesh(core_axis_name="c", subcore_axis_name="s")

    @functools.partial(
        pl.kernel,
        out_type=jax.ShapeDtypeStruct((NC, Npad, D), jnp.float32),
        mesh=mesh,
        compiler_params=pltpu.CompilerParams(use_tc_tiling_on_sc=False),
        scratch_types=[
            pltpu.VMEM((K, CHUNK), jnp.int32),
            pltpu.VMEM((CHUNK, D), jnp.float32),
            pltpu.VMEM((NZT, D), jnp.float32),
            pltpu.VMEM_SHARED((Npad, D), jnp.float32),
            pltpu.SemaphoreType.DMA,
            pltpu.SemaphoreType.DMA,
            pltpu.SemaphoreType.DMA,
        ],
    )
    def kfn(dst_hbm, ones_hbm, zeros_hbm, out_hbm, dst_v, ones_v, zslab, acc,
            ssem, semA, semB):
        cid = lax.axis_index("c")
        sid = lax.axis_index("s")
        wid = cid * NS + sid
        pltpu.async_copy(dst_hbm.at[wid], dst_v, semA)
        pltpu.async_copy(ones_hbm, ones_v, semB)
        pltpu.sync_copy(zeros_hbm, zslab)
        pltpu.sync_copy(zslab, acc.at[pl.ds(sid * NZT, NZT)])
        pltpu.make_async_copy(dst_hbm.at[wid], dst_v, semA).wait()
        pltpu.make_async_copy(ones_hbm, ones_v, semB).wait()
        plsc.subcore_barrier()

        def fire(k, carry):
            pltpu.async_copy(ones_v, acc.at[dst_v.at[k]], ssem, add=True)
            return carry

        lax.fori_loop(0, K, fire, 0)

        def drain(k, carry):
            pltpu.make_async_copy(ones_v, acc.at[dst_v.at[0]], ssem).wait()
            return carry

        lax.fori_loop(0, K, drain, 0)
        plsc.subcore_barrier()
        pltpu.sync_copy(acc.at[pl.ds(sid * NZT, NZT)],
                        out_hbm.at[cid].at[pl.ds(sid * NZT, NZT)])

    return kfn


def _tc_scale_mm(x, W, pdeg):
    N, D_out = x.shape[0], W.shape[1]

    def body(x_ref, w_ref, pd_ref, g_ref, dinv_ref):
        deg = pd_ref[0, :N, 0:1] + pd_ref[1, :N, 0:1]
        dinv = jnp.where(deg > 0, lax.rsqrt(deg), 0.0)
        h = jnp.dot(x_ref[...], w_ref[...], preferred_element_type=jnp.float32)
        g_ref[...] = h * dinv
        dinv_ref[...] = dinv

    return pl.pallas_call(
        body,
        out_shape=(jax.ShapeDtypeStruct((N, D_out), jnp.float32),
                   jax.ShapeDtypeStruct((N, 1), jnp.float32)),
    )(x, W, pdeg)


def _tc_mid(p1, dinv, b1, W2):
    N, D_out = dinv.shape[0], W2.shape[1]

    def body(p_ref, dinv_ref, b1_ref, w2_ref, g_ref):
        dinv = dinv_ref[...]
        s = p_ref[0, :N, :] + p_ref[1, :N, :]
        h = jnp.maximum(dinv * s + b1_ref[...], 0.0)
        g_ref[...] = dinv * jnp.dot(h, w2_ref[...],
                                    preferred_element_type=jnp.float32)

    return pl.pallas_call(
        body,
        out_shape=jax.ShapeDtypeStruct((N, D_out), jnp.float32),
    )(p1, dinv, b1, W2)


def _tc_final(p2, dinv, b2):
    N = dinv.shape[0]
    D_out = p2.shape[2]

    def body(p_ref, dinv_ref, b2_ref, o_ref):
        s = p_ref[0, :N, :] + p_ref[1, :N, :]
        o_ref[...] = dinv_ref[...] * s + b2_ref[...]

    return pl.pallas_call(
        body,
        out_shape=jax.ShapeDtypeStruct((N, D_out), jnp.float32),
    )(p2, dinv, b2)


def kernel(x, edge_index, W1, b1, W2, b2):
    N = x.shape[0]
    E = edge_index.shape[1]
    D_HID = W1.shape[1]
    D_OUT = W2.shape[1]
    Npad = (N // 128 + 1) * 128

    per_w = -(-E // NW)
    CHUNK = 0
    for c in range(128, 63, -1):
        if per_w * NW == E and per_w % c == 0 and (per_w // c) % 4 == 0:
            CHUNK = c
            break
    if CHUNK:
        K = per_w // CHUNK
        src_p = edge_index[0].reshape(NW, K, CHUNK)
        dst_p = edge_index[1].reshape(NW, K, CHUNK)
    else:
        CHUNK = 128
        K = -(-per_w // CHUNK)
        K += (-K) % 4
        pad = NW * K * CHUNK - E
        it = jnp.arange(pad, dtype=jnp.int32)
        src_p = jnp.concatenate([edge_index[0], it % N]).reshape(NW, K, CHUNK)
        dst_p = jnp.concatenate([edge_index[1], N + (it % (Npad - N))]
                                ).reshape(NW, K, CHUNK)

    NZT = Npad // NS
    ones8 = jnp.ones((CHUNK, 8), jnp.float32)
    zeros8 = jnp.zeros((NZT, 8), jnp.float32)
    zeros_h = jnp.zeros((NZT, D_HID), jnp.float32)
    zeros_o = jnp.zeros((NZT, D_OUT), jnp.float32)

    pdeg = _deg_count(Npad, K, CHUNK)(dst_p, ones8, zeros8)
    g1, dinv = _tc_scale_mm(x, W1, pdeg)
    p1 = _seg_sum(N, Npad, K, CHUNK, D_HID)(g1, src_p, dst_p, zeros_h)
    g2 = _tc_mid(p1, dinv, b1.reshape(1, -1), W2)
    p2 = _seg_sum(N, Npad, K, CHUNK, D_OUT)(g2, src_p, dst_p, zeros_o)
    out = _tc_final(p2, dinv, b2.reshape(1, -1))
    return (out, 0)

# --- scband reference (transcript-rebuilt; emitter-appended) ---
"""Pipeline reference for scband-gcnencoder-61718680044347 (READ-ONLY COPY).

The authoritative reference and input builder live on the scoring server;
editing this copy changes nothing except your own understanding.
"""

import jax, jax.numpy as jnp
import numpy as np

N = 10000
E = 320000
D_IN = 128
D_HID = 32   # 2 * out_channels
D_OUT = 16


def _gcn_conv(x, edge_index, W, b):
    # GCNConv with add_self_loops=False: out = D^-1/2 A D^-1/2 (X W) + b
    src = edge_index[0]
    dst = edge_index[1]
    n = x.shape[0]
    # symmetric normalization (edge_weight = 1); PyG gcn_norm uses in-degree on dst
    deg = jnp.zeros((n,), dtype=x.dtype).at[dst].add(1.0)
    deg_inv_sqrt = jnp.where(deg > 0, deg ** -0.5, 0.0)
    norm = deg_inv_sqrt[src] * deg_inv_sqrt[dst]
    h = x @ W
    msg = h[src] * norm[:, None]          # gather (SparseCore)
    out = jnp.zeros((n, W.shape[1]), dtype=x.dtype).at[dst].add(msg)  # scatter-add
    return out + b


def setup_inputs(seed: int = 0) -> dict:
    key = jax.random.key(seed)
    k1, k2, k3, k4, k5, k6 = jax.random.split(key, 6)
    x = jax.random.normal(k1, (N, D_IN), dtype=jnp.float32)
    edge_index = jax.random.randint(k2, (2, E), 0, N, dtype=jnp.int32)
    # glorot-style init for the two GCNConv weight matrices
    W1 = jax.random.normal(k3, (D_IN, D_HID), dtype=jnp.float32) * (2.0 / (D_IN + D_HID)) ** 0.5
    b1 = jnp.zeros((D_HID,), dtype=jnp.float32)
    W2 = jax.random.normal(k4, (D_HID, D_OUT), dtype=jnp.float32) * (2.0 / (D_HID + D_OUT)) ** 0.5
    b2 = jnp.zeros((D_OUT,), dtype=jnp.float32)
    return {"x": x, "edge_index": edge_index, "W1": W1, "b1": b1, "W2": W2, "b2": b2}


def reference(x, edge_index, W1, b1, W2, b2):
    h = jax.nn.relu(_gcn_conv(x, edge_index, W1, b1))
    out = _gcn_conv(h, edge_index, W2, b2)
    return (out, 0)

if __name__ == "__main__":
    import jax
    _d = setup_inputs()
    print(jax.jit(kernel)(*tuple(_d.values())))

</pallas_src>

<mosaic_0001>
#map = affine_map<(d0, d1) -> (0, 0)>
#map1 = affine_map<(d0, d1) -> (0, 0, 0)>
module attributes {stable_mosaic.version = 14 : i64} {
  func.func @kfn(%arg0: i32, %arg1: i32, %arg2: memref<10000x32xf32, #tpu.memory_space<hbm>>, %arg3: memref<32x80x125xi32, #tpu.memory_space<hbm>>, %arg4: memref<32x80x125xi32, #tpu.memory_space<hbm>>, %arg5: memref<632x32xf32, #tpu.memory_space<hbm>>, %arg6: memref<2x10112x32xf32, #tpu.memory_space<hbm>>, %arg7: memref<80x125xi32, #tpu.memory_space<vmem>>, %arg8: memref<80x125xi32, #tpu.memory_space<vmem>>, %arg9: memref<4x125x32xf32, #tpu.memory_space<vmem>>, %arg10: memref<632x32xf32, #tpu.memory_space<vmem>>, %arg11: memref<625x32xf32, #tpu.memory_space<vmem>>, %arg12: memref<10112x32xf32, #tpu.memory_space<vmem_shared>>, %arg13: memref<10000x32xf32, #tpu.memory_space<vmem_shared>>, %arg14: memref<!tpu.dma_semaphore, #tpu.memory_space<semaphore_mem>>, %arg15: memref<!tpu.dma_semaphore, #tpu.memory_space<semaphore_mem>>, %arg16: memref<!tpu.dma_semaphore, #tpu.memory_space<semaphore_mem>>, %arg17: memref<!tpu.dma_semaphore, #tpu.memory_space<semaphore_mem>>, %arg18: memref<!tpu.dma_semaphore, #tpu.memory_space<semaphore_mem>>, %arg19: memref<!tpu.dma_semaphore, #tpu.memory_space<semaphore_mem>>, %arg20: memref<!tpu.dma_semaphore, #tpu.memory_space<semaphore_mem>>, %arg21: memref<!tpu.dma_semaphore, #tpu.memory_space<semaphore_mem>>, %arg22: memref<!tpu.dma_semaphore, #tpu.memory_space<semaphore_mem>>, %arg23: memref<!tpu.dma_semaphore, #tpu.memory_space<semaphore_mem>>, %arg24: memref<!tpu.dma_semaphore, #tpu.memory_space<semaphore_mem>>) attributes {dimension_semantics = [#tpu.dimension_semantics<core_parallel>, #tpu.dimension_semantics<subcore_parallel>], iteration_bounds = array<i64: 2, 16>, scalar_prefetch = 0 : i64, scratch_operands = 18 : i64, tpu.core_type = #tpu.core_type<sc_vector_subcore>, window_params = [{transform_indices = #map}, {transform_indices = #map1}, {transform_indices = #map1}, {transform_indices = #map}, {transform_indices = #map1}]} {
    %mul3A = arith.constant 16 : i32
    %mul3A_0 = arith.muli %arg0, %mul3A : i32
    %add3A = arith.addi %mul3A_0, %arg1 : i32
    %dma_start3A = arith.constant 0 : i32
    %dma_start3A_1 = arith.constant 0 : i32
    %dma_start3A_2 = tpu.memref_slice %arg3[%add3A, %dma_start3A, %dma_start3A_1] : memref<32x80x125xi32, #tpu.memory_space<hbm>> -> memref<1x80x125xi32, #tpu.memory_space<hbm>>
    %dma_start3A_3 = tpu.memref_squeeze %dma_start3A_2 : memref<1x80x125xi32, #tpu.memory_space<hbm>> -> memref<80x125xi32, #tpu.memory_space<hbm>>
    %dma_start3A_4 = arith.constant 0 : i32
    %dma_start3A_5 = arith.constant 0 : i32
    %dma_start3A_6 = tpu.memref_slice %arg3[%add3A, %dma_start3A_4, %dma_start3A_5] : memref<32x80x125xi32, #tpu.memory_space<hbm>> -> memref<1x80x125xi32, #tpu.memory_space<hbm>>
    %dma_start3A_7 = tpu.memref_squeeze %dma_start3A_6 : memref<1x80x125xi32, #tpu.memory_space<hbm>> -> memref<80x125xi32, #tpu.memory_space<hbm>>
    tpu.enqueue_dma source(%dma_start3A_7 : memref<80x125xi32, #tpu.memory_space<hbm>>) target(%arg7 : memref<80x125xi32, #tpu.memory_space<vmem>>) target_semaphore(%arg22 : memref<!tpu.dma_semaphore, #tpu.memory_space<semaphore_mem>>)
    %dma_start3A_8 = arith.constant 0 : i32
    %dma_start3A_9 = arith.constant 0 : i32
    %dma_start3A_10 = tpu.memref_slice %arg4[%add3A, %dma_start3A_8, %dma_start3A_9] : memref<32x80x125xi32, #tpu.memory_space<hbm>> -> memref<1x80x125xi32, #tpu.memory_space<hbm>>
    %dma_start3A_11 = tpu.memref_squeeze %dma_start3A_10 : memref<1x80x125xi32, #tpu.memory_space<hbm>> -> memref<80x125xi32, #tpu.memory_space<hbm>>
    %dma_start3A_12 = arith.constant 0 : i32
    %dma_start3A_13 = arith.constant 0 : i32
    %dma_start3A_14 = tpu.memref_slice %arg4[%add3A, %dma_start3A_12, %dma_start3A_13] : memref<32x80x125xi32, #tpu.memory_space<hbm>> -> memref<1x80x125xi32, #tpu.memory_space<hbm>>
    %dma_start3A_15 = tpu.memref_squeeze %dma_start3A_14 : memref<1x80x125xi32, #tpu.memory_space<hbm>> -> memref<80x125xi32, #tpu.memory_space<hbm>>
    tpu.enqueue_dma source(%dma_start3A_15 : memref<80x125xi32, #tpu.memory_space<hbm>>) target(%arg8 : memref<80x125xi32, #tpu.memory_space<vmem>>) target_semaphore(%arg23 : memref<!tpu.dma_semaphore, #tpu.memory_space<semaphore_mem>>)
    %mul3A_16 = arith.constant 625 : i32
    %mul3A_17 = arith.muli %arg1, %mul3A_16 : i32
    %dma_start3A_18 = arith.constant 0 : i32
    %dma_start3A_19 = tpu.memref_slice %arg2[%mul3A_17, %dma_start3A_18] : memref<10000x32xf32, #tpu.memory_space<hbm>> -> memref<625x32xf32, #tpu.memory_space<hbm>>
    %dma_start3A_20 = arith.constant 0 : i32
    %dma_start3A_21 = tpu.memref_slice %arg2[%mul3A_17, %dma_start3A_20] : memref<10000x32xf32, #tpu.memory_space<hbm>> -> memref<625x32xf32, #tpu.memory_space<hbm>>
    tpu.enqueue_dma source(%dma_start3A_21 : memref<625x32xf32, #tpu.memory_space<hbm>>) target(%arg11 : memref<625x32xf32, #tpu.memory_space<vmem>>) target_semaphore(%arg24 : memref<!tpu.dma_semaphore, #tpu.memory_space<semaphore_mem>>)
    "tpu.region"() ({
      %run_scoped3A = tpu.sem_alloc : memref<!tpu.dma_semaphore, #tpu.memory_space<semaphore_mem>>
      tpu.enqueue_dma source(%arg5 : memref<632x32xf32, #tpu.memory_space<hbm>>) target(%arg10 : memref<632x32xf32, #tpu.memory_space<vmem>>) target_semaphore(%run_scoped3A : memref<!tpu.dma_semaphore, #tpu.memory_space<semaphore_mem>>)
      tpu.wait_dma2 semaphore(%run_scoped3A : memref<!tpu.dma_semaphore, #tpu.memory_space<semaphore_mem>>) src(%arg5 : memref<632x32xf32, #tpu.memory_space<hbm>>) dst(%arg10 : memref<632x32xf32, #tpu.memory_space<vmem>>)
      tpu.yield
    }) : () -> ()
    %mul3A_22 = arith.constant 632 : i32
    %mul3A_23 = arith.muli %arg1, %mul3A_22 : i32
    "tpu.region"() ({
      %run_scoped3A = tpu.sem_alloc : memref<!tpu.dma_semaphore, #tpu.memory_space<semaphore_mem>>
      %dma_start3A_249 = arith.constant 0 : i32
      %dma_start3A_250 = tpu.memref_slice %arg12[%mul3A_23, %dma_start3A_249] : memref<10112x32xf32, #tpu.memory_space<vmem_shared>> -> memref<632x32xf32, #tpu.memory_space<vmem_shared>>
      %dma_start3A_251 = arith.constant 0 : i32
      %dma_start3A_252 = tpu.memref_slice %arg12[%mul3A_23, %dma_start3A_251] : memref<10112x32xf32, #tpu.memory_space<vmem_shared>> -> memref<632x32xf32, #tpu.memory_space<vmem_shared>>
      tpu.enqueue_dma source(%arg10 : memref<632x32xf32, #tpu.memory_space<vmem>>) target(%dma_start3A_252 : memref<632x32xf32, #tpu.memory_space<vmem_shared>>) target_semaphore(%run_scoped3A : memref<!tpu.dma_semaphore, #tpu.memory_space<semaphore_mem>>)
      %dma_wait3A_253 = arith.constant 0 : i32
      %dma_wait3A_254 = tpu.memref_slice %arg12[%mul3A_23, %dma_wait3A_253] : memref<10112x32xf32, #tpu.memory_space<vmem_shared>> -> memref<632x32xf32, #tpu.memory_space<vmem_shared>>
      %dma_wait3A_255 = arith.constant 0 : i32
      %dma_wait3A_256 = tpu.memref_slice %arg12[%mul3A_23, %dma_wait3A_255] : memref<10112x32xf32, #tpu.memory_space<vmem_shared>> -> memref<632x32xf32, #tpu.memory_space<vmem_shared>>
      tpu.wait_dma2 semaphore(%run_scoped3A : memref<!tpu.dma_semaphore, #tpu.memory_space<semaphore_mem>>) src(%arg10 : memref<632x32xf32, #tpu.memory_space<vmem>>) dst(%dma_wait3A_256 : memref<632x32xf32, #tpu.memory_space<vmem_shared>>)
      tpu.yield
    }) : () -> ()
    %mul3A_24 = arith.constant 625 : i32
    %mul3A_25 = arith.muli %arg1, %mul3A_24 : i32
    %dma_wait3A = arith.constant 0 : i32
    %dma_wait3A_26 = tpu.memref_slice %arg2[%mul3A_25, %dma_wait3A] : memref<10000x32xf32, #tpu.memory_space<hbm>> -> memref<625x32xf32, #tpu.memory_space<hbm>>
    %dma_wait3A_27 = arith.constant 0 : i32
    %dma_wait3A_28 = tpu.memref_slice %arg2[%mul3A_25, %dma_wait3A_27] : memref<10000x32xf32, #tpu.memory_space<hbm>> -> memref<625x32xf32, #tpu.memory_space<hbm>>
    tpu.wait_dma2 semaphore(%arg24 : memref<!tpu.dma_semaphore, #tpu.memory_space<semaphore_mem>>) src(%dma_wait3A_28 : memref<625x32xf32, #tpu.memory_space<hbm>>) dst(%arg11 : memref<625x32xf32, #tpu.memory_space<vmem>>)
    %mul3A_29 = arith.constant 625 : i32
    %mul3A_30 = arith.muli %arg1, %mul3A_29 : i32
    "tpu.region"() ({
      %run_scoped3A = tpu.sem_alloc : memref<!tpu.dma_semaphore, #tpu.memory_space<semaphore_mem>>
      %dma_start3A_249 = arith.constant 0 : i32
      %dma_start3A_250 = tpu.memref_slice %arg13[%mul3A_30, %dma_start3A_249] : memref<10000x32xf32, #tpu.memory_space<vmem_shared>> -> memref<625x32xf32, #tpu.memory_space<vmem_shared>>
      %dma_start3A_251 = arith.constant 0 : i32
      %dma_start3A_252 = tpu.memref_slice %arg13[%mul3A_30, %dma_start3A_251] : memref<10000x32xf32, #tpu.memory_space<vmem_shared>> -> memref<625x32xf32, #tpu.memory_space<vmem_shared>>
      tpu.enqueue_dma source(%arg11 : memref<625x32xf32, #tpu.memory_space<vmem>>) target(%dma_start3A_252 : memref<625x32xf32, #tpu.memory_space<vmem_shared>>) target_semaphore(%run_scoped3A : memref<!tpu.dma_semaphore, #tpu.memory_space<semaphore_mem>>)
      %dma_wait3A_253 = arith.constant 0 : i32
      %dma_wait3A_254 = tpu.memref_slice %arg13[%mul3A_30, %dma_wait3A_253] : memref<10000x32xf32, #tpu.memory_space<vmem_shared>> -> memref<625x32xf32, #tpu.memory_space<vmem_shared>>
      %dma_wait3A_255 = arith.constant 0 : i32
      %dma_wait3A_256 = tpu.memref_slice %arg13[%mul3A_30, %dma_wait3A_255] : memref<10000x32xf32, #tpu.memory_space<vmem_shared>> -> memref<625x32xf32, #tpu.memory_space<vmem_shared>>
      tpu.wait_dma2 semaphore(%run_scoped3A : memref<!tpu.dma_semaphore, #tpu.memory_space<semaphore_mem>>) src(%arg11 : memref<625x32xf32, #tpu.memory_space<vmem>>) dst(%dma_wait3A_256 : memref<625x32xf32, #tpu.memory_space<vmem_shared>>)
      tpu.yield
    }) : () -> ()
    %dma_wait3A_31 = arith.constant 0 : i32
    %dma_wait3A_32 = arith.constant 0 : i32
    %dma_wait3A_33 = tpu.memref_slice %arg3[%add3A, %dma_wait3A_31, %dma_wait3A_32] : memref<32x80x125xi32, #tpu.memory_space<hbm>> -> memref<1x80x125xi32, #tpu.memory_space<hbm>>
    %dma_wait3A_34 = tpu.memref_squeeze %dma_wait3A_33 : memref<1x80x125xi32, #tpu.memory_space<hbm>> -> memref<80x125xi32, #tpu.memory_space<hbm>>
    %dma_wait3A_35 = arith.constant 0 : i32
    %dma_wait3A_36 = arith.constant 0 : i32
    %dma_wait3A_37 = tpu.memref_slice %arg3[%add3A, %dma_wait3A_35, %dma_wait3A_36] : memref<32x80x125xi32, #tpu.memory_space<hbm>> -> memref<1x80x125xi32, #tpu.memory_space<hbm>>
    %dma_wait3A_38 = tpu.memref_squeeze %dma_wait3A_37 : memref<1x80x125xi32, #tpu.memory_space<hbm>> -> memref<80x125xi32, #tpu.memory_space<hbm>>
    tpu.wait_dma2 semaphore(%arg22 : memref<!tpu.dma_semaphore, #tpu.memory_space<semaphore_mem>>) src(%dma_wait3A_38 : memref<80x125xi32, #tpu.memory_space<hbm>>) dst(%arg7 : memref<80x125xi32, #tpu.memory_space<vmem>>)
    %dma_wait3A_39 = arith.constant 0 : i32
    %dma_wait3A_40 = arith.constant 0 : i32
    %dma_wait3A_41 = tpu.memref_slice %arg4[%add3A, %dma_wait3A_39, %dma_wait3A_40] : memref<32x80x125xi32, #tpu.memory_space<hbm>> -> memref<1x80x125xi32, #tpu.memory_space<hbm>>
    %dma_wait3A_42 = tpu.memref_squeeze %dma_wait3A_41 : memref<1x80x125xi32, #tpu.memory_space<hbm>> -> memref<80x125xi32, #tpu.memory_space<hbm>>
    %dma_wait3A_43 = arith.constant 0 : i32
    %dma_wait3A_44 = arith.constant 0 : i32
    %dma_wait3A_45 = tpu.memref_slice %arg4[%add3A, %dma_wait3A_43, %dma_wait3A_44] : memref<32x80x125xi32, #tpu.memory_space<hbm>> -> memref<1x80x125xi32, #tpu.memory_space<hbm>>
    %dma_wait3A_46 = tpu.memref_squeeze %dma_wait3A_45 : memref<1x80x125xi32, #tpu.memory_space<hbm>> -> memref<80x125xi32, #tpu.memory_space<hbm>>
    tpu.wait_dma2 semaphore(%arg23 : memref<!tpu.dma_semaphore, #tpu.memory_space<semaphore_mem>>) src(%dma_wait3A_46 : memref<80x125xi32, #tpu.memory_space<hbm>>) dst(%arg8 : memref<80x125xi32, #tpu.memory_space<vmem>>)
    %barrier3A = arith.constant 0 : index
    tpu.barrier barrier_id(%barrier3A)
    %dma_start3A_47 = arith.constant 0 : i32
    %dma_start3A_48 = arith.constant 0 : i32
    %dma_start3A_49 = arith.constant 0 : i32
    %dma_start3A_50 = arith.constant 0 : i32
    %dma_start3A_51 = tpu.memref_slice %arg9[%dma_start3A_48, %dma_start3A_49, %dma_start3A_50] : memref<4x125x32xf32, #tpu.memory_space<vmem>> -> memref<1x125x32xf32, #tpu.memory_space<vmem>>
    %dma_start3A_52 = tpu.memref_squeeze %dma_start3A_51 : memref<1x125x32xf32, #tpu.memory_space<vmem>> -> memref<125x32xf32, #tpu.memory_space<vmem>>
    %dma_start3A_53 = arith.constant 0 : i32
    %dma_start3A_54 = tpu.memref_slice %arg7[%dma_start3A_47, %dma_start3A_53] : memref<80x125xi32, #tpu.memory_space<vmem>> -> memref<1x125xi32, #tpu.memory_space<vmem>>
    %dma_start3A_55 = tpu.memref_squeeze %dma_start3A_54 : memref<1x125xi32, #tpu.memory_space<vmem>> -> memref<125xi32, #tpu.memory_space<vmem>>
    %dma_start3A_56 = arith.constant 0 : i32
    %dma_start3A_57 = arith.constant 0 : i32
    %dma_start3A_58 = tpu.memref_slice %arg13[%dma_start3A_56, %dma_start3A_57] : memref<10000x32xf32, #tpu.memory_space<vmem_shared>> -> memref<10000x32xf32, #tpu.memory_space<vmem_shared>>
    tpu.enqueue_indirect_dma source(%dma_start3A_58 : memref<10000x32xf32, #tpu.memory_space<vmem_shared>>) target(%dma_start3A_52 : memref<125x32xf32, #tpu.memory_space<vmem>>) offsets(%dma_start3A_55 : memref<125xi32, #tpu.memory_space<vmem>>) semaphore(%arg14 : memref<!tpu.dma_semaphore, #tpu.memory_space<semaphore_mem>>)
    %dma_start3A_59 = arith.constant 1 : i32
    %dma_start3A_60 = arith.constant 1 : i32
    %dma_start3A_61 = arith.constant 0 : i32
    %dma_start3A_62 = arith.constant 0 : i32
    %dma_start3A_63 = tpu.memref_slice %arg9[%dma_start3A_60, %dma_start3A_61, %dma_start3A_62] : memref<4x125x32xf32, #tpu.memory_space<vmem>> -> memref<1x125x32xf32, #tpu.memory_space<vmem>>
    %dma_start3A_64 = tpu.memref_squeeze %dma_start3A_63 : memref<1x125x32xf32, #tpu.memory_space<vmem>> -> memref<125x32xf32, #tpu.memory_space<vmem>>
    %dma_start3A_65 = arith.constant 0 : i32
    %dma_start3A_66 = tpu.memref_slice %arg7[%dma_start3A_59, %dma_start3A_65] : memref<80x125xi32, #tpu.memory_space<vmem>> -> memref<1x125xi32, #tpu.memory_space<vmem>>
    %dma_start3A_67 = tpu.memref_squeeze %dma_start3A_66 : memref<1x125xi32, #tpu.memory_space<vmem>> -> memref<125xi32, #tpu.memory_space<vmem>>
    %dma_start3A_68 = arith.constant 0 : i32
    %dma_start3A_69 = arith.constant 0 : i32
    %dma_start3A_70 = tpu.memref_slice %arg13[%dma_start3A_68, %dma_start3A_69] : memref<10000x32xf32, #tpu.memory_space<vmem_shared>> -> memref<10000x32xf32, #tpu.memory_space<vmem_shared>>
    tpu.enqueue_indirect_dma source(%dma_start3A_70 : memref<10000x32xf32, #tpu.memory_space<vmem_shared>>) target(%dma_start3A_64 : memref<125x32xf32, #tpu.memory_space<vmem>>) offsets(%dma_start3A_67 : memref<125xi32, #tpu.memory_space<vmem>>) semaphore(%arg15 : memref<!tpu.dma_semaphore, #tpu.memory_space<semaphore_mem>>)
    %dma_wait3A_71 = arith.constant 0 : i32
    %dma_wait3A_72 = arith.constant 0 : i32
    %dma_wait3A_73 = arith.constant 0 : i32
    %dma_wait3A_74 = arith.constant 0 : i32
    %dma_wait3A_75 = tpu.memref_slice %arg9[%dma_wait3A_72, %dma_wait3A_73, %dma_wait3A_74] : memref<4x125x32xf32, #tpu.memory_space<vmem>> -> memref<1x125x32xf32, #tpu.memory_space<vmem>>
    %dma_wait3A_76 = tpu.memref_squeeze %dma_wait3A_75 : memref<1x125x32xf32, #tpu.memory_space<vmem>> -> memref<125x32xf32, #tpu.memory_space<vmem>>
    %dma_wait3A_77 = arith.constant 0 : i32
    %dma_wait3A_78 = tpu.memref_slice %arg7[%dma_wait3A_71, %dma_wait3A_77] : memref<80x125xi32, #tpu.memory_space<vmem>> -> memref<1x125xi32, #tpu.memory_space<vmem>>
    %dma_wait3A_79 = tpu.memref_squeeze %dma_wait3A_78 : memref<1x125xi32, #tpu.memory_space<vmem>> -> memref<125xi32, #tpu.memory_space<vmem>>
    %dma_wait3A_80 = arith.constant 0 : i32
    %dma_wait3A_81 = arith.constant 0 : i32
    %dma_wait3A_82 = tpu.memref_slice %arg13[%dma_wait3A_80, %dma_wait3A_81] : memref<10000x32xf32, #tpu.memory_space<vmem_shared>> -> memref<10000x32xf32, #tpu.memory_space<vmem_shared>>
    tpu.wait_indirect_dma semaphore(%arg14 : memref<!tpu.dma_semaphore, #tpu.memory_space<semaphore_mem>>) src(%dma_wait3A_82 : memref<10000x32xf32, #tpu.memory_space<vmem_shared>>) dst(%dma_wait3A_76 : memref<125x32xf32, #tpu.memory_space<vmem>>)
    %dma_start3A_83 = arith.constant 0 : i32
    %dma_start3A_84 = arith.constant 0 : i32
    %dma_start3A_85 = arith.constant 0 : i32
    %dma_start3A_86 = arith.constant 0 : i32
    %dma_start3A_87 = tpu.memref_slice %arg9[%dma_start3A_83, %dma_start3A_85, %dma_start3A_86] : memref<4x125x32xf32, #tpu.memory_space<vmem>> -> memref<1x125x32xf32, #tpu.memory_space<vmem>>
    %dma_start3A_88 = tpu.memref_squeeze %dma_start3A_87 : memref<1x125x32xf32, #tpu.memory_space<vmem>> -> memref<125x32xf32, #tpu.memory_space<vmem>>
    %dma_start3A_89 = arith.constant 0 : i32
    %dma_start3A_90 = tpu.memref_slice %arg8[%dma_start3A_84, %dma_start3A_89] : memref<80x125xi32, #tpu.memory_space<vmem>> -> memref<1x125xi32, #tpu.memory_space<vmem>>
    %dma_start3A_91 = tpu.memref_squeeze %dma_start3A_90 : memref<1x125xi32, #tpu.memory_space<vmem>> -> memref<125xi32, #tpu.memory_space<vmem>>
    %dma_start3A_92 = arith.constant 0 : i32
    %dma_start3A_93 = arith.constant 0 : i32
    %dma_start3A_94 = tpu.memref_slice %arg12[%dma_start3A_92, %dma_start3A_93] : memref<10112x32xf32, #tpu.memory_space<vmem_shared>> -> memref<10112x32xf32, #tpu.memory_space<vmem_shared>>
    tpu.enqueue_indirect_dma source(%dma_start3A_88 : memref<125x32xf32, #tpu.memory_space<vmem>>) target(%dma_start3A_94 : memref<10112x32xf32, #tpu.memory_space<vmem_shared>>) offsets(%dma_start3A_91 : memref<125xi32, #tpu.memory_space<vmem>>) semaphore(%arg18 : memref<!tpu.dma_semaphore, #tpu.memory_space<semaphore_mem>>) {add = true}
    %dma_start3A_95 = arith.constant 2 : i32
    %dma_start3A_96 = arith.constant 2 : i32
    %dma_start3A_97 = arith.constant 0 : i32
    %dma_start3A_98 = arith.constant 0 : i32
    %dma_start3A_99 = tpu.memref_slice %arg9[%dma_start3A_96, %dma_start3A_97, %dma_start3A_98] : memref<4x125x32xf32, #tpu.memory_space<vmem>> -> memref<1x125x32xf32, #tpu.memory_space<vmem>>
    %dma_start3A_100 = tpu.memref_squeeze %dma_start3A_99 : memref<1x125x32xf32, #tpu.memory_space<vmem>> -> memref<125x32xf32, #tpu.memory_space<vmem>>
    %dma_start3A_101 = arith.constant 0 : i32
    %dma_start3A_102 = tpu.memref_slice %arg7[%dma_start3A_95, %dma_start3A_101] : memref<80x125xi32, #tpu.memory_space<vmem>> -> memref<1x125xi32, #tpu.memory_space<vmem>>
    %dma_start3A_103 = tpu.memref_squeeze %dma_start3A_102 : memref<1x125xi32, #tpu.memory_space<vmem>> -> memref<125xi32, #tpu.memory_space<vmem>>
    %dma_start3A_104 = arith.constant 0 : i32
    %dma_start3A_105 = arith.constant 0 : i32
    %dma_start3A_106 = tpu.memref_slice %arg13[%dma_start3A_104, %dma_start3A_105] : memref<10000x32xf32, #tpu.memory_space<vmem_shared>> -> memref<10000x32xf32, #tpu.memory_space<vmem_shared>>
    tpu.enqueue_indirect_dma source(%dma_start3A_106 : memref<10000x32xf32, #tpu.memory_space<vmem_shared>>) target(%dma_start3A_100 : memref<125x32xf32, #tpu.memory_space<vmem>>) offsets(%dma_start3A_103 : memref<125xi32, #tpu.memory_space<vmem>>) semaphore(%arg16 : memref<!tpu.dma_semaphore, #tpu.memory_space<semaphore_mem>>)
    %dma_wait3A_107 = arith.constant 0 : i32
    %dma_wait3A_108 = arith.constant 1 : i32
    %dma_wait3A_109 = arith.constant 0 : i32
    %dma_wait3A_110 = arith.constant 0 : i32
    %dma_wait3A_111 = tpu.memref_slice %arg9[%dma_wait3A_108, %dma_wait3A_109, %dma_wait3A_110] : memref<4x125x32xf32, #tpu.memory_space<vmem>> -> memref<1x125x32xf32, #tpu.memory_space<vmem>>
    %dma_wait3A_112 = tpu.memref_squeeze %dma_wait3A_111 : memref<1x125x32xf32, #tpu.memory_space<vmem>> -> memref<125x32xf32, #tpu.memory_space<vmem>>
    %dma_wait3A_113 = arith.constant 0 : i32
    %dma_wait3A_114 = tpu.memref_slice %arg7[%dma_wait3A_107, %dma_wait3A_113] : memref<80x125xi32, #tpu.memory_space<vmem>> -> memref<1x125xi32, #tpu.memory_space<vmem>>
    %dma_wait3A_115 = tpu.memref_squeeze %dma_wait3A_114 : memref<1x125xi32, #tpu.memory_space<vmem>> -> memref<125xi32, #tpu.memory_space<vmem>>
    %dma_wait3A_116 = arith.constant 0 : i32
    %dma_wait3A_117 = arith.constant 0 : i32
    %dma_wait3A_118 = tpu.memref_slice %arg13[%dma_wait3A_116, %dma_wait3A_117] : memref<10000x32xf32, #tpu.memory_space<vmem_shared>> -> memref<10000x32xf32, #tpu.memory_space<vmem_shared>>
    tpu.wait_indirect_dma semaphore(%arg15 : memref<!tpu.dma_semaphore, #tpu.memory_space<semaphore_mem>>) src(%dma_wait3A_118 : memref<10000x32xf32, #tpu.memory_space<vmem_shared>>) dst(%dma_wait3A_112 : memref<125x32xf32, #tpu.memory_space<vmem>>)
    %dma_start3A_119 = arith.constant 1 : i32
    %dma_start3A_120 = arith.constant 1 : i32
    %dma_start3A_121 = arith.constant 0 : i32
    %dma_start3A_122 = arith.constant 0 : i32
    %dma_start3A_123 = tpu.memref_slice %arg9[%dma_start3A_119, %dma_start3A_121, %dma_start3A_122] : memref<4x125x32xf32, #tpu.memory_space<vmem>> -> memref<1x125x32xf32, #tpu.memory_space<vmem>>
    %dma_start3A_124 = tpu.memref_squeeze %dma_start3A_123 : memref<1x125x32xf32, #tpu.memory_space<vmem>> -> memref<125x32xf32, #tpu.memory_space<vmem>>
    %dma_start3A_125 = arith.constant 0 : i32
    %dma_start3A_126 = tpu.memref_slice %arg8[%dma_start3A_120, %dma_start3A_125] : memref<80x125xi32, #tpu.memory_space<vmem>> -> memref<1x125xi32, #tpu.memory_space<vmem>>
    %dma_start3A_127 = tpu.memref_squeeze %dma_start3A_126 : memref<1x125xi32, #tpu.memory_space<vmem>> -> memref<125xi32, #tpu.memory_space<vmem>>
    %dma_start3A_128 = arith.constant 0 : i32
    %dma_start3A_129 = arith.constant 0 : i32
    %dma_start3A_130 = tpu.memref_slice %arg12[%dma_start3A_128, %dma_start3A_129] : memref<10112x32xf32, #tpu.memory_space<vmem_shared>> -> memref<10112x32xf32, #tpu.memory_space<vmem_shared>>
    tpu.enqueue_indirect_dma source(%dma_start3A_124 : memref<125x32xf32, #tpu.memory_space<vmem>>) target(%dma_start3A_130 : memref<10112x32xf32, #tpu.memory_space<vmem_shared>>) offsets(%dma_start3A_127 : memref<125xi32, #tpu.memory_space<vmem>>) semaphore(%arg19 : memref<!tpu.dma_semaphore, #tpu.memory_space<semaphore_mem>>) {add = true}
    %dma_start3A_131 = arith.constant 3 : i32
    %dma_start3A_132 = arith.constant 3 : i32
    %dma_start3A_133 = arith.constant 0 : i32
    %dma_start3A_134 = arith.constant 0 : i32
    %dma_start3A_135 = tpu.memref_slice %arg9[%dma_start3A_132, %dma_start3A_133, %dma_start3A_134] : memref<4x125x32xf32, #tpu.memory_space<vmem>> -> memref<1x125x32xf32, #tpu.memory_space<vmem>>
    %dma_start3A_136 = tpu.memref_squeeze %dma_start3A_135 : memref<1x125x32xf32, #tpu.memory_space<vmem>> -> memref<125x32xf32, #tpu.memory_space<vmem>>
    %dma_start3A_137 = arith.constant 0 : i32
    %dma_start3A_138 = tpu.memref_slice %arg7[%dma_start3A_131, %dma_start3A_137] : memref<80x125xi32, #tpu.memory_space<vmem>> -> memref<1x125xi32, #tpu.memory_space<vmem>>
    %dma_start3A_139 = tpu.memref_squeeze %dma_start3A_138 : memref<1x125xi32, #tpu.memory_space<vmem>> -> memref<125xi32, #tpu.memory_space<vmem>>
    %dma_start3A_140 = arith.constant 0 : i32
    %dma_start3A_141 = arith.constant 0 : i32
    %dma_start3A_142 = tpu.memref_slice %arg13[%dma_start3A_140, %dma_start3A_141] : memref<10000x32xf32, #tpu.memory_space<vmem_shared>> -> memref<10000x32xf32, #tpu.memory_space<vmem_shared>>
    tpu.enqueue_indirect_dma source(%dma_start3A_142 : memref<10000x32xf32, #tpu.memory_space<vmem_shared>>) target(%dma_start3A_136 : memref<125x32xf32, #tpu.memory_space<vmem>>) offsets(%dma_start3A_139 : memref<125xi32, #tpu.memory_space<vmem>>) semaphore(%arg17 : memref<!tpu.dma_semaphore, #tpu.memory_space<semaphore_mem>>)
    %scan3A = arith.constant 0 : i32
    %scan3A_143 = arith.constant 0 : i32
    %scan3A_144 = arith.constant 19 : i32
    %scan3A_145 = arith.addi %scan3A_143, %scan3A_144 : i32
    %scan3A_146 = arith.constant 1 : i32
    scf.for %scan3A_249 = %scan3A_143 to %scan3A_145 step %scan3A_146  : i32 {
      %mul3A_250 = arith.constant 4 : i32
      %mul3A_251 = arith.muli %mul3A_250, %scan3A_249 : i32
      %add3A_252 = arith.constant 2 : i32
      %add3A_253 = arith.addi %mul3A_251, %add3A_252 : i32
      %dma_wait3A_254 = arith.constant 0 : i32
      %dma_wait3A_255 = arith.constant 2 : i32
      %dma_wait3A_256 = arith.constant 0 : i32
      %dma_wait3A_257 = arith.constant 0 : i32
      %dma_wait3A_258 = tpu.memref_slice %arg9[%dma_wait3A_255, %dma_wait3A_256, %dma_wait3A_257] : memref<4x125x32xf32, #tpu.memory_space<vmem>> -> memref<1x125x32xf32, #tpu.memory_space<vmem>>
      %dma_wait3A_259 = tpu.memref_squeeze %dma_wait3A_258 : memref<1x125x32xf32, #tpu.memory_space<vmem>> -> memref<125x32xf32, #tpu.memory_space<vmem>>
      %dma_wait3A_260 = arith.constant 0 : i32
      %dma_wait3A_261 = tpu.memref_slice %arg7[%dma_wait3A_254, %dma_wait3A_260] : memref<80x125xi32, #tpu.memory_space<vmem>> -> memref<1x125xi32, #tpu.memory_space<vmem>>
      %dma_wait3A_262 = tpu.memref_squeeze %dma_wait3A_261 : memref<1x125xi32, #tpu.memory_space<vmem>> -> memref<125xi32, #tpu.memory_space<vmem>>
      %dma_wait3A_263 = arith.constant 0 : i32
      %dma_wait3A_264 = arith.constant 0 : i32
      %dma_wait3A_265 = tpu.memref_slice %arg13[%dma_wait3A_263, %dma_wait3A_264] : memref<10000x32xf32, #tpu.memory_space<vmem_shared>> -> memref<10000x32xf32, #tpu.memory_space<vmem_shared>>
      tpu.wait_indirect_dma semaphore(%arg16 : memref<!tpu.dma_semaphore, #tpu.memory_space<semaphore_mem>>) src(%dma_wait3A_265 : memref<10000x32xf32, #tpu.memory_space<vmem_shared>>) dst(%dma_wait3A_259 : memref<125x32xf32, #tpu.memory_space<vmem>>)
      %add3A_266 = arith.constant 0 : i32
      %add3A_267 = arith.addi %add3A_253, %add3A_266 : i32
      %dma_start3A_268 = arith.constant 2 : i32
      %dma_start3A_269 = arith.constant 0 : i32
      %dma_start3A_270 = arith.constant 0 : i32
      %dma_start3A_271 = tpu.memref_slice %arg9[%dma_start3A_268, %dma_start3A_269, %dma_start3A_270] : memref<4x125x32xf32, #tpu.memory_space<vmem>> -> memref<1x125x32xf32, #tpu.memory_space<vmem>>
      %dma_start3A_272 = tpu.memref_squeeze %dma_start3A_271 : memref<1x125x32xf32, #tpu.memory_space<vmem>> -> memref<125x32xf32, #tpu.memory_space<vmem>>
      %dma_start3A_273 = arith.constant 0 : i32
      %dma_start3A_274 = tpu.memref_slice %arg8[%add3A_267, %dma_start3A_273] : memref<80x125xi32, #tpu.memory_space<vmem>> -> memref<1x125xi32, #tpu.memory_space<vmem>>
      %dma_start3A_275 = tpu.memref_squeeze %dma_start3A_274 : memref<1x125xi32, #tpu.memory_space<vmem>> -> memref<125xi32, #tpu.memory_space<vmem>>
      %dma_start3A_276 = arith.constant 0 : i32
      %dma_start3A_277 = arith.constant 0 : i32
      %dma_start3A_278 = tpu.memref_slice %arg12[%dma_start3A_276, %dma_start3A_277] : memref<10112x32xf32, #tpu.memory_space<vmem_shared>> -> memref<10112x32xf32, #tpu.memory_space<vmem_shared>>
      tpu.enqueue_indirect_dma source(%dma_start3A_272 : memref<125x32xf32, #tpu.memory_space<vmem>>) target(%dma_start3A_278 : memref<10112x32xf32, #tpu.memory_space<vmem_shared>>) offsets(%dma_start3A_275 : memref<125xi32, #tpu.memory_space<vmem>>) semaphore(%arg20 : memref<!tpu.dma_semaphore, #tpu.memory_space<semaphore_mem>>) {add = true}
      %dma_wait3A_279 = arith.constant 0 : i32
      %dma_wait3A_280 = arith.constant 0 : i32
      %dma_wait3A_281 = arith.constant 0 : i32
      %dma_wait3A_282 = arith.constant 0 : i32
      %dma_wait3A_283 = tpu.memref_slice %arg9[%dma_wait3A_279, %dma_wait3A_281, %dma_wait3A_282] : memref<4x125x32xf32, #tpu.memory_space<vmem>> -> memref<1x125x32xf32, #tpu.memory_space<vmem>>
      %dma_wait3A_284 = tpu.memref_squeeze %dma_wait3A_283 : memref<1x125x32xf32, #tpu.memory_space<vmem>> -> memref<125x32xf32, #tpu.memory_space<vmem>>
      %dma_wait3A_285 = arith.constant 0 : i32
      %dma_wait3A_286 = tpu.memref_slice %arg8[%dma_wait3A_280, %dma_wait3A_285] : memref<80x125xi32, #tpu.memory_space<vmem>> -> memref<1x125xi32, #tpu.memory_space<vmem>>
      %dma_wait3A_287 = tpu.memref_squeeze %dma_wait3A_286 : memref<1x125xi32, #tpu.memory_space<vmem>> -> memref<125xi32, #tpu.memory_space<vmem>>
      %dma_wait3A_288 = arith.constant 0 : i32
      %dma_wait3A_289 = arith.constant 0 : i32
      %dma_wait3A_290 = tpu.memref_slice %arg12[%dma_wait3A_288, %dma_wait3A_289] : memref<10112x32xf32, #tpu.memory_space<vmem_shared>> -> memref<10112x32xf32, #tpu.memory_space<vmem_shared>>
      tpu.wait_indirect_dma semaphore(%arg18 : memref<!tpu.dma_semaphore, #tpu.memory_space<semaphore_mem>>) src(%dma_wait3A_284 : memref<125x32xf32, #tpu.memory_space<vmem>>) dst(%dma_wait3A_290 : memref<10112x32xf32, #tpu.memory_space<vmem_shared>>)
      %add3A_291 = arith.constant 0 : i32
      %add3A_292 = arith.addi %add3A_253, %add3A_291 : i32
      %add3A_293 = arith.constant 2 : i32
      %add3A_294 = arith.addi %add3A_292, %add3A_293 : i32
      %dma_start3A_295 = arith.constant 0 : i32
      %dma_start3A_296 = arith.constant 0 : i32
      %dma_start3A_297 = arith.constant 0 : i32
      %dma_start3A_298 = tpu.memref_slice %arg9[%dma_start3A_295, %dma_start3A_296, %dma_start3A_297] : memref<4x125x32xf32, #tpu.memory_space<vmem>> -> memref<1x125x32xf32, #tpu.memory_space<vmem>>
      %dma_start3A_299 = tpu.memref_squeeze %dma_start3A_298 : memref<1x125x32xf32, #tpu.memory_space<vmem>> -> memref<125x32xf32, #tpu.memory_space<vmem>>
      %dma_start3A_300 = arith.constant 0 : i32
      %dma_start3A_301 = tpu.memref_slice %arg7[%add3A_294, %dma_start3A_300] : memref<80x125xi32, #tpu.memory_space<vmem>> -> memref<1x125xi32, #tpu.memory_space<vmem>>
      %dma_start3A_302 = tpu.memref_squeeze %dma_start3A_301 : memref<1x125xi32, #tpu.memory_space<vmem>> -> memref<125xi32, #tpu.memory_space<vmem>>
      %dma_start3A_303 = arith.constant 0 : i32
      %dma_start3A_304 = arith.constant 0 : i32
      %dma_start3A_305 = tpu.memref_slice %arg13[%dma_start3A_303, %dma_start3A_304] : memref<10000x32xf32, #tpu.memory_space<vmem_shared>> -> memref<10000x32xf32, #tpu.memory_space<vmem_shared>>
      tpu.enqueue_indirect_dma source(%dma_start3A_305 : memref<10000x32xf32, #tpu.memory_space<vmem_shared>>) target(%dma_start3A_299 : memref<125x32xf32, #tpu.memory_space<vmem>>) offsets(%dma_start3A_302 : memref<125xi32, #tpu.memory_space<vmem>>) semaphore(%arg14 : memref<!tpu.dma_semaphore, #tpu.memory_space<semaphore_mem>>)
      %dma_wait3A_306 = arith.constant 0 : i32
      %dma_wait3A_307 = arith.constant 3 : i32
      %dma_wait3A_308 = arith.constant 0 : i32
      %dma_wait3A_309 = arith.constant 0 : i32
      %dma_wait3A_310 = tpu.memref_slice %arg9[%dma_wait3A_307, %dma_wait3A_308, %dma_wait3A_309] : memref<4x125x32xf32, #tpu.memory_space<vmem>> -> memref<1x125x32xf32, #tpu.memory_space<vmem>>
      %dma_wait3A_311 = tpu.memref_squeeze %dma_wait3A_310 : memref<1x125x32xf32, #tpu.memory_space<vmem>> -> memref<125x32xf32, #tpu.memory_space<vmem>>
      %dma_wait3A_312 = arith.constant 0 : i32
      %dma_wait3A_313 = tpu.memref_slice %arg7[%dma_wait3A_306, %dma_wait3A_312] : memref<80x125xi32, #tpu.memory_space<vmem>> -> memref<1x125xi32, #tpu.memory_space<vmem>>
      %dma_wait3A_314 = tpu.memref_squeeze %dma_wait3A_313 : memref<1x125xi32, #tpu.memory_space<vmem>> -> memref<125xi32, #tpu.memory_space<vmem>>
      %dma_wait3A_315 = arith.constant 0 : i32
      %dma_wait3A_316 = arith.constant 0 : i32
      %dma_wait3A_317 = tpu.memref_slice %arg13[%dma_wait3A_315, %dma_wait3A_316] : memref<10000x32xf32, #tpu.memory_space<vmem_shared>> -> memref<10000x32xf32, #tpu.memory_space<vmem_shared>>
      tpu.wait_indirect_dma semaphore(%arg17 : memref<!tpu.dma_semaphore, #tpu.memory_space<semaphore_mem>>) src(%dma_wait3A_317 : memref<10000x32xf32, #tpu.memory_space<vmem_shared>>) dst(%dma_wait3A_311 : memref<125x32xf32, #tpu.memory_space<vmem>>)
      %add3A_318 = arith.constant 1 : i32
      %add3A_319 = arith.addi %add3A_253, %add3A_318 : i32
      %dma_start3A_320 = arith.constant 3 : i32
      %dma_start3A_321 = arith.constant 0 : i32
      %dma_start3A_322 = arith.constant 0 : i32
      %dma_start3A_323 = tpu.memref_slice %arg9[%dma_start3A_320, %dma_start3A_321, %dma_start3A_322] : memref<4x125x32xf32, #tpu.memory_space<vmem>> -> memref<1x125x32xf32, #tpu.memory_space<vmem>>
      %dma_start3A_324 = tpu.memref_squeeze %dma_start3A_323 : memref<1x125x32xf32, #tpu.memory_space<vmem>> -> memref<125x32xf32, #tpu.memory_space<vmem>>
      %dma_start3A_325 = arith.constant 0 : i32
      %dma_start3A_326 = tpu.memref_slice %arg8[%add3A_319, %dma_start3A_325] : memref<80x125xi32, #tpu.memory_space<vmem>> -> memref<1x125xi32, #tpu.memory_space<vmem>>
      %dma_start3A_327 = tpu.memref_squeeze %dma_start3A_326 : memref<1x125xi32, #tpu.memory_space<vmem>> -> memref<125xi32, #tpu.memory_space<vmem>>
      %dma_start3A_328 = arith.constant 0 : i32
      %dma_start3A_329 = arith.constant 0 : i32
      %dma_start3A_330 = tpu.memref_slice %arg12[%dma_start3A_328, %dma_start3A_329] : memref<10112x32xf32, #tpu.memory_space<vmem_shared>> -> memref<10112x32xf32, #tpu.memory_space<vmem_shared>>
      tpu.enqueue_indirect_dma source(%dma_start3A_324 : memref<125x32xf32, #tpu.memory_space<vmem>>) target(%dma_start3A_330 : memref<10112x32xf32, #tpu.memory_space<vmem_shared>>) offsets(%dma_start3A_327 : memref<125xi32, #tpu.memory_space<vmem>>) semaphore(%arg21 : memref<!tpu.dma_semaphore, #tpu.memory_space<semaphore_mem>>) {add = true}
      %dma_wait3A_331 = arith.constant 1 : i32
      %dma_wait3A_332 = arith.constant 0 : i32
      %dma_wait3A_333 = arith.constant 0 : i32
      %dma_wait3A_334 = arith.constant 0 : i32
      %dma_wait3A_335 = tpu.memref_slice %arg9[%dma_wait3A_331, %dma_wait3A_333, %dma_wait3A_334] : memref<4x125x32xf32, #tpu.memory_space<vmem>> -> memref<1x125x32xf32, #tpu.memory_space<vmem>>
      %dma_wait3A_336 = tpu.memref_squeeze %dma_wait3A_335 : memref<1x125x32xf32, #tpu.memory_space<vmem>> -> memref<125x32xf32, #tpu.memory_space<vmem>>
      %dma_wait3A_337 = arith.constant 0 : i32
      %dma_wait3A_338 = tpu.memref_slice %arg8[%dma_wait3A_332, %dma_wait3A_337] : memref<80x125xi32, #tpu.memory_space<vmem>> -> memref<1x125xi32, #tpu.memory_space<vmem>>
      %dma_wait3A_339 = tpu.memref_squeeze %dma_wait3A_338 : memref<1x125xi32, #tpu.memory_space<vmem>> -> memref<125xi32, #tpu.memory_space<vmem>>
      %dma_wait3A_340 = arith.constant 0 : i32
      %dma_wait3A_341 = arith.constant 0 : i32
      %dma_wait3A_342 = tpu.memref_slice %arg12[%dma_wait3A_340, %dma_wait3A_341] : memref<10112x32xf32, #tpu.memory_space<vmem_shared>> -> memref<10112x32xf32, #tpu.memory_space<vmem_shared>>
      tpu.wait_indirect_dma semaphore(%arg19 : memref<!tpu.dma_semaphore, #tpu.memory_space<semaphore_mem>>) src(%dma_wait3A_336 : memref<125x32xf32, #tpu.memory_space<vmem>>) dst(%dma_wait3A_342 : memref<10112x32xf32, #tpu.memory_space<vmem_shared>>)
      %add3A_343 = arith.constant 1 : i32
      %add3A_344 = arith.addi %add3A_253, %add3A_343 : i32
      %add3A_345 = arith.constant 2 : i32
      %add3A_346 = arith.addi %add3A_344, %add3A_345 : i32
      %dma_start3A_347 = arith.constant 1 : i32
      %dma_start3A_348 = arith.constant 0 : i32
      %dma_start3A_349 = arith.constant 0 : i32
      %dma_start3A_350 = tpu.memref_slice %arg9[%dma_start3A_347, %dma_start3A_348, %dma_start3A_349] : memref<4x125x32xf32, #tpu.memory_space<vmem>> -> memref<1x125x32xf32, #tpu.memory_space<vmem>>
      %dma_start3A_351 = tpu.memref_squeeze %dma_start3A_350 : memref<1x125x32xf32, #tpu.memory_space<vmem>> -> memref<125x32xf32, #tpu.memory_space<vmem>>
      %dma_start3A_352 = arith.constant 0 : i32
      %dma_start3A_353 = tpu.memref_slice %arg7[%add3A_346, %dma_start3A_352] : memref<80x125xi32, #tpu.memory_space<vmem>> -> memref<1x125xi32, #tpu.memory_space<vmem>>
      %dma_start3A_354 = tpu.memref_squeeze %dma_start3A_353 : memref<1x125xi32, #tpu.memory_space<vmem>> -> memref<125xi32, #tpu.memory_space<vmem>>
      %dma_start3A_355 = arith.constant 0 : i32
      %dma_start3A_356 = arith.constant 0 : i32
      %dma_start3A_357 = tpu.memref_slice %arg13[%dma_start3A_355, %dma_start3A_356] : memref<10000x32xf32, #tpu.memory_space<vmem_shared>> -> memref<10000x32xf32, #tpu.memory_space<vmem_shared>>
      tpu.enqueue_indirect_dma source(%dma_start3A_357 : memref<10000x32xf32, #tpu.memory_space<vmem_shared>>) target(%dma_start3A_351 : memref<125x32xf32, #tpu.memory_space<vmem>>) offsets(%dma_start3A_354 : memref<125xi32, #tpu.memory_space<vmem>>) semaphore(%arg15 : memref<!tpu.dma_semaphore, #tpu.memory_space<semaphore_mem>>)
      %dma_wait3A_358 = arith.constant 0 : i32
      %dma_wait3A_359 = arith.constant 0 : i32
      %dma_wait3A_360 = arith.constant 0 : i32
      %dma_wait3A_361 = arith.constant 0 : i32
      %dma_wait3A_362 = tpu.memref_slice %arg9[%dma_wait3A_359, %dma_wait3A_360, %dma_wait3A_361] : memref<4x125x32xf32, #tpu.memory_space<vmem>> -> memref<1x125x32xf32, #tpu.memory_space<vmem>>
      %dma_wait3A_363 = tpu.memref_squeeze %dma_wait3A_362 : memref<1x125x32xf32, #tpu.memory_space<vmem>> -> memref<125x32xf32, #tpu.memory_space<vmem>>
      %dma_wait3A_364 = arith.constant 0 : i32
      %dma_wait3A_365 = tpu.memref_slice %arg7[%dma_wait3A_358, %dma_wait3A_364] : memref<80x125xi32, #tpu.memory_space<vmem>> -> memref<1x125xi32, #tpu.memory_space<vmem>>
      %dma_wait3A_366 = tpu.memref_squeeze %dma_wait3A_365 : memref<1x125xi32, #tpu.memory_space<vmem>> -> memref<125xi32, #tpu.memory_space<vmem>>
      %dma_wait3A_367 = arith.constant 0 : i32
      %dma_wait3A_368 = arith.constant 0 : i32
      %dma_wait3A_369 = tpu.memref_slice %arg13[%dma_wait3A_367, %dma_wait3A_368] : memref<10000x32xf32, #tpu.memory_space<vmem_shared>> -> memref<10000x32xf32, #tpu.memory_space<vmem_shared>>
      tpu.wait_indirect_dma semaphore(%arg14 : memref<!tpu.dma_semaphore, #tpu.memory_space<semaphore_mem>>) src(%dma_wait3A_369 : memref<10000x32xf32, #tpu.memory_space<vmem_shared>>) dst(%dma_wait3A_363 : memref<125x32xf32, #tpu.memory_space<vmem>>)
      %add3A_370 = arith.constant 2 : i32
      %add3A_371 = arith.addi %add3A_253, %add3A_370 : i32
      %dma_start3A_372 = arith.constant 0 : i32
      %dma_start3A_373 = arith.constant 0 : i32
      %dma_start3A_374 = arith.constant 0 : i32
      %dma_start3A_375 = tpu.memref_slice %arg9[%dma_start3A_372, %dma_start3A_373, %dma_start3A_374] : memref<4x125x32xf32, #tpu.memory_space<vmem>> -> memref<1x125x32xf32, #tpu.memory_space<vmem>>
      %dma_start3A_376 = tpu.memref_squeeze %dma_start3A_375 : memref<1x125x32xf32, #tpu.memory_space<vmem>> -> memref<125x32xf32, #tpu.memory_space<vmem>>
      %dma_start3A_377 = arith.constant 0 : i32
      %dma_start3A_378 = tpu.memref_slice %arg8[%add3A_371, %dma_start3A_377] : memref<80x125xi32, #tpu.memory_space<vmem>> -> memref<1x125xi32, #tpu.memory_space<vmem>>
      %dma_start3A_379 = tpu.memref_squeeze %dma_start3A_378 : memref<1x125xi32, #tpu.memory_space<vmem>> -> memref<125xi32, #tpu.memory_space<vmem>>
      %dma_start3A_380 = arith.constant 0 : i32
      %dma_start3A_381 = arith.constant 0 : i32
      %dma_start3A_382 = tpu.memref_slice %arg12[%dma_start3A_380, %dma_start3A_381] : memref<10112x32xf32, #tpu.memory_space<vmem_shared>> -> memref<10112x32xf32, #tpu.memory_space<vmem_shared>>
      tpu.enqueue_indirect_dma source(%dma_start3A_376 : memref<125x32xf32, #tpu.memory_space<vmem>>) target(%dma_start3A_382 : memref<10112x32xf32, #tpu.memory_space<vmem_shared>>) offsets(%dma_start3A_379 : memref<125xi32, #tpu.memory_space<vmem>>) semaphore(%arg18 : memref<!tpu.dma_semaphore, #tpu.memory_space<semaphore_mem>>) {add = true}
      %dma_wait3A_383 = arith.constant 2 : i32
      %dma_wait3A_384 = arith.constant 0 : i32
      %dma_wait3A_385 = arith.constant 0 : i32
      %dma_wait3A_386 = arith.constant 0 : i32
      %dma_wait3A_387 = tpu.memref_slice %arg9[%dma_wait3A_383, %dma_wait3A_385, %dma_wait3A_386] : memref<4x125x32xf32, #tpu.memory_space<vmem>> -> memref<1x125x32xf32, #tpu.memory_space<vmem>>
      %dma_wait3A_388 = tpu.memref_squeeze %dma_wait3A_387 : memref<1x125x32xf32, #tpu.memory_space<vmem>> -> memref<125x32xf32, #tpu.memory_space<vmem>>
      %dma_wait3A_389 = arith.constant 0 : i32
      %dma_wait3A_390 = tpu.memref_slice %arg8[%dma_wait3A_384, %dma_wait3A_389] : memref<80x125xi32, #tpu.memory_space<vmem>> -> memref<1x125xi32, #tpu.memory_space<vmem>>
      %dma_wait3A_391 = tpu.memref_squeeze %dma_wait3A_390 : memref<1x125xi32, #tpu.memory_space<vmem>> -> memref<125xi32, #tpu.memory_space<vmem>>
      %dma_wait3A_392 = arith.constant 0 : i32
      %dma_wait3A_393 = arith.constant 0 : i32
      %dma_wait3A_394 = tpu.memref_slice %arg12[%dma_wait3A_392, %dma_wait3A_393] : memref<10112x32xf32, #tpu.memory_space<vmem_shared>> -> memref<10112x32xf32, #tpu.memory_space<vmem_shared>>
      tpu.wait_indirect_dma semaphore(%arg20 : memref<!tpu.dma_semaphore, #tpu.memory_space<semaphore_mem>>) src(%dma_wait3A_388 : memref<125x32xf32, #tpu.memory_space<vmem>>) dst(%dma_wait3A_394 : memref<10112x32xf32, #tpu.memory_space<vmem_shared>>)
      %add3A_395 = arith.constant 2 : i32
      %add3A_396 = arith.addi %add3A_253, %add3A_395 : i32
      %add3A_397 = arith.constant 2 : i32
      %add3A_398 = arith.addi %add3A_396, %add3A_397 : i32
      %dma_start3A_399 = arith.constant 2 : i32
      %dma_start3A_400 = arith.constant 0 : i32
      %dma_start3A_401 = arith.constant 0 : i32
      %dma_start3A_402 = tpu.memref_slice %arg9[%dma_start3A_399, %dma_start3A_400, %dma_start3A_401] : memref<4x125x32xf32, #tpu.memory_space<vmem>> -> memref<1x125x32xf32, #tpu.memory_space<vmem>>
      %dma_start3A_403 = tpu.memref_squeeze %dma_start3A_402 : memref<1x125x32xf32, #tpu.memory_space<vmem>> -> memref<125x32xf32, #tpu.memory_space<vmem>>
      %dma_start3A_404 = arith.constant 0 : i32
      %dma_start3A_405 = tpu.memref_slice %arg7[%add3A_398, %dma_start3A_404] : memref<80x125xi32, #tpu.memory_space<vmem>> -> memref<1x125xi32, #tpu.memory_space<vmem>>
      %dma_start3A_406 = tpu.memref_squeeze %dma_start3A_405 : memref<1x125xi32, #tpu.memory_space<vmem>> -> memref<125xi32, #tpu.memory_space<vmem>>
      %dma_start3A_407 = arith.constant 0 : i32
      %dma_start3A_408 = arith.constant 0 : i32
      %dma_start3A_409 = tpu.memref_slice %arg13[%dma_start3A_407, %dma_start3A_408] : memref<10000x32xf32, #tpu.memory_space<vmem_shared>> -> memref<10000x32xf32, #tpu.memory_space<vmem_shared>>
      tpu.enqueue_indirect_dma source(%dma_start3A_409 : memref<10000x32xf32, #tpu.memory_space<vmem_shared>>) target(%dma_start3A_403 : memref<125x32xf32, #tpu.memory_space<vmem>>) offsets(%dma_start3A_406 : memref<125xi32, #tpu.memory_space<vmem>>) semaphore(%arg16 : memref<!tpu.dma_semaphore, #tpu.memory_space<semaphore_mem>>)
      %dma_wait3A_410 = arith.constant 0 : i32
      %dma_wait3A_411 = arith.constant 1 : i32
      %dma_wait3A_412 = arith.constant 0 : i32
      %dma_wait3A_413 = arith.constant 0 : i32
      %dma_wait3A_414 = tpu.memref_slice %arg9[%dma_wait3A_411, %dma_wait3A_412, %dma_wait3A_413] : memref<4x125x32xf32, #tpu.memory_space<vmem>> -> memref<1x125x32xf32, #tpu.memory_space<vmem>>
      %dma_wait3A_415 = tpu.memref_squeeze %dma_wait3A_414 : memref<1x125x32xf32, #tpu.memory_space<vmem>> -> memref<125x32xf32, #tpu.memory_space<vmem>>
      %dma_wait3A_416 = arith.constant 0 : i32
      %dma_wait3A_417 = tpu.memref_slice %arg7[%dma_wait3A_410, %dma_wait3A_416] : memref<80x125xi32, #tpu.memory_space<vmem>> -> memref<1x125xi32, #tpu.memory_space<vmem>>
      %dma_wait3A_418 = tpu.memref_squeeze %dma_wait3A_417 : memref<1x125xi32, #tpu.memory_space<vmem>> -> memref<125xi32, #tpu.memory_space<vmem>>
      %dma_wait3A_419 = arith.constant 0 : i32
      %dma_wait3A_420 = arith.constant 0 : i32
      %dma_wait3A_421 = tpu.memref_slice %arg13[%dma_wait3A_419, %dma_wait3A_420] : memref<10000x32xf32, #tpu.memory_space<vmem_shared>> -> memref<10000x32xf32, #tpu.memory_space<vmem_shared>>
      tpu.wait_indirect_dma semaphore(%arg15 : memref<!tpu.dma_semaphore, #tpu.memory_space<semaphore_mem>>) src(%dma_wait3A_421 : memref<10000x32xf32, #tpu.memory_space<vmem_shared>>) dst(%dma_wait3A_415 : memref<125x32xf32, #tpu.memory_space<vmem>>)
      %add3A_422 = arith.constant 3 : i32
      %add3A_423 = arith.addi %add3A_253, %add3A_422 : i32
      %dma_start3A_424 = arith.constant 1 : i32
      %dma_start3A_425 = arith.constant 0 : i32
      %dma_start3A_426 = arith.constant 0 : i32
      %dma_start3A_427 = tpu.memref_slice %arg9[%dma_start3A_424, %dma_start3A_425, %dma_start3A_426] : memref<4x125x32xf32, #tpu.memory_space<vmem>> -> memref<1x125x32xf32, #tpu.memory_space<vmem>>
      %dma_start3A_428 = tpu.memref_squeeze %dma_start3A_427 : memref<1x125x32xf32, #tpu.memory_space<vmem>> -> memref<125x32xf32, #tpu.memory_space<vmem>>
      %dma_start3A_429 = arith.constant 0 : i32
      %dma_start3A_430 = tpu.memref_slice %arg8[%add3A_423, %dma_start3A_429] : memref<80x125xi32, #tpu.memory_space<vmem>> -> memref<1x125xi32, #tpu.memory_space<vmem>>
      %dma_start3A_431 = tpu.memref_squeeze %dma_start3A_430 : memref<1x125xi32, #tpu.memory_space<vmem>> -> memref<125xi32, #tpu.memory_space<vmem>>
      %dma_start3A_432 = arith.constant 0 : i32
      %dma_start3A_433 = arith.constant 0 : i32
      %dma_start3A_434 = tpu.memref_slice %arg12[%dma_start3A_432, %dma_start3A_433] : memref<10112x32xf32, #tpu.memory_space<vmem_shared>> -> memref<10112x32xf32, #tpu.memory_space<vmem_shared>>
      tpu.enqueue_indirect_dma source(%dma_start3A_428 : memref<125x32xf32, #tpu.memory_space<vmem>>) target(%dma_start3A_434 : memref<10112x32xf32, #tpu.memory_space<vmem_shared>>) offsets(%dma_start3A_431 : memref<125xi32, #tpu.memory_space<vmem>>) semaphore(%arg19 : memref<!tpu.dma_semaphore, #tpu.memory_space<semaphore_mem>>) {add = true}
      %dma_wait3A_435 = arith.constant 3 : i32
      %dma_wait3A_436 = arith.constant 0 : i32
      %dma_wait3A_437 = arith.constant 0 : i32
      %dma_wait3A_438 = arith.constant 0 : i32
      %dma_wait3A_439 = tpu.memref_slice %arg9[%dma_wait3A_435, %dma_wait3A_437, %dma_wait3A_438] : memref<4x125x32xf32, #tpu.memory_space<vmem>> -> memref<1x125x32xf32, #tpu.memory_space<vmem>>
      %dma_wait3A_440 = tpu.memref_squeeze %dma_wait3A_439 : memref<1x125x32xf32, #tpu.memory_space<vmem>> -> memref<125x32xf32, #tpu.memory_space<vmem>>
      %dma_wait3A_441 = arith.constant 0 : i32
      %dma_wait3A_442 = tpu.memref_slice %arg8[%dma_wait3A_436, %dma_wait3A_441] : memref<80x125xi32, #tpu.memory_space<vmem>> -> memref<1x125xi32, #tpu.memory_space<vmem>>
      %dma_wait3A_443 = tpu.memref_squeeze %dma_wait3A_442 : memref<1x125xi32, #tpu.memory_space<vmem>> -> memref<125xi32, #tpu.memory_space<vmem>>
      %dma_wait3A_444 = arith.constant 0 : i32
      %dma_wait3A_445 = arith.constant 0 : i32
      %dma_wait3A_446 = tpu.memref_slice %arg12[%dma_wait3A_444, %dma_wait3A_445] : memref<10112x32xf32, #tpu.memory_space<vmem_shared>> -> memref<10112x32xf32, #tpu.memory_space<vmem_shared>>
      tpu.wait_indirect_dma semaphore(%arg21 : memref<!tpu.dma_semaphore, #tpu.memory_space<semaphore_mem>>) src(%dma_wait3A_440 : memref<125x32xf32, #tpu.memory_space<vmem>>) dst(%dma_wait3A_446 : memref<10112x32xf32, #tpu.memory_space<vmem_shared>>)
      %add3A_447 = arith.constant 3 : i32
      %add3A_448 = arith.addi %add3A_253, %add3A_447 : i32
      %add3A_449 = arith.constant 2 : i32
      %add3A_450 = arith.addi %add3A_448, %add3A_449 : i32
      %dma_start3A_451 = arith.constant 3 : i32
      %dma_start3A_452 = arith.constant 0 : i32
      %dma_start3A_453 = arith.constant 0 : i32
      %dma_start3A_454 = tpu.memref_slice %arg9[%dma_start3A_451, %dma_start3A_452, %dma_start3A_453] : memref<4x125x32xf32, #tpu.memory_space<vmem>> -> memref<1x125x32xf32, #tpu.memory_space<vmem>>
      %dma_start3A_455 = tpu.memref_squeeze %dma_start3A_454 : memref<1x125x32xf32, #tpu.memory_space<vmem>> -> memref<125x32xf32, #tpu.memory_space<vmem>>
      %dma_start3A_456 = arith.constant 0 : i32
      %dma_start3A_457 = tpu.memref_slice %arg7[%add3A_450, %dma_start3A_456] : memref<80x125xi32, #tpu.memory_space<vmem>> -> memref<1x125xi32, #tpu.memory_space<vmem>>
      %dma_start3A_458 = tpu.memref_squeeze %dma_start3A_457 : memref<1x125xi32, #tpu.memory_space<vmem>> -> memref<125xi32, #tpu.memory_space<vmem>>
      %dma_start3A_459 = arith.constant 0 : i32
      %dma_start3A_460 = arith.constant 0 : i32
      %dma_start3A_461 = tpu.memref_slice %arg13[%dma_start3A_459, %dma_start3A_460] : memref<10000x32xf32, #tpu.memory_space<vmem_shared>> -> memref<10000x32xf32, #tpu.memory_space<vmem_shared>>
      tpu.enqueue_indirect_dma source(%dma_start3A_461 : memref<10000x32xf32, #tpu.memory_space<vmem_shared>>) target(%dma_start3A_455 : memref<125x32xf32, #tpu.memory_space<vmem>>) offsets(%dma_start3A_458 : memref<125xi32, #tpu.memory_space<vmem>>) semaphore(%arg17 : memref<!tpu.dma_semaphore, #tpu.memory_space<semaphore_mem>>)
    }
    %scan3A_147 = arith.constant 19 : i32
    %dma_wait3A_148 = arith.constant 0 : i32
    %dma_wait3A_149 = arith.constant 2 : i32
    %dma_wait3A_150 = arith.constant 0 : i32
    %dma_wait3A_151 = arith.constant 0 : i32
    %dma_wait3A_152 = tpu.memref_slice %arg9[%dma_wait3A_149, %dma_wait3A_150, %dma_wait3A_151] : memref<4x125x32xf32, #tpu.memory_space<vmem>> -> memref<1x125x32xf32, #tpu.memory_space<vmem>>
    %dma_wait3A_153 = tpu.memref_squeeze %dma_wait3A_152 : memref<1x125x32xf32, #tpu.memory_space<vmem>> -> memref<125x32xf32, #tpu.memory_space<vmem>>
    %dma_wait3A_154 = arith.constant 0 : i32
    %dma_wait3A_155 = tpu.memref_slice %arg7[%dma_wait3A_148, %dma_wait3A_154] : memref<80x125xi32, #tpu.memory_space<vmem>> -> memref<1x125xi32, #tpu.memory_space<vmem>>
    %dma_wait3A_156 = tpu.memref_squeeze %dma_wait3A_155 : memref<1x125xi32, #tpu.memory_space<vmem>> -> memref<125xi32, #tpu.memory_space<vmem>>
    %dma_wait3A_157 = arith.constant 0 : i32
    %dma_wait3A_158 = arith.constant 0 : i32
    %dma_wait3A_159 = tpu.memref_slice %arg13[%dma_wait3A_157, %dma_wait3A_158] : memref<10000x32xf32, #tpu.memory_space<vmem_shared>> -> memref<10000x32xf32, #tpu.memory_space<vmem_shared>>
    tpu.wait_indirect_dma semaphore(%arg16 : memref<!tpu.dma_semaphore, #tpu.memory_space<semaphore_mem>>) src(%dma_wait3A_159 : memref<10000x32xf32, #tpu.memory_space<vmem_shared>>) dst(%dma_wait3A_153 : memref<125x32xf32, #tpu.memory_space<vmem>>)
    %dma_start3A_160 = arith.constant 2 : i32
    %dma_start3A_161 = arith.constant 78 : i32
    %dma_start3A_162 = arith.constant 0 : i32
    %dma_start3A_163 = arith.constant 0 : i32
    %dma_start3A_164 = tpu.memref_slice %arg9[%dma_start3A_160, %dma_start3A_162, %dma_start3A_163] : memref<4x125x32xf32, #tpu.memory_space<vmem>> -> memref<1x125x32xf32, #tpu.memory_space<vmem>>
    %dma_start3A_165 = tpu.memref_squeeze %dma_start3A_164 : memref<1x125x32xf32, #tpu.memory_space<vmem>> -> memref<125x32xf32, #tpu.memory_space<vmem>>
    %dma_start3A_166 = arith.constant 0 : i32
    %dma_start3A_167 = tpu.memref_slice %arg8[%dma_start3A_161, %dma_start3A_166] : memref<80x125xi32, #tpu.memory_space<vmem>> -> memref<1x125xi32, #tpu.memory_space<vmem>>
    %dma_start3A_168 = tpu.memref_squeeze %dma_start3A_167 : memref<1x125xi32, #tpu.memory_space<vmem>> -> memref<125xi32, #tpu.memory_space<vmem>>
    %dma_start3A_169 = arith.constant 0 : i32
    %dma_start3A_170 = arith.constant 0 : i32
    %dma_start3A_171 = tpu.memref_slice %arg12[%dma_start3A_169, %dma_start3A_170] : memref<10112x32xf32, #tpu.memory_space<vmem_shared>> -> memref<10112x32xf32, #tpu.memory_space<vmem_shared>>
    tpu.enqueue_indirect_dma source(%dma_start3A_165 : memref<125x32xf32, #tpu.memory_space<vmem>>) target(%dma_start3A_171 : memref<10112x32xf32, #tpu.memory_space<vmem_shared>>) offsets(%dma_start3A_168 : memref<125xi32, #tpu.memory_space<vmem>>) semaphore(%arg20 : memref<!tpu.dma_semaphore, #tpu.memory_space<semaphore_mem>>) {add = true}
    %dma_wait3A_172 = arith.constant 0 : i32
    %dma_wait3A_173 = arith.constant 3 : i32
    %dma_wait3A_174 = arith.constant 0 : i32
    %dma_wait3A_175 = arith.constant 0 : i32
    %dma_wait3A_176 = tpu.memref_slice %arg9[%dma_wait3A_173, %dma_wait3A_174, %dma_wait3A_175] : memref<4x125x32xf32, #tpu.memory_space<vmem>> -> memref<1x125x32xf32, #tpu.memory_space<vmem>>
    %dma_wait3A_177 = tpu.memref_squeeze %dma_wait3A_176 : memref<1x125x32xf32, #tpu.memory_space<vmem>> -> memref<125x32xf32, #tpu.memory_space<vmem>>
    %dma_wait3A_178 = arith.constant 0 : i32
    %dma_wait3A_179 = tpu.memref_slice %arg7[%dma_wait3A_172, %dma_wait3A_178] : memref<80x125xi32, #tpu.memory_space<vmem>> -> memref<1x125xi32, #tpu.memory_space<vmem>>
    %dma_wait3A_180 = tpu.memref_squeeze %dma_wait3A_179 : memref<1x125xi32, #tpu.memory_space<vmem>> -> memref<125xi32, #tpu.memory_space<vmem>>
    %dma_wait3A_181 = arith.constant 0 : i32
    %dma_wait3A_182 = arith.constant 0 : i32
    %dma_wait3A_183 = tpu.memref_slice %arg13[%dma_wait3A_181, %dma_wait3A_182] : memref<10000x32xf32, #tpu.memory_space<vmem_shared>> -> memref<10000x32xf32, #tpu.memory_space<vmem_shared>>
    tpu.wait_indirect_dma semaphore(%arg17 : memref<!tpu.dma_semaphore, #tpu.memory_space<semaphore_mem>>) src(%dma_wait3A_183 : memref<10000x32xf32, #tpu.memory_space<vmem_shared>>) dst(%dma_wait3A_177 : memref<125x32xf32, #tpu.memory_space<vmem>>)
    %dma_start3A_184 = arith.constant 3 : i32
    %dma_start3A_185 = arith.constant 79 : i32
    %dma_start3A_186 = arith.constant 0 : i32
    %dma_start3A_187 = arith.constant 0 : i32
    %dma_start3A_188 = tpu.memref_slice %arg9[%dma_start3A_184, %dma_start3A_186, %dma_start3A_187] : memref<4x125x32xf32, #tpu.memory_space<vmem>> -> memref<1x125x32xf32, #tpu.memory_space<vmem>>
    %dma_start3A_189 = tpu.memref_squeeze %dma_start3A_188 : memref<1x125x32xf32, #tpu.memory_space<vmem>> -> memref<125x32xf32, #tpu.memory_space<vmem>>
    %dma_start3A_190 = arith.constant 0 : i32
    %dma_start3A_191 = tpu.memref_slice %arg8[%dma_start3A_185, %dma_start3A_190] : memref<80x125xi32, #tpu.memory_space<vmem>> -> memref<1x125xi32, #tpu.memory_space<vmem>>
    %dma_start3A_192 = tpu.memref_squeeze %dma_start3A_191 : memref<1x125xi32, #tpu.memory_space<vmem>> -> memref<125xi32, #tpu.memory_space<vmem>>
    %dma_start3A_193 = arith.constant 0 : i32
    %dma_start3A_194 = arith.constant 0 : i32
    %dma_start3A_195 = tpu.memref_slice %arg12[%dma_start3A_193, %dma_start3A_194] : memref<10112x32xf32, #tpu.memory_space<vmem_shared>> -> memref<10112x32xf32, #tpu.memory_space<vmem_shared>>
    tpu.enqueue_indirect_dma source(%dma_start3A_189 : memref<125x32xf32, #tpu.memory_space<vmem>>) target(%dma_start3A_195 : memref<10112x32xf32, #tpu.memory_space<vmem_shared>>) offsets(%dma_start3A_192 : memref<125xi32, #tpu.memory_space<vmem>>) semaphore(%arg21 : memref<!tpu.dma_semaphore, #tpu.memory_space<semaphore_mem>>) {add = true}
    %dma_wait3A_196 = arith.constant 0 : i32
    %dma_wait3A_197 = arith.constant 0 : i32
    %dma_wait3A_198 = arith.constant 0 : i32
    %dma_wait3A_199 = arith.constant 0 : i32
    %dma_wait3A_200 = tpu.memref_slice %arg9[%dma_wait3A_196, %dma_wait3A_198, %dma_wait3A_199] : memref<4x125x32xf32, #tpu.memory_space<vmem>> -> memref<1x125x32xf32, #tpu.memory_space<vmem>>
    %dma_wait3A_201 = tpu.memref_squeeze %dma_wait3A_200 : memref<1x125x32xf32, #tpu.memory_space<vmem>> -> memref<125x32xf32, #tpu.memory_space<vmem>>
    %dma_wait3A_202 = arith.constant 0 : i32
    %dma_wait3A_203 = tpu.memref_slice %arg8[%dma_wait3A_197, %dma_wait3A_202] : memref<80x125xi32, #tpu.memory_space<vmem>> -> memref<1x125xi32, #tpu.memory_space<vmem>>
    %dma_wait3A_204 = tpu.memref_squeeze %dma_wait3A_203 : memref<1x125xi32, #tpu.memory_space<vmem>> -> memref<125xi32, #tpu.memory_space<vmem>>
    %dma_wait3A_205 = arith.constant 0 : i32
    %dma_wait3A_206 = arith.constant 0 : i32
    %dma_wait3A_207 = tpu.memref_slice %arg12[%dma_wait3A_205, %dma_wait3A_206] : memref<10112x32xf32, #tpu.memory_space<vmem_shared>> -> memref<10112x32xf32, #tpu.memory_space<vmem_shared>>
    tpu.wait_indirect_dma semaphore(%arg18 : memref<!tpu.dma_semaphore, #tpu.memory_space<semaphore_mem>>) src(%dma_wait3A_201 : memref<125x32xf32, #tpu.memory_space<vmem>>) dst(%dma_wait3A_207 : memref<10112x32xf32, #tpu.memory_space<vmem_shared>>)
    %dma_wait3A_208 = arith.constant 1 : i32
    %dma_wait3A_209 = arith.constant 0 : i32
    %dma_wait3A_210 = arith.constant 0 : i32
    %dma_wait3A_211 = arith.constant 0 : i32
    %dma_wait3A_212 = tpu.memref_slice %arg9[%dma_wait3A_208, %dma_wait3A_210, %dma_wait3A_211] : memref<4x125x32xf32, #tpu.memory_space<vmem>> -> memref<1x125x32xf32, #tpu.memory_space<vmem>>
    %dma_wait3A_213 = tpu.memref_squeeze %dma_wait3A_212 : memref<1x125x32xf32, #tpu.memory_space<vmem>> -> memref<125x32xf32, #tpu.memory_space<vmem>>
    %dma_wait3A_214 = arith.constant 0 : i32
    %dma_wait3A_215 = tpu.memref_slice %arg8[%dma_wait3A_209, %dma_wait3A_214] : memref<80x125xi32, #tpu.memory_space<vmem>> -> memref<1x125xi32, #tpu.memory_space<vmem>>
    %dma_wait3A_216 = tpu.memref_squeeze %dma_wait3A_215 : memref<1x125xi32, #tpu.memory_space<vmem>> -> memref<125xi32, #tpu.memory_space<vmem>>
    %dma_wait3A_217 = arith.constant 0 : i32
    %dma_wait3A_218 = arith.constant 0 : i32
    %dma_wait3A_219 = tpu.memref_slice %arg12[%dma_wait3A_217, %dma_wait3A_218] : memref<10112x32xf32, #tpu.memory_space<vmem_shared>> -> memref<10112x32xf32, #tpu.memory_space<vmem_shared>>
    tpu.wait_indirect_dma semaphore(%arg19 : memref<!tpu.dma_semaphore, #tpu.memory_space<semaphore_mem>>) src(%dma_wait3A_213 : memref<125x32xf32, #tpu.memory_space<vmem>>) dst(%dma_wait3A_219 : memref<10112x32xf32, #tpu.memory_space<vmem_shared>>)
    %dma_wait3A_220 = arith.constant 2 : i32
    %dma_wait3A_221 = arith.constant 0 : i32
    %dma_wait3A_222 = arith.constant 0 : i32
    %dma_wait3A_223 = arith.constant 0 : i32
    %dma_wait3A_224 = tpu.memref_slice %arg9[%dma_wait3A_220, %dma_wait3A_222, %dma_wait3A_223] : memref<4x125x32xf32, #tpu.memory_space<vmem>> -> memref<1x125x32xf32, #tpu.memory_space<vmem>>
    %dma_wait3A_225 = tpu.memref_squeeze %dma_wait3A_224 : memref<1x125x32xf32, #tpu.memory_space<vmem>> -> memref<125x32xf32, #tpu.memory_space<vmem>>
    %dma_wait3A_226 = arith.constant 0 : i32
    %dma_wait3A_227 = tpu.memref_slice %arg8[%dma_wait3A_221, %dma_wait3A_226] : memref<80x125xi32, #tpu.memory_space<vmem>> -> memref<1x125xi32, #tpu.memory_space<vmem>>
    %dma_wait3A_228 = tpu.memref_squeeze %dma_wait3A_227 : memref<1x125xi32, #tpu.memory_space<vmem>> -> memref<125xi32, #tpu.memory_space<vmem>>
    %dma_wait3A_229 = arith.constant 0 : i32
    %dma_wait3A_230 = arith.constant 0 : i32
    %dma_wait3A_231 = tpu.memref_slice %arg12[%dma_wait3A_229, %dma_wait3A_230] : memref<10112x32xf32, #tpu.memory_space<vmem_shared>> -> memref<10112x32xf32, #tpu.memory_space<vmem_shared>>
    tpu.wait_indirect_dma semaphore(%arg20 : memref<!tpu.dma_semaphore, #tpu.memory_space<semaphore_mem>>) src(%dma_wait3A_225 : memref<125x32xf32, #tpu.memory_space<vmem>>) dst(%dma_wait3A_231 : memref<10112x32xf32, #tpu.memory_space<vmem_shared>>)
    %dma_wait3A_232 = arith.constant 3 : i32
    %dma_wait3A_233 = arith.constant 0 : i32
    %dma_wait3A_234 = arith.constant 0 : i32
    %dma_wait3A_235 = arith.constant 0 : i32
    %dma_wait3A_236 = tpu.memref_slice %arg9[%dma_wait3A_232, %dma_wait3A_234, %dma_wait3A_235] : memref<4x125x32xf32, #tpu.memory_space<vmem>> -> memref<1x125x32xf32, #tpu.memory_space<vmem>>
    %dma_wait3A_237 = tpu.memref_squeeze %dma_wait3A_236 : memref<1x125x32xf32, #tpu.memory_space<vmem>> -> memref<125x32xf32, #tpu.memory_space<vmem>>
    %dma_wait3A_238 = arith.constant 0 : i32
    %dma_wait3A_239 = tpu.memref_slice %arg8[%dma_wait3A_233, %dma_wait3A_238] : memref<80x125xi32, #tpu.memory_space<vmem>> -> memref<1x125xi32, #tpu.memory_space<vmem>>
    %dma_wait3A_240 = tpu.memref_squeeze %dma_wait3A_239 : memref<1x125xi32, #tpu.memory_space<vmem>> -> memref<125xi32, #tpu.memory_space<vmem>>
    %dma_wait3A_241 = arith.constant 0 : i32
    %dma_wait3A_242 = arith.constant 0 : i32
    %dma_wait3A_243 = tpu.memref_slice %arg12[%dma_wait3A_241, %dma_wait3A_242] : memref<10112x32xf32, #tpu.memory_space<vmem_shared>> -> memref<10112x32xf32, #tpu.memory_space<vmem_shared>>
    tpu.wait_indirect_dma semaphore(%arg21 : memref<!tpu.dma_semaphore, #tpu.memory_space<semaphore_mem>>) src(%dma_wait3A_237 : memref<125x32xf32, #tpu.memory_space<vmem>>) dst(%dma_wait3A_243 : memref<10112x32xf32, #tpu.memory_space<vmem_shared>>)
    %barrier3A_244 = arith.constant 0 : index
    tpu.barrier barrier_id(%barrier3A_244)
    %mul3A_245 = arith.constant 632 : i32
    %mul3A_246 = arith.muli %arg1, %mul3A_245 : i32
    %mul3A_247 = arith.constant 632 : i32
    %mul3A_248 = arith.muli %arg1, %mul3A_247 : i32
    "tpu.region"() ({
      %run_scoped3A = tpu.sem_alloc : memref<!tpu.dma_semaphore, #tpu.memory_space<semaphore_mem>>
      %dma_start3A_249 = arith.constant 0 : i32
      %dma_start3A_250 = arith.constant 0 : i32
      %dma_start3A_251 = tpu.memref_slice %arg6[%arg0, %dma_start3A_249, %dma_start3A_250] : memref<2x10112x32xf32, #tpu.memory_space<hbm>> -> memref<1x10112x32xf32, #tpu.memory_space<hbm>>
      %dma_start3A_252 = tpu.memref_squeeze %dma_start3A_251 : memref<1x10112x32xf32, #tpu.memory_space<hbm>> -> memref<10112x32xf32, #tpu.memory_space<hbm>>
      %dma_start3A_253 = arith.constant 0 : i32
      %dma_start3A_254 = tpu.memref_slice %dma_start3A_252[%mul3A_248, %dma_start3A_253] : memref<10112x32xf32, #tpu.memory_space<hbm>> -> memref<632x32xf32, #tpu.memory_space<hbm>>
      %dma_start3A_255 = arith.constant 0 : i32
      %dma_start3A_256 = tpu.memref_slice %arg12[%mul3A_246, %dma_start3A_255] : memref<10112x32xf32, #tpu.memory_space<vmem_shared>> -> memref<632x32xf32, #tpu.memory_space<vmem_shared>>
      tpu.enqueue_dma source(%dma_start3A_256 : memref<632x32xf32, #tpu.memory_space<vmem_shared>>) target(%dma_start3A_254 : memref<632x32xf32, #tpu.memory_space<hbm>>) target_semaphore(%run_scoped3A : memref<!tpu.dma_semaphore, #tpu.memory_space<semaphore_mem>>)
      %dma_wait3A_257 = arith.constant 0 : i32
      %dma_wait3A_258 = arith.constant 0 : i32
      %dma_wait3A_259 = tpu.memref_slice %arg6[%arg0, %dma_wait3A_257, %dma_wait3A_258] : memref<2x10112x32xf32, #tpu.memory_space<hbm>> -> memref<1x10112x32xf32, #tpu.memory_space<hbm>>
      %dma_wait3A_260 = tpu.memref_squeeze %dma_wait3A_259 : memref<1x10112x32xf32, #tpu.memory_space<hbm>> -> memref<10112x32xf32, #tpu.memory_space<hbm>>
      %dma_wait3A_261 = arith.constant 0 : i32
      %dma_wait3A_262 = tpu.memref_slice %dma_wait3A_260[%mul3A_248, %dma_wait3A_261] : memref<10112x32xf32, #tpu.memory_space<hbm>> -> memref<632x32xf32, #tpu.memory_space<hbm>>
      %dma_wait3A_263 = arith.constant 0 : i32
      %dma_wait3A_264 = tpu.memref_slice %arg12[%mul3A_246, %dma_wait3A_263] : memref<10112x32xf32, #tpu.memory_space<vmem_shared>> -> memref<632x32xf32, #tpu.memory_space<vmem_shared>>
      tpu.wait_dma2 semaphore(%run_scoped3A : memref<!tpu.dma_semaphore, #tpu.memory_space<semaphore_mem>>) src(%dma_wait3A_264 : memref<632x32xf32, #tpu.memory_space<vmem_shared>>) dst(%dma_wait3A_262 : memref<632x32xf32, #tpu.memory_space<hbm>>)
      tpu.yield
    }) : () -> ()
    return
  }
}

#map = affine_map<(d0, d1) -> (0, 0, 0)>
#map1 = affine_map<(d0, d1) -> (0, 0)>
module attributes {stable_mosaic.version = 14 : i64} {
  func.func @kfn(%arg0: i32, %arg1: i32, %arg2: memref<32x80x125xi32, #tpu.memory_space<hbm>>, %arg3: memref<125x8xf32, #tpu.memory_space<hbm>>, %arg4: memref<632x8xf32, #tpu.memory_space<hbm>>, %arg5: memref<2x10112x8xf32, #tpu.memory_space<hbm>>, %arg6: memref<80x125xi32, #tpu.memory_space<vmem>>, %arg7: memref<125x8xf32, #tpu.memory_space<vmem>>, %arg8: memref<632x8xf32, #tpu.memory_space<vmem>>, %arg9: memref<10112x8xf32, #tpu.memory_space<vmem_shared>>, %arg10: memref<!tpu.dma_semaphore, #tpu.memory_space<semaphore_mem>>, %arg11: memref<!tpu.dma_semaphore, #tpu.memory_space<semaphore_mem>>, %arg12: memref<!tpu.dma_semaphore, #tpu.memory_space<semaphore_mem>>) attributes {dimension_semantics = [#tpu.dimension_semantics<core_parallel>, #tpu.dimension_semantics<subcore_parallel>], iteration_bounds = array<i64: 2, 16>, scalar_prefetch = 0 : i64, scratch_operands = 7 : i64, tpu.core_type = #tpu.core_type<sc_vector_subcore>, window_params = [{transform_indices = #map}, {transform_indices = #map1}, {transform_indices = #map1}, {transform_indices = #map}]} {
    %mul3A = arith.constant 16 : i32
    %mul3A_0 = arith.muli %arg0, %mul3A : i32
    %add3A = arith.addi %mul3A_0, %arg1 : i32
    %dma_start3A = arith.constant 0 : i32
    %dma_start3A_1 = arith.constant 0 : i32
    %dma_start3A_2 = tpu.memref_slice %arg2[%add3A, %dma_start3A, %dma_start3A_1] : memref<32x80x125xi32, #tpu.memory_space<hbm>> -> memref<1x80x125xi32, #tpu.memory_space<hbm>>
    %dma_start3A_3 = tpu.memref_squeeze %dma_start3A_2 : memref<1x80x125xi32, #tpu.memory_space<hbm>> -> memref<80x125xi32, #tpu.memory_space<hbm>>
    %dma_start3A_4 = arith.constant 0 : i32
    %dma_start3A_5 = arith.constant 0 : i32
    %dma_start3A_6 = tpu.memref_slice %arg2[%add3A, %dma_start3A_4, %dma_start3A_5] : memref<32x80x125xi32, #tpu.memory_space<hbm>> -> memref<1x80x125xi32, #tpu.memory_space<hbm>>
    %dma_start3A_7 = tpu.memref_squeeze %dma_start3A_6 : memref<1x80x125xi32, #tpu.memory_space<hbm>> -> memref<80x125xi32, #tpu.memory_space<hbm>>
    tpu.enqueue_dma source(%dma_start3A_7 : memref<80x125xi32, #tpu.memory_space<hbm>>) target(%arg6 : memref<80x125xi32, #tpu.memory_space<vmem>>) target_semaphore(%arg11 : memref<!tpu.dma_semaphore, #tpu.memory_space<semaphore_mem>>)
    tpu.enqueue_dma source(%arg3 : memref<125x8xf32, #tpu.memory_space<hbm>>) target(%arg7 : memref<125x8xf32, #tpu.memory_space<vmem>>) target_semaphore(%arg12 : memref<!tpu.dma_semaphore, #tpu.memory_space<semaphore_mem>>)
    "tpu.region"() ({
      %run_scoped3A = tpu.sem_alloc : memref<!tpu.dma_semaphore, #tpu.memory_space<semaphore_mem>>
      tpu.enqueue_dma source(%arg4 : memref<632x8xf32, #tpu.memory_space<hbm>>) target(%arg8 : memref<632x8xf32, #tpu.memory_space<vmem>>) target_semaphore(%run_scoped3A : memref<!tpu.dma_semaphore, #tpu.memory_space<semaphore_mem>>)
      tpu.wait_dma2 semaphore(%run_scoped3A : memref<!tpu.dma_semaphore, #tpu.memory_space<semaphore_mem>>) src(%arg4 : memref<632x8xf32, #tpu.memory_space<hbm>>) dst(%arg8 : memref<632x8xf32, #tpu.memory_space<vmem>>)
      tpu.yield
    }) : () -> ()
    %mul3A_8 = arith.constant 632 : i32
    %mul3A_9 = arith.muli %arg1, %mul3A_8 : i32
    "tpu.region"() ({
      %run_scoped3A = tpu.sem_alloc : memref<!tpu.dma_semaphore, #tpu.memory_space<semaphore_mem>>
      %dma_start3A_33 = arith.constant 0 : i32
      %dma_start3A_34 = tpu.memref_slice %arg9[%mul3A_9, %dma_start3A_33] : memref<10112x8xf32, #tpu.memory_space<vmem_shared>> -> memref<632x8xf32, #tpu.memory_space<vmem_shared>>
      %dma_start3A_35 = arith.constant 0 : i32
      %dma_start3A_36 = tpu.memref_slice %arg9[%mul3A_9, %dma_start3A_35] : memref<10112x8xf32, #tpu.memory_space<vmem_shared>> -> memref<632x8xf32, #tpu.memory_space<vmem_shared>>
      tpu.enqueue_dma source(%arg8 : memref<632x8xf32, #tpu.memory_space<vmem>>) target(%dma_start3A_36 : memref<632x8xf32, #tpu.memory_space<vmem_shared>>) target_semaphore(%run_scoped3A : memref<!tpu.dma_semaphore, #tpu.memory_space<semaphore_mem>>)
      %dma_wait3A_37 = arith.constant 0 : i32
      %dma_wait3A_38 = tpu.memref_slice %arg9[%mul3A_9, %dma_wait3A_37] : memref<10112x8xf32, #tpu.memory_space<vmem_shared>> -> memref<632x8xf32, #tpu.memory_space<vmem_shared>>
      %dma_wait3A_39 = arith.constant 0 : i32
      %dma_wait3A_40 = tpu.memref_slice %arg9[%mul3A_9, %dma_wait3A_39] : memref<10112x8xf32, #tpu.memory_space<vmem_shared>> -> memref<632x8xf32, #tpu.memory_space<vmem_shared>>
      tpu.wait_dma2 semaphore(%run_scoped3A : memref<!tpu.dma_semaphore, #tpu.memory_space<semaphore_mem>>) src(%arg8 : memref<632x8xf32, #tpu.memory_space<vmem>>) dst(%dma_wait3A_40 : memref<632x8xf32, #tpu.memory_space<vmem_shared>>)
      tpu.yield
    }) : () -> ()
    %dma_wait3A = arith.constant 0 : i32
    %dma_wait3A_10 = arith.constant 0 : i32
    %dma_wait3A_11 = tpu.memref_slice %arg2[%add3A, %dma_wait3A, %dma_wait3A_10] : memref<32x80x125xi32, #tpu.memory_space<hbm>> -> memref<1x80x125xi32, #tpu.memory_space<hbm>>
    %dma_wait3A_12 = tpu.memref_squeeze %dma_wait3A_11 : memref<1x80x125xi32, #tpu.memory_space<hbm>> -> memref<80x125xi32, #tpu.memory_space<hbm>>
    %dma_wait3A_13 = arith.constant 0 : i32
    %dma_wait3A_14 = arith.constant 0 : i32
    %dma_wait3A_15 = tpu.memref_slice %arg2[%add3A, %dma_wait3A_13, %dma_wait3A_14] : memref<32x80x125xi32, #tpu.memory_space<hbm>> -> memref<1x80x125xi32, #tpu.memory_space<hbm>>
    %dma_wait3A_16 = tpu.memref_squeeze %dma_wait3A_15 : memref<1x80x125xi32, #tpu.memory_space<hbm>> -> memref<80x125xi32, #tpu.memory_space<hbm>>
    tpu.wait_dma2 semaphore(%arg11 : memref<!tpu.dma_semaphore, #tpu.memory_space<semaphore_mem>>) src(%dma_wait3A_16 : memref<80x125xi32, #tpu.memory_space<hbm>>) dst(%arg6 : memref<80x125xi32, #tpu.memory_space<vmem>>)
    tpu.wait_dma2 semaphore(%arg12 : memref<!tpu.dma_semaphore, #tpu.memory_space<semaphore_mem>>) src(%arg3 : memref<125x8xf32, #tpu.memory_space<hbm>>) dst(%arg7 : memref<125x8xf32, #tpu.memory_space<vmem>>)
    %barrier3A = arith.constant 0 : index
    tpu.barrier barrier_id(%barrier3A)
    %scan3A = arith.constant 0 : i32
    %scan3A_17 = arith.constant 0 : i32
    %scan3A_18 = arith.constant 80 : i32
    %scan3A_19 = arith.addi %scan3A_17, %scan3A_18 : i32
    %scan3A_20 = arith.constant 1 : i32
    scf.for %scan3A_33 = %scan3A_17 to %scan3A_19 step %scan3A_20  : i32 {
      %dma_start3A_34 = arith.constant 0 : i32
      %dma_start3A_35 = tpu.memref_slice %arg6[%scan3A_33, %dma_start3A_34] : memref<80x125xi32, #tpu.memory_space<vmem>> -> memref<1x125xi32, #tpu.memory_space<vmem>>
      %dma_start3A_36 = tpu.memref_squeeze %dma_start3A_35 : memref<1x125xi32, #tpu.memory_space<vmem>> -> memref<125xi32, #tpu.memory_space<vmem>>
      %dma_start3A_37 = arith.constant 0 : i32
      %dma_start3A_38 = arith.constant 0 : i32
      %dma_start3A_39 = tpu.memref_slice %arg9[%dma_start3A_37, %dma_start3A_38] : memref<10112x8xf32, #tpu.memory_space<vmem_shared>> -> memref<10112x8xf32, #tpu.memory_space<vmem_shared>>
      tpu.enqueue_indirect_dma source(%arg7 : memref<125x8xf32, #tpu.memory_space<vmem>>) target(%dma_start3A_39 : memref<10112x8xf32, #tpu.memory_space<vmem_shared>>) offsets(%dma_start3A_36 : memref<125xi32, #tpu.memory_space<vmem>>) semaphore(%arg10 : memref<!tpu.dma_semaphore, #tpu.memory_space<semaphore_mem>>) {add = true}
    }
    %scan3A_21 = arith.constant 80 : i32
    %scan3A_22 = arith.constant 0 : i32
    %scan3A_23 = arith.constant 0 : i32
    %scan3A_24 = arith.constant 80 : i32
    %scan3A_25 = arith.addi %scan3A_23, %scan3A_24 : i32
    %scan3A_26 = arith.constant 1 : i32
    scf.for %scan3A_33 = %scan3A_23 to %scan3A_25 step %scan3A_26  : i32 {
      %dma_wait3A_34 = arith.constant 0 : i32
      %dma_wait3A_35 = arith.constant 0 : i32
      %dma_wait3A_36 = tpu.memref_slice %arg6[%dma_wait3A_34, %dma_wait3A_35] : memref<80x125xi32, #tpu.memory_space<vmem>> -> memref<1x125xi32, #tpu.memory_space<vmem>>
      %dma_wait3A_37 = tpu.memref_squeeze %dma_wait3A_36 : memref<1x125xi32, #tpu.memory_space<vmem>> -> memref<125xi32, #tpu.memory_space<vmem>>
      %dma_wait3A_38 = arith.constant 0 : i32
      %dma_wait3A_39 = arith.constant 0 : i32
      %dma_wait3A_40 = tpu.memref_slice %arg9[%dma_wait3A_38, %dma_wait3A_39] : memref<10112x8xf32, #tpu.memory_space<vmem_shared>> -> memref<10112x8xf32, #tpu.memory_space<vmem_shared>>
      tpu.wait_indirect_dma semaphore(%arg10 : memref<!tpu.dma_semaphore, #tpu.memory_space<semaphore_mem>>) src(%arg7 : memref<125x8xf32, #tpu.memory_space<vmem>>) dst(%dma_wait3A_40 : memref<10112x8xf32, #tpu.memory_space<vmem_shared>>)
    }
    %scan3A_27 = arith.constant 80 : i32
    %barrier3A_28 = arith.constant 0 : index
    tpu.barrier barrier_id(%barrier3A_28)
    %mul3A_29 = arith.constant 632 : i32
    %mul3A_30 = arith.muli %arg1, %mul3A_29 : i32
    %mul3A_31 = arith.constant 632 : i32
    %mul3A_32 = arith.muli %arg1, %mul3A_31 : i32
    "tpu.region"() ({
      %run_scoped3A = tpu.sem_alloc : memref<!tpu.dma_semaphore, #tpu.memory_space<semaphore_mem>>
      %dma_start3A_33 = arith.constant 0 : i32
      %dma_start3A_34 = arith.constant 0 : i32
      %dma_start3A_35 = tpu.memref_slice %arg5[%arg0, %dma_start3A_33, %dma_start3A_34] : memref<2x10112x8xf32, #tpu.memory_space<hbm>> -> memref<1x10112x8xf32, #tpu.memory_space<hbm>>
      %dma_start3A_36 = tpu.memref_squeeze %dma_start3A_35 : memref<1x10112x8xf32, #tpu.memory_space<hbm>> -> memref<10112x8xf32, #tpu.memory_space<hbm>>
      %dma_start3A_37 = arith.constant 0 : i32
      %dma_start3A_38 = tpu.memref_slice %dma_start3A_36[%mul3A_32, %dma_start3A_37] : memref<10112x8xf32, #tpu.memory_space<hbm>> -> memref<632x8xf32, #tpu.memory_space<hbm>>
      %dma_start3A_39 = arith.constant 0 : i32
      %dma_start3A_40 = tpu.memref_slice %arg9[%mul3A_30, %dma_start3A_39] : memref<10112x8xf32, #tpu.memory_space<vmem_shared>> -> memref<632x8xf32, #tpu.memory_space<vmem_shared>>
      tpu.enqueue_dma source(%dma_start3A_40 : memref<632x8xf32, #tpu.memory_space<vmem_shared>>) target(%dma_start3A_38 : memref<632x8xf32, #tpu.memory_space<hbm>>) target_semaphore(%run_scoped3A : memref<!tpu.dma_semaphore, #tpu.memory_space<semaphore_mem>>)
      %dma_wait3A_41 = arith.constant 0 : i32
      %dma_wait3A_42 = arith.constant 0 : i32
      %dma_wait3A_43 = tpu.memref_slice %arg5[%arg0, %dma_wait3A_41, %dma_wait3A_42] : memref<2x10112x8xf32, #tpu.memory_space<hbm>> -> memref<1x10112x8xf32, #tpu.memory_space<hbm>>
      %dma_wait3A_44 = tpu.memref_squeeze %dma_wait3A_43 : memref<1x10112x8xf32, #tpu.memory_space<hbm>> -> memref<10112x8xf32, #tpu.memory_space<hbm>>
      %dma_wait3A_45 = arith.constant 0 : i32
      %dma_wait3A_46 = tpu.memref_slice %dma_wait3A_44[%mul3A_32, %dma_wait3A_45] : memref<10112x8xf32, #tpu.memory_space<hbm>> -> memref<632x8xf32, #tpu.memory_space<hbm>>
      %dma_wait3A_47 = arith.constant 0 : i32
      %dma_wait3A_48 = tpu.memref_slice %arg9[%mul3A_30, %dma_wait3A_47] : memref<10112x8xf32, #tpu.memory_space<vmem_shared>> -> memref<632x8xf32, #tpu.memory_space<vmem_shared>>
      tpu.wait_dma2 semaphore(%run_scoped3A : memref<!tpu.dma_semaphore, #tpu.memory_space<semaphore_mem>>) src(%dma_wait3A_48 : memref<632x8xf32, #tpu.memory_space<vmem_shared>>) dst(%dma_wait3A_46 : memref<632x8xf32, #tpu.memory_space<hbm>>)
      tpu.yield
    }) : () -> ()
    return
  }
}

#map = affine_map<(d0, d1) -> (0, 0)>
#map1 = affine_map<(d0, d1) -> (0, 0, 0)>
module attributes {stable_mosaic.version = 14 : i64} {
  func.func @kfn(%arg0: i32, %arg1: i32, %arg2: memref<10000x16xf32, #tpu.memory_space<hbm>>, %arg3: memref<32x80x125xi32, #tpu.memory_space<hbm>>, %arg4: memref<32x80x125xi32, #tpu.memory_space<hbm>>, %arg5: memref<632x16xf32, #tpu.memory_space<hbm>>, %arg6: memref<2x10112x16xf32, #tpu.memory_space<hbm>>, %arg7: memref<80x125xi32, #tpu.memory_space<vmem>>, %arg8: memref<80x125xi32, #tpu.memory_space<vmem>>, %arg9: memref<4x125x16xf32, #tpu.memory_space<vmem>>, %arg10: memref<632x16xf32, #tpu.memory_space<vmem>>, %arg11: memref<625x16xf32, #tpu.memory_space<vmem>>, %arg12: memref<10112x16xf32, #tpu.memory_space<vmem_shared>>, %arg13: memref<10000x16xf32, #tpu.memory_space<vmem_shared>>, %arg14: memref<!tpu.dma_semaphore, #tpu.memory_space<semaphore_mem>>, %arg15: memref<!tpu.dma_semaphore, #tpu.memory_space<semaphore_mem>>, %arg16: memref<!tpu.dma_semaphore, #tpu.memory_space<semaphore_mem>>, %arg17: memref<!tpu.dma_semaphore, #tpu.memory_space<semaphore_mem>>, %arg18: memref<!tpu.dma_semaphore, #tpu.memory_space<semaphore_mem>>, %arg19: memref<!tpu.dma_semaphore, #tpu.memory_space<semaphore_mem>>, %arg20: memref<!tpu.dma_semaphore, #tpu.memory_space<semaphore_mem>>, %arg21: memref<!tpu.dma_semaphore, #tpu.memory_space<semaphore_mem>>, %arg22: memref<!tpu.dma_semaphore, #tpu.memory_space<semaphore_mem>>, %arg23: memref<!tpu.dma_semaphore, #tpu.memory_space<semaphore_mem>>, %arg24: memref<!tpu.dma_semaphore, #tpu.memory_space<semaphore_mem>>) attributes {dimension_semantics = [#tpu.dimension_semantics<core_parallel>, #tpu.dimension_semantics<subcore_parallel>], iteration_bounds = array<i64: 2, 16>, scalar_prefetch = 0 : i64, scratch_operands = 18 : i64, tpu.core_type = #tpu.core_type<sc_vector_subcore>, window_params = [{transform_indices = #map}, {transform_indices = #map1}, {transform_indices = #map1}, {transform_indices = #map}, {transform_indices = #map1}]} {
    %mul3A = arith.constant 16 : i32
    %mul3A_0 = arith.muli %arg0, %mul3A : i32
    %add3A = arith.addi %mul3A_0, %arg1 : i32
    %dma_start3A = arith.constant 0 : i32
    %dma_start3A_1 = arith.constant 0 : i32
    %dma_start3A_2 = tpu.memref_slice %arg3[%add3A, %dma_start3A, %dma_start3A_1] : memref<32x80x125xi32, #tpu.memory_space<hbm>> -> memref<1x80x125xi32, #tpu.memory_space<hbm>>
    %dma_start3A_3 = tpu.memref_squeeze %dma_start3A_2 : memref<1x80x125xi32, #tpu.memory_space<hbm>> -> memref<80x125xi32, #tpu.memory_space<hbm>>
    %dma_start3A_4 = arith.constant 0 : i32
    %dma_start3A_5 = arith.constant 0 : i32
    %dma_start3A_6 = tpu.memref_slice %arg3[%add3A, %dma_start3A_4, %dma_start3A_5] : memref<32x80x125xi32, #tpu.memory_space<hbm>> -> memref<1x80x125xi32, #tpu.memory_space<hbm>>
    %dma_start3A_7 = tpu.memref_squeeze %dma_start3A_6 : memref<1x80x125xi32, #tpu.memory_space<hbm>> -> memref<80x125xi32, #tpu.memory_space<hbm>>
    tpu.enqueue_dma source(%dma_start3A_7 : memref<80x125xi32, #tpu.memory_space<hbm>>) target(%arg7 : memref<80x125xi32, #tpu.memory_space<vmem>>) target_semaphore(%arg22 : memref<!tpu.dma_semaphore, #tpu.memory_space<semaphore_mem>>)
    %dma_start3A_8 = arith.constant 0 : i32
    %dma_start3A_9 = arith.constant 0 : i32
    %dma_start3A_10 = tpu.memref_slice %arg4[%add3A, %dma_start3A_8, %dma_start3A_9] : memref<32x80x125xi32, #tpu.memory_space<hbm>> -> memref<1x80x125xi32, #tpu.memory_space<hbm>>
    %dma_start3A_11 = tpu.memref_squeeze %dma_start3A_10 : memref<1x80x125xi32, #tpu.memory_space<hbm>> -> memref<80x125xi32, #tpu.memory_space<hbm>>
    %dma_start3A_12 = arith.constant 0 : i32
    %dma_start3A_13 = arith.constant 0 : i32
    %dma_start3A_14 = tpu.memref_slice %arg4[%add3A, %dma_start3A_12, %dma_start3A_13] : memref<32x80x125xi32, #tpu.memory_space<hbm>> -> memref<1x80x125xi32, #tpu.memory_space<hbm>>
    %dma_start3A_15 = tpu.memref_squeeze %dma_start3A_14 : memref<1x80x125xi32, #tpu.memory_space<hbm>> -> memref<80x125xi32, #tpu.memory_space<hbm>>
    tpu.enqueue_dma source(%dma_start3A_15 : memref<80x125xi32, #tpu.memory_space<hbm>>) target(%arg8 : memref<80x125xi32, #tpu.memory_space<vmem>>) target_semaphore(%arg23 : memref<!tpu.dma_semaphore, #tpu.memory_space<semaphore_mem>>)
    %mul3A_16 = arith.constant 625 : i32
    %mul3A_17 = arith.muli %arg1, %mul3A_16 : i32
    %dma_start3A_18 = arith.constant 0 : i32
    %dma_start3A_19 = tpu.memref_slice %arg2[%mul3A_17, %dma_start3A_18] : memref<10000x16xf32, #tpu.memory_space<hbm>> -> memref<625x16xf32, #tpu.memory_space<hbm>>
    %dma_start3A_20 = arith.constant 0 : i32
    %dma_start3A_21 = tpu.memref_slice %arg2[%mul3A_17, %dma_start3A_20] : memref<10000x16xf32, #tpu.memory_space<hbm>> -> memref<625x16xf32, #tpu.memory_space<hbm>>
    tpu.enqueue_dma source(%dma_start3A_21 : memref<625x16xf32, #tpu.memory_space<hbm>>) target(%arg11 : memref<625x16xf32, #tpu.memory_space<vmem>>) target_semaphore(%arg24 : memref<!tpu.dma_semaphore, #tpu.memory_space<semaphore_mem>>)
    "tpu.region"() ({
      %run_scoped3A = tpu.sem_alloc : memref<!tpu.dma_semaphore, #tpu.memory_space<semaphore_mem>>
      tpu.enqueue_dma source(%arg5 : memref<632x16xf32, #tpu.memory_space<hbm>>) target(%arg10 : memref<632x16xf32, #tpu.memory_space<vmem>>) target_semaphore(%run_scoped3A : memref<!tpu.dma_semaphore, #tpu.memory_space<semaphore_mem>>)
      tpu.wait_dma2 semaphore(%run_scoped3A : memref<!tpu.dma_semaphore, #tpu.memory_space<semaphore_mem>>) src(%arg5 : memref<632x16xf32, #tpu.memory_space<hbm>>) dst(%arg10 : memref<632x16xf32, #tpu.memory_space<vmem>>)
      tpu.yield
    }) : () -> ()
    %mul3A_22 = arith.constant 632 : i32
    %mul3A_23 = arith.muli %arg1, %mul3A_22 : i32
    "tpu.region"() ({
      %run_scoped3A = tpu.sem_alloc : memref<!tpu.dma_semaphore, #tpu.memory_space<semaphore_mem>>
      %dma_start3A_249 = arith.constant 0 : i32
      %dma_start3A_250 = tpu.memref_slice %arg12[%mul3A_23, %dma_start3A_249] : memref<10112x16xf32, #tpu.memory_space<vmem_shared>> -> memref<632x16xf32, #tpu.memory_space<vmem_shared>>
      %dma_start3A_251 = arith.constant 0 : i32
      %dma_start3A_252 = tpu.memref_slice %arg12[%mul3A_23, %dma_start3A_251] : memref<10112x16xf32, #tpu.memory_space<vmem_shared>> -> memref<632x16xf32, #tpu.memory_space<vmem_shared>>
      tpu.enqueue_dma source(%arg10 : memref<632x16xf32, #tpu.memory_space<vmem>>) target(%dma_start3A_252 : memref<632x16xf32, #tpu.memory_space<vmem_shared>>) target_semaphore(%run_scoped3A : memref<!tpu.dma_semaphore, #tpu.memory_space<semaphore_mem>>)
      %dma_wait3A_253 = arith.constant 0 : i32
      %dma_wait3A_254 = tpu.memref_slice %arg12[%mul3A_23, %dma_wait3A_253] : memref<10112x16xf32, #tpu.memory_space<vmem_shared>> -> memref<632x16xf32, #tpu.memory_space<vmem_shared>>
      %dma_wait3A_255 = arith.constant 0 : i32
      %dma_wait3A_256 = tpu.memref_slice %arg12[%mul3A_23, %dma_wait3A_255] : memref<10112x16xf32, #tpu.memory_space<vmem_shared>> -> memref<632x16xf32, #tpu.memory_space<vmem_shared>>
      tpu.wait_dma2 semaphore(%run_scoped3A : memref<!tpu.dma_semaphore, #tpu.memory_space<semaphore_mem>>) src(%arg10 : memref<632x16xf32, #tpu.memory_space<vmem>>) dst(%dma_wait3A_256 : memref<632x16xf32, #tpu.memory_space<vmem_shared>>)
      tpu.yield
    }) : () -> ()
    %mul3A_24 = arith.constant 625 : i32
    %mul3A_25 = arith.muli %arg1, %mul3A_24 : i32
    %dma_wait3A = arith.constant 0 : i32
    %dma_wait3A_26 = tpu.memref_slice %arg2[%mul3A_25, %dma_wait3A] : memref<10000x16xf32, #tpu.memory_space<hbm>> -> memref<625x16xf32, #tpu.memory_space<hbm>>
    %dma_wait3A_27 = arith.constant 0 : i32
    %dma_wait3A_28 = tpu.memref_slice %arg2[%mul3A_25, %dma_wait3A_27] : memref<10000x16xf32, #tpu.memory_space<hbm>> -> memref<625x16xf32, #tpu.memory_space<hbm>>
    tpu.wait_dma2 semaphore(%arg24 : memref<!tpu.dma_semaphore, #tpu.memory_space<semaphore_mem>>) src(%dma_wait3A_28 : memref<625x16xf32, #tpu.memory_space<hbm>>) dst(%arg11 : memref<625x16xf32, #tpu.memory_space<vmem>>)
    %mul3A_29 = arith.constant 625 : i32
    %mul3A_30 = arith.muli %arg1, %mul3A_29 : i32
    "tpu.region"() ({
      %run_scoped3A = tpu.sem_alloc : memref<!tpu.dma_semaphore, #tpu.memory_space<semaphore_mem>>
      %dma_start3A_249 = arith.constant 0 : i32
      %dma_start3A_250 = tpu.memref_slice %arg13[%mul3A_30, %dma_start3A_249] : memref<10000x16xf32, #tpu.memory_space<vmem_shared>> -> memref<625x16xf32, #tpu.memory_space<vmem_shared>>
      %dma_start3A_251 = arith.constant 0 : i32
      %dma_start3A_252 = tpu.memref_slice %arg13[%mul3A_30, %dma_start3A_251] : memref<10000x16xf32, #tpu.memory_space<vmem_shared>> -> memref<625x16xf32, #tpu.memory_space<vmem_shared>>
      tpu.enqueue_dma source(%arg11 : memref<625x16xf32, #tpu.memory_space<vmem>>) target(%dma_start3A_252 : memref<625x16xf32, #tpu.memory_space<vmem_shared>>) target_semaphore(%run_scoped3A : memref<!tpu.dma_semaphore, #tpu.memory_space<semaphore_mem>>)
      %dma_wait3A_253 = arith.constant 0 : i32
      %dma_wait3A_254 = tpu.memref_slice %arg13[%mul3A_30, %dma_wait3A_253] : memref<10000x16xf32, #tpu.memory_space<vmem_shared>> -> memref<625x16xf32, #tpu.memory_space<vmem_shared>>
      %dma_wait3A_255 = arith.constant 0 : i32
      %dma_wait3A_256 = tpu.memref_slice %arg13[%mul3A_30, %dma_wait3A_255] : memref<10000x16xf32, #tpu.memory_space<vmem_shared>> -> memref<625x16xf32, #tpu.memory_space<vmem_shared>>
      tpu.wait_dma2 semaphore(%run_scoped3A : memref<!tpu.dma_semaphore, #tpu.memory_space<semaphore_mem>>) src(%arg11 : memref<625x16xf32, #tpu.memory_space<vmem>>) dst(%dma_wait3A_256 : memref<625x16xf32, #tpu.memory_space<vmem_shared>>)
      tpu.yield
    }) : () -> ()
    %dma_wait3A_31 = arith.constant 0 : i32
    %dma_wait3A_32 = arith.constant 0 : i32
    %dma_wait3A_33 = tpu.memref_slice %arg3[%add3A, %dma_wait3A_31, %dma_wait3A_32] : memref<32x80x125xi32, #tpu.memory_space<hbm>> -> memref<1x80x125xi32, #tpu.memory_space<hbm>>
    %dma_wait3A_34 = tpu.memref_squeeze %dma_wait3A_33 : memref<1x80x125xi32, #tpu.memory_space<hbm>> -> memref<80x125xi32, #tpu.memory_space<hbm>>
    %dma_wait3A_35 = arith.constant 0 : i32
    %dma_wait3A_36 = arith.constant 0 : i32
    %dma_wait3A_37 = tpu.memref_slice %arg3[%add3A, %dma_wait3A_35, %dma_wait3A_36] : memref<32x80x125xi32, #tpu.memory_space<hbm>> -> memref<1x80x125xi32, #tpu.memory_space<hbm>>
    %dma_wait3A_38 = tpu.memref_squeeze %dma_wait3A_37 : memref<1x80x125xi32, #tpu.memory_space<hbm>> -> memref<80x125xi32, #tpu.memory_space<hbm>>
    tpu.wait_dma2 semaphore(%arg22 : memref<!tpu.dma_semaphore, #tpu.memory_space<semaphore_mem>>) src(%dma_wait3A_38 : memref<80x125xi32, #tpu.memory_space<hbm>>) dst(%arg7 : memref<80x125xi32, #tpu.memory_space<vmem>>)
    %dma_wait3A_39 = arith.constant 0 : i32
    %dma_wait3A_40 = arith.constant 0 : i32
    %dma_wait3A_41 = tpu.memref_slice %arg4[%add3A, %dma_wait3A_39, %dma_wait3A_40] : memref<32x80x125xi32, #tpu.memory_space<hbm>> -> memref<1x80x125xi32, #tpu.memory_space<hbm>>
    %dma_wait3A_42 = tpu.memref_squeeze %dma_wait3A_41 : memref<1x80x125xi32, #tpu.memory_space<hbm>> -> memref<80x125xi32, #tpu.memory_space<hbm>>
    %dma_wait3A_43 = arith.constant 0 : i32
    %dma_wait3A_44 = arith.constant 0 : i32
    %dma_wait3A_45 = tpu.memref_slice %arg4[%add3A, %dma_wait3A_43, %dma_wait3A_44] : memref<32x80x125xi32, #tpu.memory_space<hbm>> -> memref<1x80x125xi32, #tpu.memory_space<hbm>>
    %dma_wait3A_46 = tpu.memref_squeeze %dma_wait3A_45 : memref<1x80x125xi32, #tpu.memory_space<hbm>> -> memref<80x125xi32, #tpu.memory_space<hbm>>
    tpu.wait_dma2 semaphore(%arg23 : memref<!tpu.dma_semaphore, #tpu.memory_space<semaphore_mem>>) src(%dma_wait3A_46 : memref<80x125xi32, #tpu.memory_space<hbm>>) dst(%arg8 : memref<80x125xi32, #tpu.memory_space<vmem>>)
    %barrier3A = arith.constant 0 : index
    tpu.barrier barrier_id(%barrier3A)
    %dma_start3A_47 = arith.constant 0 : i32
    %dma_start3A_48 = arith.constant 0 : i32
    %dma_start3A_49 = arith.constant 0 : i32
    %dma_start3A_50 = arith.constant 0 : i32
    %dma_start3A_51 = tpu.memref_slice %arg9[%dma_start3A_48, %dma_start3A_49, %dma_start3A_50] : memref<4x125x16xf32, #tpu.memory_space<vmem>> -> memref<1x125x16xf32, #tpu.memory_space<vmem>>
    %dma_start3A_52 = tpu.memref_squeeze %dma_start3A_51 : memref<1x125x16xf32, #tpu.memory_space<vmem>> -> memref<125x16xf32, #tpu.memory_space<vmem>>
    %dma_start3A_53 = arith.constant 0 : i32
    %dma_start3A_54 = tpu.memref_slice %arg7[%dma_start3A_47, %dma_start3A_53] : memref<80x125xi32, #tpu.memory_space<vmem>> -> memref<1x125xi32, #tpu.memory_space<vmem>>
    %dma_start3A_55 = tpu.memref_squeeze %dma_start3A_54 : memref<1x125xi32, #tpu.memory_space<vmem>> -> memref<125xi32, #tpu.memory_space<vmem>>
    %dma_start3A_56 = arith.constant 0 : i32
    %dma_start3A_57 = arith.constant 0 : i32
    %dma_start3A_58 = tpu.memref_slice %arg13[%dma_start3A_56, %dma_start3A_57] : memref<10000x16xf32, #tpu.memory_space<vmem_shared>> -> memref<10000x16xf32, #tpu.memory_space<vmem_shared>>
    tpu.enqueue_indirect_dma source(%dma_start3A_58 : memref<10000x16xf32, #tpu.memory_space<vmem_shared>>) target(%dma_start3A_52 : memref<125x16xf32, #tpu.memory_space<vmem>>) offsets(%dma_start3A_55 : memref<125xi32, #tpu.memory_space<vmem>>) semaphore(%arg14 : memref<!tpu.dma_semaphore, #tpu.memory_space<semaphore_mem>>)
    %dma_start3A_59 = arith.constant 1 : i32
    %dma_start3A_60 = arith.constant 1 : i32
    %dma_start3A_61 = arith.constant 0 : i32
    %dma_start3A_62 = arith.constant 0 : i32
    %dma_start3A_63 = tpu.memref_slice %arg9[%dma_start3A_60, %dma_start3A_61, %dma_start3A_62] : memref<4x125x16xf32, #tpu.memory_space<vmem>> -> memref<1x125x16xf32, #tpu.memory_space<vmem>>
    %dma_start3A_64 = tpu.memref_squeeze %dma_start3A_63 : memref<1x125x16xf32, #tpu.memory_space<vmem>> -> memref<125x16xf32, #tpu.memory_space<vmem>>
    %dma_start3A_65 = arith.constant 0 : i32
    %dma_start3A_66 = tpu.memref_slice %arg7[%dma_start3A_59, %dma_start3A_65] : memref<80x125xi32, #tpu.memory_space<vmem>> -> memref<1x125xi32, #tpu.memory_space<vmem>>
    %dma_start3A_67 = tpu.memref_squeeze %dma_start3A_66 : memref<1x125xi32, #tpu.memory_space<vmem>> -> memref<125xi32, #tpu.memory_space<vmem>>
    %dma_start3A_68 = arith.constant 0 : i32
    %dma_start3A_69 = arith.constant 0 : i32
    %dma_start3A_70 = tpu.memref_slice %arg13[%dma_start3A_68, %dma_start3A_69] : memref<10000x16xf32, #tpu.memory_space<vmem_shared>> -> memref<10000x16xf32, #tpu.memory_space<vmem_shared>>
    tpu.enqueue_indirect_dma source(%dma_start3A_70 : memref<10000x16xf32, #tpu.memory_space<vmem_shared>>) target(%dma_start3A_64 : memref<125x16xf32, #tpu.memory_space<vmem>>) offsets(%dma_start3A_67 : memref<125xi32, #tpu.memory_space<vmem>>) semaphore(%arg15 : memref<!tpu.dma_semaphore, #tpu.memory_space<semaphore_mem>>)
    %dma_wait3A_71 = arith.constant 0 : i32
    %dma_wait3A_72 = arith.constant 0 : i32
    %dma_wait3A_73 = arith.constant 0 : i32
    %dma_wait3A_74 = arith.constant 0 : i32
    %dma_wait3A_75 = tpu.memref_slice %arg9[%dma_wait3A_72, %dma_wait3A_73, %dma_wait3A_74] : memref<4x125x16xf32, #tpu.memory_space<vmem>> -> memref<1x125x16xf32, #tpu.memory_space<vmem>>
    %dma_wait3A_76 = tpu.memref_squeeze %dma_wait3A_75 : memref<1x125x16xf32, #tpu.memory_space<vmem>> -> memref<125x16xf32, #tpu.memory_space<vmem>>
    %dma_wait3A_77 = arith.constant 0 : i32
    %dma_wait3A_78 = tpu.memref_slice %arg7[%dma_wait3A_71, %dma_wait3A_77] : memref<80x125xi32, #tpu.memory_space<vmem>> -> memref<1x125xi32, #tpu.memory_space<vmem>>
    %dma_wait3A_79 = tpu.memref_squeeze %dma_wait3A_78 : memref<1x125xi32, #tpu.memory_space<vmem>> -> memref<125xi32, #tpu.memory_space<vmem>>
    %dma_wait3A_80 = arith.constant 0 : i32
    %dma_wait3A_81 = arith.constant 0 : i32
    %dma_wait3A_82 = tpu.memref_slice %arg13[%dma_wait3A_80, %dma_wait3A_81] : memref<10000x16xf32, #tpu.memory_space<vmem_shared>> -> memref<10000x16xf32, #tpu.memory_space<vmem_shared>>
    tpu.wait_indirect_dma semaphore(%arg14 : memref<!tpu.dma_semaphore, #tpu.memory_space<semaphore_mem>>) src(%dma_wait3A_82 : memref<10000x16xf32, #tpu.memory_space<vmem_shared>>) dst(%dma_wait3A_76 : memref<125x16xf32, #tpu.memory_space<vmem>>)
    %dma_start3A_83 = arith.constant 0 : i32
    %dma_start3A_84 = arith.constant 0 : i32
    %dma_start3A_85 = arith.constant 0 : i32
    %dma_start3A_86 = arith.constant 0 : i32
    %dma_start3A_87 = tpu.memref_slice %arg9[%dma_start3A_83, %dma_start3A_85, %dma_start3A_86] : memref<4x125x16xf32, #tpu.memory_space<vmem>> -> memref<1x125x16xf32, #tpu.memory_space<vmem>>
    %dma_start3A_88 = tpu.memref_squeeze %dma_start3A_87 : memref<1x125x16xf32, #tpu.memory_space<vmem>> -> memref<125x16xf32, #tpu.memory_space<vmem>>
    %dma_start3A_89 = arith.constant 0 : i32
    %dma_start3A_90 = tpu.memref_slice %arg8[%dma_start3A_84, %dma_start3A_89] : memref<80x125xi32, #tpu.memory_space<vmem>> -> memref<1x125xi32, #tpu.memory_space<vmem>>
    %dma_start3A_91 = tpu.memref_squeeze %dma_start3A_90 : memref<1x125xi32, #tpu.memory_space<vmem>> -> memref<125xi32, #tpu.memory_space<vmem>>
    %dma_start3A_92 = arith.constant 0 : i32
    %dma_start3A_93 = arith.constant 0 : i32
    %dma_start3A_94 = tpu.memref_slice %arg12[%dma_start3A_92, %dma_start3A_93] : memref<10112x16xf32, #tpu.memory_space<vmem_shared>> -> memref<10112x16xf32, #tpu.memory_space<vmem_shared>>
    tpu.enqueue_indirect_dma source(%dma_start3A_88 : memref<125x16xf32, #tpu.memory_space<vmem>>) target(%dma_start3A_94 : memref<10112x16xf32, #tpu.memory_space<vmem_shared>>) offsets(%dma_start3A_91 : memref<125xi32, #tpu.memory_space<vmem>>) semaphore(%arg18 : memref<!tpu.dma_semaphore, #tpu.memory_space<semaphore_mem>>) {add = true}
    %dma_start3A_95 = arith.constant 2 : i32
    %dma_start3A_96 = arith.constant 2 : i32
    %dma_start3A_97 = arith.constant 0 : i32
    %dma_start3A_98 = arith.constant 0 : i32
    %dma_start3A_99 = tpu.memref_slice %arg9[%dma_start3A_96, %dma_start3A_97, %dma_start3A_98] : memref<4x125x16xf32, #tpu.memory_space<vmem>> -> memref<1x125x16xf32, #tpu.memory_space<vmem>>
    %dma_start3A_100 = tpu.memref_squeeze %dma_start3A_99 : memref<1x125x16xf32, #tpu.memory_space<vmem>> -> memref<125x16xf32, #tpu.memory_space<vmem>>
    %dma_start3A_101 = arith.constant 0 : i32
    %dma_start3A_102 = tpu.memref_slice %arg7[%dma_start3A_95, %dma_start3A_101] : memref<80x125xi32, #tpu.memory_space<vmem>> -> memref<1x125xi32, #tpu.memory_space<vmem>>
    %dma_start3A_103 = tpu.memref_squeeze %dma_start3A_102 : memref<1x125xi32, #tpu.memory_space<vmem>> -> memref<125xi32, #tpu.memory_space<vmem>>
    %dma_start3A_104 = arith.constant 0 : i32
    %dma_start3A_105 = arith.constant 0 : i32
    %dma_start3A_106 = tpu.memref_slice %arg13[%dma_start3A_104, %dma_start3A_105] : memref<10000x16xf32, #tpu.memory_space<vmem_shared>> -> memref<10000x16xf32, #tpu.memory_space<vmem_shared>>
    tpu.enqueue_indirect_dma source(%dma_start3A_106 : memref<10000x16xf32, #tpu.memory_space<vmem_shared>>) target(%dma_start3A_100 : memref<125x16xf32, #tpu.memory_space<vmem>>) offsets(%dma_start3A_103 : memref<125xi32, #tpu.memory_space<vmem>>) semaphore(%arg16 : memref<!tpu.dma_semaphore, #tpu.memory_space<semaphore_mem>>)
    %dma_wait3A_107 = arith.constant 0 : i32
    %dma_wait3A_108 = arith.constant 1 : i32
    %dma_wait3A_109 = arith.constant 0 : i32
    %dma_wait3A_110 = arith.constant 0 : i32
    %dma_wait3A_111 = tpu.memref_slice %arg9[%dma_wait3A_108, %dma_wait3A_109, %dma_wait3A_110] : memref<4x125x16xf32, #tpu.memory_space<vmem>> -> memref<1x125x16xf32, #tpu.memory_space<vmem>>
    %dma_wait3A_112 = tpu.memref_squeeze %dma_wait3A_111 : memref<1x125x16xf32, #tpu.memory_space<vmem>> -> memref<125x16xf32, #tpu.memory_space<vmem>>
    %dma_wait3A_113 = arith.constant 0 : i32
    %dma_wait3A_114 = tpu.memref_slice %arg7[%dma_wait3A_107, %dma_wait3A_113] : memref<80x125xi32, #tpu.memory_space<vmem>> -> memref<1x125xi32, #tpu.memory_space<vmem>>
    %dma_wait3A_115 = tpu.memref_squeeze %dma_wait3A_114 : memref<1x125xi32, #tpu.memory_space<vmem>> -> memref<125xi32, #tpu.memory_space<vmem>>
    %dma_wait3A_116 = arith.constant 0 : i32
    %dma_wait3A_117 = arith.constant 0 : i32
    %dma_wait3A_118 = tpu.memref_slice %arg13[%dma_wait3A_116, %dma_wait3A_117] : memref<10000x16xf32, #tpu.memory_space<vmem_shared>> -> memref<10000x16xf32, #tpu.memory_space<vmem_shared>>
    tpu.wait_indirect_dma semaphore(%arg15 : memref<!tpu.dma_semaphore, #tpu.memory_space<semaphore_mem>>) src(%dma_wait3A_118 : memref<10000x16xf32, #tpu.memory_space<vmem_shared>>) dst(%dma_wait3A_112 : memref<125x16xf32, #tpu.memory_space<vmem>>)
    %dma_start3A_119 = arith.constant 1 : i32
    %dma_start3A_120 = arith.constant 1 : i32
    %dma_start3A_121 = arith.constant 0 : i32
    %dma_start3A_122 = arith.constant 0 : i32
    %dma_start3A_123 = tpu.memref_slice %arg9[%dma_start3A_119, %dma_start3A_121, %dma_start3A_122] : memref<4x125x16xf32, #tpu.memory_space<vmem>> -> memref<1x125x16xf32, #tpu.memory_space<vmem>>
    %dma_start3A_124 = tpu.memref_squeeze %dma_start3A_123 : memref<1x125x16xf32, #tpu.memory_space<vmem>> -> memref<125x16xf32, #tpu.memory_space<vmem>>
    %dma_start3A_125 = arith.constant 0 : i32
    %dma_start3A_126 = tpu.memref_slice %arg8[%dma_start3A_120, %dma_start3A_125] : memref<80x125xi32, #tpu.memory_space<vmem>> -> memref<1x125xi32, #tpu.memory_space<vmem>>
    %dma_start3A_127 = tpu.memref_squeeze %dma_start3A_126 : memref<1x125xi32, #tpu.memory_space<vmem>> -> memref<125xi32, #tpu.memory_space<vmem>>
    %dma_start3A_128 = arith.constant 0 : i32
    %dma_start3A_129 = arith.constant 0 : i32
    %dma_start3A_130 = tpu.memref_slice %arg12[%dma_start3A_128, %dma_start3A_129] : memref<10112x16xf32, #tpu.memory_space<vmem_shared>> -> memref<10112x16xf32, #tpu.memory_space<vmem_shared>>
    tpu.enqueue_indirect_dma source(%dma_start3A_124 : memref<125x16xf32, #tpu.memory_space<vmem>>) target(%dma_start3A_130 : memref<10112x16xf32, #tpu.memory_space<vmem_shared>>) offsets(%dma_start3A_127 : memref<125xi32, #tpu.memory_space<vmem>>) semaphore(%arg19 : memref<!tpu.dma_semaphore, #tpu.memory_space<semaphore_mem>>) {add = true}
    %dma_start3A_131 = arith.constant 3 : i32
    %dma_start3A_132 = arith.constant 3 : i32
    %dma_start3A_133 = arith.constant 0 : i32
    %dma_start3A_134 = arith.constant 0 : i32
    %dma_start3A_135 = tpu.memref_slice %arg9[%dma_start3A_132, %dma_start3A_133, %dma_start3A_134] : memref<4x125x16xf32, #tpu.memory_space<vmem>> -> memref<1x125x16xf32, #tpu.memory_space<vmem>>
    %dma_start3A_136 = tpu.memref_squeeze %dma_start3A_135 : memref<1x125x16xf32, #tpu.memory_space<vmem>> -> memref<125x16xf32, #tpu.memory_space<vmem>>
    %dma_start3A_137 = arith.constant 0 : i32
    %dma_start3A_138 = tpu.memref_slice %arg7[%dma_start3A_131, %dma_start3A_137] : memref<80x125xi32, #tpu.memory_space<vmem>> -> memref<1x125xi32, #tpu.memory_space<vmem>>
    %dma_start3A_139 = tpu.memref_squeeze %dma_start3A_138 : memref<1x125xi32, #tpu.memory_space<vmem>> -> memref<125xi32, #tpu.memory_space<vmem>>
    %dma_start3A_140 = arith.constant 0 : i32
    %dma_start3A_141 = arith.constant 0 : i32
    %dma_start3A_142 = tpu.memref_slice %arg13[%dma_start3A_140, %dma_start3A_141] : memref<10000x16xf32, #tpu.memory_space<vmem_shared>> -> memref<10000x16xf32, #tpu.memory_space<vmem_shared>>
    tpu.enqueue_indirect_dma source(%dma_start3A_142 : memref<10000x16xf32, #tpu.memory_space<vmem_shared>>) target(%dma_start3A_136 : memref<125x16xf32, #tpu.memory_space<vmem>>) offsets(%dma_start3A_139 : memref<125xi32, #tpu.memory_space<vmem>>) semaphore(%arg17 : memref<!tpu.dma_semaphore, #tpu.memory_space<semaphore_mem>>)
    %scan3A = arith.constant 0 : i32
    %scan3A_143 = arith.constant 0 : i32
    %scan3A_144 = arith.constant 19 : i32
    %scan3A_145 = arith.addi %scan3A_143, %scan3A_144 : i32
    %scan3A_146 = arith.constant 1 : i32
    scf.for %scan3A_249 = %scan3A_143 to %scan3A_145 step %scan3A_146  : i32 {
      %mul3A_250 = arith.constant 4 : i32
      %mul3A_251 = arith.muli %mul3A_250, %scan3A_249 : i32
      %add3A_252 = arith.constant 2 : i32
      %add3A_253 = arith.addi %mul3A_251, %add3A_252 : i32
      %dma_wait3A_254 = arith.constant 0 : i32
      %dma_wait3A_255 = arith.constant 2 : i32
      %dma_wait3A_256 = arith.constant 0 : i32
      %dma_wait3A_257 = arith.constant 0 : i32
      %dma_wait3A_258 = tpu.memref_slice %arg9[%dma_wait3A_255, %dma_wait3A_256, %dma_wait3A_257] : memref<4x125x16xf32, #tpu.memory_space<vmem>> -> memref<1x125x16xf32, #tpu.memory_space<vmem>>
      %dma_wait3A_259 = tpu.memref_squeeze %dma_wait3A_258 : memref<1x125x16xf32, #tpu.memory_space<vmem>> -> memref<125x16xf32, #tpu.memory_space<vmem>>
      %dma_wait3A_260 = arith.constant 0 : i32
      %dma_wait3A_261 = tpu.memref_slice %arg7[%dma_wait3A_254, %dma_wait3A_260] : memref<80x125xi32, #tpu.memory_space<vmem>> -> memref<1x125xi32, #tpu.memory_space<vmem>>
      %dma_wait3A_262 = tpu.memref_squeeze %dma_wait3A_261 : memref<1x125xi32, #tpu.memory_space<vmem>> -> memref<125xi32, #tpu.memory_space<vmem>>
      %dma_wait3A_263 = arith.constant 0 : i32
      %dma_wait3A_264 = arith.constant 0 : i32
      %dma_wait3A_265 = tpu.memref_slice %arg13[%dma_wait3A_263, %dma_wait3A_264] : memref<10000x16xf32, #tpu.memory_space<vmem_shared>> -> memref<10000x16xf32, #tpu.memory_space<vmem_shared>>
      tpu.wait_indirect_dma semaphore(%arg16 : memref<!tpu.dma_semaphore, #tpu.memory_space<semaphore_mem>>) src(%dma_wait3A_265 : memref<10000x16xf32, #tpu.memory_space<vmem_shared>>) dst(%dma_wait3A_259 : memref<125x16xf32, #tpu.memory_space<vmem>>)
      %add3A_266 = arith.constant 0 : i32
      %add3A_267 = arith.addi %add3A_253, %add3A_266 : i32
      %dma_start3A_268 = arith.constant 2 : i32
      %dma_start3A_269 = arith.constant 0 : i32
      %dma_start3A_270 = arith.constant 0 : i32
      %dma_start3A_271 = tpu.memref_slice %arg9[%dma_start3A_268, %dma_start3A_269, %dma_start3A_270] : memref<4x125x16xf32, #tpu.memory_space<vmem>> -> memref<1x125x16xf32, #tpu.memory_space<vmem>>
      %dma_start3A_272 = tpu.memref_squeeze %dma_start3A_271 : memref<1x125x16xf32, #tpu.memory_space<vmem>> -> memref<125x16xf32, #tpu.memory_space<vmem>>
      %dma_start3A_273 = arith.constant 0 : i32
      %dma_start3A_274 = tpu.memref_slice %arg8[%add3A_267, %dma_start3A_273] : memref<80x125xi32, #tpu.memory_space<vmem>> -> memref<1x125xi32, #tpu.memory_space<vmem>>
      %dma_start3A_275 = tpu.memref_squeeze %dma_start3A_274 : memref<1x125xi32, #tpu.memory_space<vmem>> -> memref<125xi32, #tpu.memory_space<vmem>>
      %dma_start3A_276 = arith.constant 0 : i32
      %dma_start3A_277 = arith.constant 0 : i32
      %dma_start3A_278 = tpu.memref_slice %arg12[%dma_start3A_276, %dma_start3A_277] : memref<10112x16xf32, #tpu.memory_space<vmem_shared>> -> memref<10112x16xf32, #tpu.memory_space<vmem_shared>>
      tpu.enqueue_indirect_dma source(%dma_start3A_272 : memref<125x16xf32, #tpu.memory_space<vmem>>) target(%dma_start3A_278 : memref<10112x16xf32, #tpu.memory_space<vmem_shared>>) offsets(%dma_start3A_275 : memref<125xi32, #tpu.memory_space<vmem>>) semaphore(%arg20 : memref<!tpu.dma_semaphore, #tpu.memory_space<semaphore_mem>>) {add = true}
      %dma_wait3A_279 = arith.constant 0 : i32
      %dma_wait3A_280 = arith.constant 0 : i32
      %dma_wait3A_281 = arith.constant 0 : i32
      %dma_wait3A_282 = arith.constant 0 : i32
      %dma_wait3A_283 = tpu.memref_slice %arg9[%dma_wait3A_279, %dma_wait3A_281, %dma_wait3A_282] : memref<4x125x16xf32, #tpu.memory_space<vmem>> -> memref<1x125x16xf32, #tpu.memory_space<vmem>>
      %dma_wait3A_284 = tpu.memref_squeeze %dma_wait3A_283 : memref<1x125x16xf32, #tpu.memory_space<vmem>> -> memref<125x16xf32, #tpu.memory_space<vmem>>
      %dma_wait3A_285 = arith.constant 0 : i32
      %dma_wait3A_286 = tpu.memref_slice %arg8[%dma_wait3A_280, %dma_wait3A_285] : memref<80x125xi32, #tpu.memory_space<vmem>> -> memref<1x125xi32, #tpu.memory_space<vmem>>
      %dma_wait3A_287 = tpu.memref_squeeze %dma_wait3A_286 : memref<1x125xi32, #tpu.memory_space<vmem>> -> memref<125xi32, #tpu.memory_space<vmem>>
      %dma_wait3A_288 = arith.constant 0 : i32
      %dma_wait3A_289 = arith.constant 0 : i32
      %dma_wait3A_290 = tpu.memref_slice %arg12[%dma_wait3A_288, %dma_wait3A_289] : memref<10112x16xf32, #tpu.memory_space<vmem_shared>> -> memref<10112x16xf32, #tpu.memory_space<vmem_shared>>
      tpu.wait_indirect_dma semaphore(%arg18 : memref<!tpu.dma_semaphore, #tpu.memory_space<semaphore_mem>>) src(%dma_wait3A_284 : memref<125x16xf32, #tpu.memory_space<vmem>>) dst(%dma_wait3A_290 : memref<10112x16xf32, #tpu.memory_space<vmem_shared>>)
      %add3A_291 = arith.constant 0 : i32
      %add3A_292 = arith.addi %add3A_253, %add3A_291 : i32
      %add3A_293 = arith.constant 2 : i32
      %add3A_294 = arith.addi %add3A_292, %add3A_293 : i32
      %dma_start3A_295 = arith.constant 0 : i32
      %dma_start3A_296 = arith.constant 0 : i32
      %dma_start3A_297 = arith.constant 0 : i32
      %dma_start3A_298 = tpu.memref_slice %arg9[%dma_start3A_295, %dma_start3A_296, %dma_start3A_297] : memref<4x125x16xf32, #tpu.memory_space<vmem>> -> memref<1x125x16xf32, #tpu.memory_space<vmem>>
      %dma_start3A_299 = tpu.memref_squeeze %dma_start3A_298 : memref<1x125x16xf32, #tpu.memory_space<vmem>> -> memref<125x16xf32, #tpu.memory_space<vmem>>
      %dma_start3A_300 = arith.constant 0 : i32
      %dma_start3A_301 = tpu.memref_slice %arg7[%add3A_294, %dma_start3A_300] : memref<80x125xi32, #tpu.memory_space<vmem>> -> memref<1x125xi32, #tpu.memory_space<vmem>>
      %dma_start3A_302 = tpu.memref_squeeze %dma_start3A_301 : memref<1x125xi32, #tpu.memory_space<vmem>> -> memref<125xi32, #tpu.memory_space<vmem>>
      %dma_start3A_303 = arith.constant 0 : i32
      %dma_start3A_304 = arith.constant 0 : i32
      %dma_start3A_305 = tpu.memref_slice %arg13[%dma_start3A_303, %dma_start3A_304] : memref<10000x16xf32, #tpu.memory_space<vmem_shared>> -> memref<10000x16xf32, #tpu.memory_space<vmem_shared>>
      tpu.enqueue_indirect_dma source(%dma_start3A_305 : memref<10000x16xf32, #tpu.memory_space<vmem_shared>>) target(%dma_start3A_299 : memref<125x16xf32, #tpu.memory_space<vmem>>) offsets(%dma_start3A_302 : memref<125xi32, #tpu.memory_space<vmem>>) semaphore(%arg14 : memref<!tpu.dma_semaphore, #tpu.memory_space<semaphore_mem>>)
      %dma_wait3A_306 = arith.constant 0 : i32
      %dma_wait3A_307 = arith.constant 3 : i32
      %dma_wait3A_308 = arith.constant 0 : i32
      %dma_wait3A_309 = arith.constant 0 : i32
      %dma_wait3A_310 = tpu.memref_slice %arg9[%dma_wait3A_307, %dma_wait3A_308, %dma_wait3A_309] : memref<4x125x16xf32, #tpu.memory_space<vmem>> -> memref<1x125x16xf32, #tpu.memory_space<vmem>>
      %dma_wait3A_311 = tpu.memref_squeeze %dma_wait3A_310 : memref<1x125x16xf32, #tpu.memory_space<vmem>> -> memref<125x16xf32, #tpu.memory_space<vmem>>
      %dma_wait3A_312 = arith.constant 0 : i32
      %dma_wait3A_313 = tpu.memref_slice %arg7[%dma_wait3A_306, %dma_wait3A_312] : memref<80x125xi32, #tpu.memory_space<vmem>> -> memref<1x125xi32, #tpu.memory_space<vmem>>
      %dma_wait3A_314 = tpu.memref_squeeze %dma_wait3A_313 : memref<1x125xi32, #tpu.memory_space<vmem>> -> memref<125xi32, #tpu.memory_space<vmem>>
      %dma_wait3A_315 = arith.constant 0 : i32
      %dma_wait3A_316 = arith.constant 0 : i32
      %dma_wait3A_317 = tpu.memref_slice %arg13[%dma_wait3A_315, %dma_wait3A_316] : memref<10000x16xf32, #tpu.memory_space<vmem_shared>> -> memref<10000x16xf32, #tpu.memory_space<vmem_shared>>
      tpu.wait_indirect_dma semaphore(%arg17 : memref<!tpu.dma_semaphore, #tpu.memory_space<semaphore_mem>>) src(%dma_wait3A_317 : memref<10000x16xf32, #tpu.memory_space<vmem_shared>>) dst(%dma_wait3A_311 : memref<125x16xf32, #tpu.memory_space<vmem>>)
      %add3A_318 = arith.constant 1 : i32
      %add3A_319 = arith.addi %add3A_253, %add3A_318 : i32
      %dma_start3A_320 = arith.constant 3 : i32
      %dma_start3A_321 = arith.constant 0 : i32
      %dma_start3A_322 = arith.constant 0 : i32
      %dma_start3A_323 = tpu.memref_slice %arg9[%dma_start3A_320, %dma_start3A_321, %dma_start3A_322] : memref<4x125x16xf32, #tpu.memory_space<vmem>> -> memref<1x125x16xf32, #tpu.memory_space<vmem>>
      %dma_start3A_324 = tpu.memref_squeeze %dma_start3A_323 : memref<1x125x16xf32, #tpu.memory_space<vmem>> -> memref<125x16xf32, #tpu.memory_space<vmem>>
      %dma_start3A_325 = arith.constant 0 : i32
      %dma_start3A_326 = tpu.memref_slice %arg8[%add3A_319, %dma_start3A_325] : memref<80x125xi32, #tpu.memory_space<vmem>> -> memref<1x125xi32, #tpu.memory_space<vmem>>
      %dma_start3A_327 = tpu.memref_squeeze %dma_start3A_326 : memref<1x125xi32, #tpu.memory_space<vmem>> -> memref<125xi32, #tpu.memory_space<vmem>>
      %dma_start3A_328 = arith.constant 0 : i32
      %dma_start3A_329 = arith.constant 0 : i32
      %dma_start3A_330 = tpu.memref_slice %arg12[%dma_start3A_328, %dma_start3A_329] : memref<10112x16xf32, #tpu.memory_space<vmem_shared>> -> memref<10112x16xf32, #tpu.memory_space<vmem_shared>>
      tpu.enqueue_indirect_dma source(%dma_start3A_324 : memref<125x16xf32, #tpu.memory_space<vmem>>) target(%dma_start3A_330 : memref<10112x16xf32, #tpu.memory_space<vmem_shared>>) offsets(%dma_start3A_327 : memref<125xi32, #tpu.memory_space<vmem>>) semaphore(%arg21 : memref<!tpu.dma_semaphore, #tpu.memory_space<semaphore_mem>>) {add = true}
      %dma_wait3A_331 = arith.constant 1 : i32
      %dma_wait3A_332 = arith.constant 0 : i32
      %dma_wait3A_333 = arith.constant 0 : i32
      %dma_wait3A_334 = arith.constant 0 : i32
      %dma_wait3A_335 = tpu.memref_slice %arg9[%dma_wait3A_331, %dma_wait3A_333, %dma_wait3A_334] : memref<4x125x16xf32, #tpu.memory_space<vmem>> -> memref<1x125x16xf32, #tpu.memory_space<vmem>>
      %dma_wait3A_336 = tpu.memref_squeeze %dma_wait3A_335 : memref<1x125x16xf32, #tpu.memory_space<vmem>> -> memref<125x16xf32, #tpu.memory_space<vmem>>
      %dma_wait3A_337 = arith.constant 0 : i32
      %dma_wait3A_338 = tpu.memref_slice %arg8[%dma_wait3A_332, %dma_wait3A_337] : memref<80x125xi32, #tpu.memory_space<vmem>> -> memref<1x125xi32, #tpu.memory_space<vmem>>
      %dma_wait3A_339 = tpu.memref_squeeze %dma_wait3A_338 : memref<1x125xi32, #tpu.memory_space<vmem>> -> memref<125xi32, #tpu.memory_space<vmem>>
      %dma_wait3A_340 = arith.constant 0 : i32
      %dma_wait3A_341 = arith.constant 0 : i32
      %dma_wait3A_342 = tpu.memref_slice %arg12[%dma_wait3A_340, %dma_wait3A_341] : memref<10112x16xf32, #tpu.memory_space<vmem_shared>> -> memref<10112x16xf32, #tpu.memory_space<vmem_shared>>
      tpu.wait_indirect_dma semaphore(%arg19 : memref<!tpu.dma_semaphore, #tpu.memory_space<semaphore_mem>>) src(%dma_wait3A_336 : memref<125x16xf32, #tpu.memory_space<vmem>>) dst(%dma_wait3A_342 : memref<10112x16xf32, #tpu.memory_space<vmem_shared>>)
      %add3A_343 = arith.constant 1 : i32
      %add3A_344 = arith.addi %add3A_253, %add3A_343 : i32
      %add3A_345 = arith.constant 2 : i32
      %add3A_346 = arith.addi %add3A_344, %add3A_345 : i32
      %dma_start3A_347 = arith.constant 1 : i32
      %dma_start3A_348 = arith.constant 0 : i32
      %dma_start3A_349 = arith.constant 0 : i32
      %dma_start3A_350 = tpu.memref_slice %arg9[%dma_start3A_347, %dma_start3A_348, %dma_start3A_349] : memref<4x125x16xf32, #tpu.memory_space<vmem>> -> memref<1x125x16xf32, #tpu.memory_space<vmem>>
      %dma_start3A_351 = tpu.memref_squeeze %dma_start3A_350 : memref<1x125x16xf32, #tpu.memory_space<vmem>> -> memref<125x16xf32, #tpu.memory_space<vmem>>
      %dma_start3A_352 = arith.constant 0 : i32
      %dma_start3A_353 = tpu.memref_slice %arg7[%add3A_346, %dma_start3A_352] : memref<80x125xi32, #tpu.memory_space<vmem>> -> memref<1x125xi32, #tpu.memory_space<vmem>>
      %dma_start3A_354 = tpu.memref_squeeze %dma_start3A_353 : memref<1x125xi32, #tpu.memory_space<vmem>> -> memref<125xi32, #tpu.memory_space<vmem>>
      %dma_start3A_355 = arith.constant 0 : i32
      %dma_start3A_356 = arith.constant 0 : i32
      %dma_start3A_357 = tpu.memref_slice %arg13[%dma_start3A_355, %dma_start3A_356] : memref<10000x16xf32, #tpu.memory_space<vmem_shared>> -> memref<10000x16xf32, #tpu.memory_space<vmem_shared>>
      tpu.enqueue_indirect_dma source(%dma_start3A_357 : memref<10000x16xf32, #tpu.memory_space<vmem_shared>>) target(%dma_start3A_351 : memref<125x16xf32, #tpu.memory_space<vmem>>) offsets(%dma_start3A_354 : memref<125xi32, #tpu.memory_space<vmem>>) semaphore(%arg15 : memref<!tpu.dma_semaphore, #tpu.memory_space<semaphore_mem>>)
      %dma_wait3A_358 = arith.constant 0 : i32
      %dma_wait3A_359 = arith.constant 0 : i32
      %dma_wait3A_360 = arith.constant 0 : i32
      %dma_wait3A_361 = arith.constant 0 : i32
      %dma_wait3A_362 = tpu.memref_slice %arg9[%dma_wait3A_359, %dma_wait3A_360, %dma_wait3A_361] : memref<4x125x16xf32, #tpu.memory_space<vmem>> -> memref<1x125x16xf32, #tpu.memory_space<vmem>>
      %dma_wait3A_363 = tpu.memref_squeeze %dma_wait3A_362 : memref<1x125x16xf32, #tpu.memory_space<vmem>> -> memref<125x16xf32, #tpu.memory_space<vmem>>
      %dma_wait3A_364 = arith.constant 0 : i32
      %dma_wait3A_365 = tpu.memref_slice %arg7[%dma_wait3A_358, %dma_wait3A_364] : memref<80x125xi32, #tpu.memory_space<vmem>> -> memref<1x125xi32, #tpu.memory_space<vmem>>
      %dma_wait3A_366 = tpu.memref_squeeze %dma_wait3A_365 : memref<1x125xi32, #tpu.memory_space<vmem>> -> memref<125xi32, #tpu.memory_space<vmem>>
      %dma_wait3A_367 = arith.constant 0 : i32
      %dma_wait3A_368 = arith.constant 0 : i32
      %dma_wait3A_369 = tpu.memref_slice %arg13[%dma_wait3A_367, %dma_wait3A_368] : memref<10000x16xf32, #tpu.memory_space<vmem_shared>> -> memref<10000x16xf32, #tpu.memory_space<vmem_shared>>
      tpu.wait_indirect_dma semaphore(%arg14 : memref<!tpu.dma_semaphore, #tpu.memory_space<semaphore_mem>>) src(%dma_wait3A_369 : memref<10000x16xf32, #tpu.memory_space<vmem_shared>>) dst(%dma_wait3A_363 : memref<125x16xf32, #tpu.memory_space<vmem>>)
      %add3A_370 = arith.constant 2 : i32
      %add3A_371 = arith.addi %add3A_253, %add3A_370 : i32
      %dma_start3A_372 = arith.constant 0 : i32
      %dma_start3A_373 = arith.constant 0 : i32
      %dma_start3A_374 = arith.constant 0 : i32
      %dma_start3A_375 = tpu.memref_slice %arg9[%dma_start3A_372, %dma_start3A_373, %dma_start3A_374] : memref<4x125x16xf32, #tpu.memory_space<vmem>> -> memref<1x125x16xf32, #tpu.memory_space<vmem>>
      %dma_start3A_376 = tpu.memref_squeeze %dma_start3A_375 : memref<1x125x16xf32, #tpu.memory_space<vmem>> -> memref<125x16xf32, #tpu.memory_space<vmem>>
      %dma_start3A_377 = arith.constant 0 : i32
      %dma_start3A_378 = tpu.memref_slice %arg8[%add3A_371, %dma_start3A_377] : memref<80x125xi32, #tpu.memory_space<vmem>> -> memref<1x125xi32, #tpu.memory_space<vmem>>
      %dma_start3A_379 = tpu.memref_squeeze %dma_start3A_378 : memref<1x125xi32, #tpu.memory_space<vmem>> -> memref<125xi32, #tpu.memory_space<vmem>>
      %dma_start3A_380 = arith.constant 0 : i32
      %dma_start3A_381 = arith.constant 0 : i32
      %dma_start3A_382 = tpu.memref_slice %arg12[%dma_start3A_380, %dma_start3A_381] : memref<10112x16xf32, #tpu.memory_space<vmem_shared>> -> memref<10112x16xf32, #tpu.memory_space<vmem_shared>>
      tpu.enqueue_indirect_dma source(%dma_start3A_376 : memref<125x16xf32, #tpu.memory_space<vmem>>) target(%dma_start3A_382 : memref<10112x16xf32, #tpu.memory_space<vmem_shared>>) offsets(%dma_start3A_379 : memref<125xi32, #tpu.memory_space<vmem>>) semaphore(%arg18 : memref<!tpu.dma_semaphore, #tpu.memory_space<semaphore_mem>>) {add = true}
      %dma_wait3A_383 = arith.constant 2 : i32
      %dma_wait3A_384 = arith.constant 0 : i32
      %dma_wait3A_385 = arith.constant 0 : i32
      %dma_wait3A_386 = arith.constant 0 : i32
      %dma_wait3A_387 = tpu.memref_slice %arg9[%dma_wait3A_383, %dma_wait3A_385, %dma_wait3A_386] : memref<4x125x16xf32, #tpu.memory_space<vmem>> -> memref<1x125x16xf32, #tpu.memory_space<vmem>>
      %dma_wait3A_388 = tpu.memref_squeeze %dma_wait3A_387 : memref<1x125x16xf32, #tpu.memory_space<vmem>> -> memref<125x16xf32, #tpu.memory_space<vmem>>
      %dma_wait3A_389 = arith.constant 0 : i32
      %dma_wait3A_390 = tpu.memref_slice %arg8[%dma_wait3A_384, %dma_wait3A_389] : memref<80x125xi32, #tpu.memory_space<vmem>> -> memref<1x125xi32, #tpu.memory_space<vmem>>
      %dma_wait3A_391 = tpu.memref_squeeze %dma_wait3A_390 : memref<1x125xi32, #tpu.memory_space<vmem>> -> memref<125xi32, #tpu.memory_space<vmem>>
      %dma_wait3A_392 = arith.constant 0 : i32
      %dma_wait3A_393 = arith.constant 0 : i32
      %dma_wait3A_394 = tpu.memref_slice %arg12[%dma_wait3A_392, %dma_wait3A_393] : memref<10112x16xf32, #tpu.memory_space<vmem_shared>> -> memref<10112x16xf32, #tpu.memory_space<vmem_shared>>
      tpu.wait_indirect_dma semaphore(%arg20 : memref<!tpu.dma_semaphore, #tpu.memory_space<semaphore_mem>>) src(%dma_wait3A_388 : memref<125x16xf32, #tpu.memory_space<vmem>>) dst(%dma_wait3A_394 : memref<10112x16xf32, #tpu.memory_space<vmem_shared>>)
      %add3A_395 = arith.constant 2 : i32
      %add3A_396 = arith.addi %add3A_253, %add3A_395 : i32
      %add3A_397 = arith.constant 2 : i32
      %add3A_398 = arith.addi %add3A_396, %add3A_397 : i32
      %dma_start3A_399 = arith.constant 2 : i32
      %dma_start3A_400 = arith.constant 0 : i32
      %dma_start3A_401 = arith.constant 0 : i32
      %dma_start3A_402 = tpu.memref_slice %arg9[%dma_start3A_399, %dma_start3A_400, %dma_start3A_401] : memref<4x125x16xf32, #tpu.memory_space<vmem>> -> memref<1x125x16xf32, #tpu.memory_space<vmem>>
      %dma_start3A_403 = tpu.memref_squeeze %dma_start3A_402 : memref<1x125x16xf32, #tpu.memory_space<vmem>> -> memref<125x16xf32, #tpu.memory_space<vmem>>
      %dma_start3A_404 = arith.constant 0 : i32
      %dma_start3A_405 = tpu.memref_slice %arg7[%add3A_398, %dma_start3A_404] : memref<80x125xi32, #tpu.memory_space<vmem>> -> memref<1x125xi32, #tpu.memory_space<vmem>>
      %dma_start3A_406 = tpu.memref_squeeze %dma_start3A_405 : memref<1x125xi32, #tpu.memory_space<vmem>> -> memref<125xi32, #tpu.memory_space<vmem>>
      %dma_start3A_407 = arith.constant 0 : i32
      %dma_start3A_408 = arith.constant 0 : i32
      %dma_start3A_409 = tpu.memref_slice %arg13[%dma_start3A_407, %dma_start3A_408] : memref<10000x16xf32, #tpu.memory_space<vmem_shared>> -> memref<10000x16xf32, #tpu.memory_space<vmem_shared>>
      tpu.enqueue_indirect_dma source(%dma_start3A_409 : memref<10000x16xf32, #tpu.memory_space<vmem_shared>>) target(%dma_start3A_403 : memref<125x16xf32, #tpu.memory_space<vmem>>) offsets(%dma_start3A_406 : memref<125xi32, #tpu.memory_space<vmem>>) semaphore(%arg16 : memref<!tpu.dma_semaphore, #tpu.memory_space<semaphore_mem>>)
      %dma_wait3A_410 = arith.constant 0 : i32
      %dma_wait3A_411 = arith.constant 1 : i32
      %dma_wait3A_412 = arith.constant 0 : i32
      %dma_wait3A_413 = arith.constant 0 : i32
      %dma_wait3A_414 = tpu.memref_slice %arg9[%dma_wait3A_411, %dma_wait3A_412, %dma_wait3A_413] : memref<4x125x16xf32, #tpu.memory_space<vmem>> -> memref<1x125x16xf32, #tpu.memory_space<vmem>>
      %dma_wait3A_415 = tpu.memref_squeeze %dma_wait3A_414 : memref<1x125x16xf32, #tpu.memory_space<vmem>> -> memref<125x16xf32, #tpu.memory_space<vmem>>
      %dma_wait3A_416 = arith.constant 0 : i32
      %dma_wait3A_417 = tpu.memref_slice %arg7[%dma_wait3A_410, %dma_wait3A_416] : memref<80x125xi32, #tpu.memory_space<vmem>> -> memref<1x125xi32, #tpu.memory_space<vmem>>
      %dma_wait3A_418 = tpu.memref_squeeze %dma_wait3A_417 : memref<1x125xi32, #tpu.memory_space<vmem>> -> memref<125xi32, #tpu.memory_space<vmem>>
      %dma_wait3A_419 = arith.constant 0 : i32
      %dma_wait3A_420 = arith.constant 0 : i32
      %dma_wait3A_421 = tpu.memref_slice %arg13[%dma_wait3A_419, %dma_wait3A_420] : memref<10000x16xf32, #tpu.memory_space<vmem_shared>> -> memref<10000x16xf32, #tpu.memory_space<vmem_shared>>
      tpu.wait_indirect_dma semaphore(%arg15 : memref<!tpu.dma_semaphore, #tpu.memory_space<semaphore_mem>>) src(%dma_wait3A_421 : memref<10000x16xf32, #tpu.memory_space<vmem_shared>>) dst(%dma_wait3A_415 : memref<125x16xf32, #tpu.memory_space<vmem>>)
      %add3A_422 = arith.constant 3 : i32
      %add3A_423 = arith.addi %add3A_253, %add3A_422 : i32
      %dma_start3A_424 = arith.constant 1 : i32
      %dma_start3A_425 = arith.constant 0 : i32
      %dma_start3A_426 = arith.constant 0 : i32
      %dma_start3A_427 = tpu.memref_slice %arg9[%dma_start3A_424, %dma_start3A_425, %dma_start3A_426] : memref<4x125x16xf32, #tpu.memory_space<vmem>> -> memref<1x125x16xf32, #tpu.memory_space<vmem>>
      %dma_start3A_428 = tpu.memref_squeeze %dma_start3A_427 : memref<1x125x16xf32, #tpu.memory_space<vmem>> -> memref<125x16xf32, #tpu.memory_space<vmem>>
      %dma_start3A_429 = arith.constant 0 : i32
      %dma_start3A_430 = tpu.memref_slice %arg8[%add3A_423, %dma_start3A_429] : memref<80x125xi32, #tpu.memory_space<vmem>> -> memref<1x125xi32, #tpu.memory_space<vmem>>
      %dma_start3A_431 = tpu.memref_squeeze %dma_start3A_430 : memref<1x125xi32, #tpu.memory_space<vmem>> -> memref<125xi32, #tpu.memory_space<vmem>>
      %dma_start3A_432 = arith.constant 0 : i32
      %dma_start3A_433 = arith.constant 0 : i32
      %dma_start3A_434 = tpu.memref_slice %arg12[%dma_start3A_432, %dma_start3A_433] : memref<10112x16xf32, #tpu.memory_space<vmem_shared>> -> memref<10112x16xf32, #tpu.memory_space<vmem_shared>>
      tpu.enqueue_indirect_dma source(%dma_start3A_428 : memref<125x16xf32, #tpu.memory_space<vmem>>) target(%dma_start3A_434 : memref<10112x16xf32, #tpu.memory_space<vmem_shared>>) offsets(%dma_start3A_431 : memref<125xi32, #tpu.memory_space<vmem>>) semaphore(%arg19 : memref<!tpu.dma_semaphore, #tpu.memory_space<semaphore_mem>>) {add = true}
      %dma_wait3A_435 = arith.constant 3 : i32
      %dma_wait3A_436 = arith.constant 0 : i32
      %dma_wait3A_437 = arith.constant 0 : i32
      %dma_wait3A_438 = arith.constant 0 : i32
      %dma_wait3A_439 = tpu.memref_slice %arg9[%dma_wait3A_435, %dma_wait3A_437, %dma_wait3A_438] : memref<4x125x16xf32, #tpu.memory_space<vmem>> -> memref<1x125x16xf32, #tpu.memory_space<vmem>>
      %dma_wait3A_440 = tpu.memref_squeeze %dma_wait3A_439 : memref<1x125x16xf32, #tpu.memory_space<vmem>> -> memref<125x16xf32, #tpu.memory_space<vmem>>
      %dma_wait3A_441 = arith.constant 0 : i32
      %dma_wait3A_442 = tpu.memref_slice %arg8[%dma_wait3A_436, %dma_wait3A_441] : memref<80x125xi32, #tpu.memory_space<vmem>> -> memref<1x125xi32, #tpu.memory_space<vmem>>
      %dma_wait3A_443 = tpu.memref_squeeze %dma_wait3A_442 : memref<1x125xi32, #tpu.memory_space<vmem>> -> memref<125xi32, #tpu.memory_space<vmem>>
      %dma_wait3A_444 = arith.constant 0 : i32
      %dma_wait3A_445 = arith.constant 0 : i32
      %dma_wait3A_446 = tpu.memref_slice %arg12[%dma_wait3A_444, %dma_wait3A_445] : memref<10112x16xf32, #tpu.memory_space<vmem_shared>> -> memref<10112x16xf32, #tpu.memory_space<vmem_shared>>
      tpu.wait_indirect_dma semaphore(%arg21 : memref<!tpu.dma_semaphore, #tpu.memory_space<semaphore_mem>>) src(%dma_wait3A_440 : memref<125x16xf32, #tpu.memory_space<vmem>>) dst(%dma_wait3A_446 : memref<10112x16xf32, #tpu.memory_space<vmem_shared>>)
      %add3A_447 = arith.constant 3 : i32
      %add3A_448 = arith.addi %add3A_253, %add3A_447 : i32
      %add3A_449 = arith.constant 2 : i32
      %add3A_450 = arith.addi %add3A_448, %add3A_449 : i32
      %dma_start3A_451 = arith.constant 3 : i32
      %dma_start3A_452 = arith.constant 0 : i32
      %dma_start3A_453 = arith.constant 0 : i32
      %dma_start3A_454 = tpu.memref_slice %arg9[%dma_start3A_451, %dma_start3A_452, %dma_start3A_453] : memref<4x125x16xf32, #tpu.memory_space<vmem>> -> memref<1x125x16xf32, #tpu.memory_space<vmem>>
      %dma_start3A_455 = tpu.memref_squeeze %dma_start3A_454 : memref<1x125x16xf32, #tpu.memory_space<vmem>> -> memref<125x16xf32, #tpu.memory_space<vmem>>
      %dma_start3A_456 = arith.constant 0 : i32
      %dma_start3A_457 = tpu.memref_slice %arg7[%add3A_450, %dma_start3A_456] : memref<80x125xi32, #tpu.memory_space<vmem>> -> memref<1x125xi32, #tpu.memory_space<vmem>>
      %dma_start3A_458 = tpu.memref_squeeze %dma_start3A_457 : memref<1x125xi32, #tpu.memory_space<vmem>> -> memref<125xi32, #tpu.memory_space<vmem>>
      %dma_start3A_459 = arith.constant 0 : i32
      %dma_start3A_460 = arith.constant 0 : i32
      %dma_start3A_461 = tpu.memref_slice %arg13[%dma_start3A_459, %dma_start3A_460] : memref<10000x16xf32, #tpu.memory_space<vmem_shared>> -> memref<10000x16xf32, #tpu.memory_space<vmem_shared>>
      tpu.enqueue_indirect_dma source(%dma_start3A_461 : memref<10000x16xf32, #tpu.memory_space<vmem_shared>>) target(%dma_start3A_455 : memref<125x16xf32, #tpu.memory_space<vmem>>) offsets(%dma_start3A_458 : memref<125xi32, #tpu.memory_space<vmem>>) semaphore(%arg17 : memref<!tpu.dma_semaphore, #tpu.memory_space<semaphore_mem>>)
    }
    %scan3A_147 = arith.constant 19 : i32
    %dma_wait3A_148 = arith.constant 0 : i32
    %dma_wait3A_149 = arith.constant 2 : i32
    %dma_wait3A_150 = arith.constant 0 : i32
    %dma_wait3A_151 = arith.constant 0 : i32
    %dma_wait3A_152 = tpu.memref_slice %arg9[%dma_wait3A_149, %dma_wait3A_150, %dma_wait3A_151] : memref<4x125x16xf32, #tpu.memory_space<vmem>> -> memref<1x125x16xf32, #tpu.memory_space<vmem>>
    %dma_wait3A_153 = tpu.memref_squeeze %dma_wait3A_152 : memref<1x125x16xf32, #tpu.memory_space<vmem>> -> memref<125x16xf32, #tpu.memory_space<vmem>>
    %dma_wait3A_154 = arith.constant 0 : i32
    %dma_wait3A_155 = tpu.memref_slice %arg7[%dma_wait3A_148, %dma_wait3A_154] : memref<80x125xi32, #tpu.memory_space<vmem>> -> memref<1x125xi32, #tpu.memory_space<vmem>>
    %dma_wait3A_156 = tpu.memref_squeeze %dma_wait3A_155 : memref<1x125xi32, #tpu.memory_space<vmem>> -> memref<125xi32, #tpu.memory_space<vmem>>
    %dma_wait3A_157 = arith.constant 0 : i32
    %dma_wait3A_158 = arith.constant 0 : i32
    %dma_wait3A_159 = tpu.memref_slice %arg13[%dma_wait3A_157, %dma_wait3A_158] : memref<10000x16xf32, #tpu.memory_space<vmem_shared>> -> memref<10000x16xf32, #tpu.memory_space<vmem_shared>>
    tpu.wait_indirect_dma semaphore(%arg16 : memref<!tpu.dma_semaphore, #tpu.memory_space<semaphore_mem>>) src(%dma_wait3A_159 : memref<10000x16xf32, #tpu.memory_space<vmem_shared>>) dst(%dma_wait3A_153 : memref<125x16xf32, #tpu.memory_space<vmem>>)
    %dma_start3A_160 = arith.constant 2 : i32
    %dma_start3A_161 = arith.constant 78 : i32
    %dma_start3A_162 = arith.constant 0 : i32
    %dma_start3A_163 = arith.constant 0 : i32
    %dma_start3A_164 = tpu.memref_slice %arg9[%dma_start3A_160, %dma_start3A_162, %dma_start3A_163] : memref<4x125x16xf32, #tpu.memory_space<vmem>> -> memref<1x125x16xf32, #tpu.memory_space<vmem>>
    %dma_start3A_165 = tpu.memref_squeeze %dma_start3A_164 : memref<1x125x16xf32, #tpu.memory_space<vmem>> -> memref<125x16xf32, #tpu.memory_space<vmem>>
    %dma_start3A_166 = arith.constant 0 : i32
    %dma_start3A_167 = tpu.memref_slice %arg8[%dma_start3A_161, %dma_start3A_166] : memref<80x125xi32, #tpu.memory_space<vmem>> -> memref<1x125xi32, #tpu.memory_space<vmem>>
    %dma_start3A_168 = tpu.memref_squeeze %dma_start3A_167 : memref<1x125xi32, #tpu.memory_space<vmem>> -> memref<125xi32, #tpu.memory_space<vmem>>
    %dma_start3A_169 = arith.constant 0 : i32
    %dma_start3A_170 = arith.constant 0 : i32
    %dma_start3A_171 = tpu.memref_slice %arg12[%dma_start3A_169, %dma_start3A_170] : memref<10112x16xf32, #tpu.memory_space<vmem_shared>> -> memref<10112x16xf32, #tpu.memory_space<vmem_shared>>
    tpu.enqueue_indirect_dma source(%dma_start3A_165 : memref<125x16xf32, #tpu.memory_space<vmem>>) target(%dma_start3A_171 : memref<10112x16xf32, #tpu.memory_space<vmem_shared>>) offsets(%dma_start3A_168 : memref<125xi32, #tpu.memory_space<vmem>>) semaphore(%arg20 : memref<!tpu.dma_semaphore, #tpu.memory_space<semaphore_mem>>) {add = true}
    %dma_wait3A_172 = arith.constant 0 : i32
    %dma_wait3A_173 = arith.constant 3 : i32
    %dma_wait3A_174 = arith.constant 0 : i32
    %dma_wait3A_175 = arith.constant 0 : i32
    %dma_wait3A_176 = tpu.memref_slice %arg9[%dma_wait3A_173, %dma_wait3A_174, %dma_wait3A_175] : memref<4x125x16xf32, #tpu.memory_space<vmem>> -> memref<1x125x16xf32, #tpu.memory_space<vmem>>
    %dma_wait3A_177 = tpu.memref_squeeze %dma_wait3A_176 : memref<1x125x16xf32, #tpu.memory_space<vmem>> -> memref<125x16xf32, #tpu.memory_space<vmem>>
    %dma_wait3A_178 = arith.constant 0 : i32
    %dma_wait3A_179 = tpu.memref_slice %arg7[%dma_wait3A_172, %dma_wait3A_178] : memref<80x125xi32, #tpu.memory_space<vmem>> -> memref<1x125xi32, #tpu.memory_space<vmem>>
    %dma_wait3A_180 = tpu.memref_squeeze %dma_wait3A_179 : memref<1x125xi32, #tpu.memory_space<vmem>> -> memref<125xi32, #tpu.memory_space<vmem>>
    %dma_wait3A_181 = arith.constant 0 : i32
    %dma_wait3A_182 = arith.constant 0 : i32
    %dma_wait3A_183 = tpu.memref_slice %arg13[%dma_wait3A_181, %dma_wait3A_182] : memref<10000x16xf32, #tpu.memory_space<vmem_shared>> -> memref<10000x16xf32, #tpu.memory_space<vmem_shared>>
    tpu.wait_indirect_dma semaphore(%arg17 : memref<!tpu.dma_semaphore, #tpu.memory_space<semaphore_mem>>) src(%dma_wait3A_183 : memref<10000x16xf32, #tpu.memory_space<vmem_shared>>) dst(%dma_wait3A_177 : memref<125x16xf32, #tpu.memory_space<vmem>>)
    %dma_start3A_184 = arith.constant 3 : i32
    %dma_start3A_185 = arith.constant 79 : i32
    %dma_start3A_186 = arith.constant 0 : i32
    %dma_start3A_187 = arith.constant 0 : i32
    %dma_start3A_188 = tpu.memref_slice %arg9[%dma_start3A_184, %dma_start3A_186, %dma_start3A_187] : memref<4x125x16xf32, #tpu.memory_space<vmem>> -> memref<1x125x16xf32, #tpu.memory_space<vmem>>
    %dma_start3A_189 = tpu.memref_squeeze %dma_start3A_188 : memref<1x125x16xf32, #tpu.memory_space<vmem>> -> memref<125x16xf32, #tpu.memory_space<vmem>>
    %dma_start3A_190 = arith.constant 0 : i32
    %dma_start3A_191 = tpu.memref_slice %arg8[%dma_start3A_185, %dma_start3A_190] : memref<80x125xi32, #tpu.memory_space<vmem>> -> memref<1x125xi32, #tpu.memory_space<vmem>>
    %dma_start3A_192 = tpu.memref_squeeze %dma_start3A_191 : memref<1x125xi32, #tpu.memory_space<vmem>> -> memref<125xi32, #tpu.memory_space<vmem>>
    %dma_start3A_193 = arith.constant 0 : i32
    %dma_start3A_194 = arith.constant 0 : i32
    %dma_start3A_195 = tpu.memref_slice %arg12[%dma_start3A_193, %dma_start3A_194] : memref<10112x16xf32, #tpu.memory_space<vmem_shared>> -> memref<10112x16xf32, #tpu.memory_space<vmem_shared>>
    tpu.enqueue_indirect_dma source(%dma_start3A_189 : memref<125x16xf32, #tpu.memory_space<vmem>>) target(%dma_start3A_195 : memref<10112x16xf32, #tpu.memory_space<vmem_shared>>) offsets(%dma_start3A_192 : memref<125xi32, #tpu.memory_space<vmem>>) semaphore(%arg21 : memref<!tpu.dma_semaphore, #tpu.memory_space<semaphore_mem>>) {add = true}
    %dma_wait3A_196 = arith.constant 0 : i32
    %dma_wait3A_197 = arith.constant 0 : i32
    %dma_wait3A_198 = arith.constant 0 : i32
    %dma_wait3A_199 = arith.constant 0 : i32
    %dma_wait3A_200 = tpu.memref_slice %arg9[%dma_wait3A_196, %dma_wait3A_198, %dma_wait3A_199] : memref<4x125x16xf32, #tpu.memory_space<vmem>> -> memref<1x125x16xf32, #tpu.memory_space<vmem>>
    %dma_wait3A_201 = tpu.memref_squeeze %dma_wait3A_200 : memref<1x125x16xf32, #tpu.memory_space<vmem>> -> memref<125x16xf32, #tpu.memory_space<vmem>>
    %dma_wait3A_202 = arith.constant 0 : i32
    %dma_wait3A_203 = tpu.memref_slice %arg8[%dma_wait3A_197, %dma_wait3A_202] : memref<80x125xi32, #tpu.memory_space<vmem>> -> memref<1x125xi32, #tpu.memory_space<vmem>>
    %dma_wait3A_204 = tpu.memref_squeeze %dma_wait3A_203 : memref<1x125xi32, #tpu.memory_space<vmem>> -> memref<125xi32, #tpu.memory_space<vmem>>
    %dma_wait3A_205 = arith.constant 0 : i32
    %dma_wait3A_206 = arith.constant 0 : i32
    %dma_wait3A_207 = tpu.memref_slice %arg12[%dma_wait3A_205, %dma_wait3A_206] : memref<10112x16xf32, #tpu.memory_space<vmem_shared>> -> memref<10112x16xf32, #tpu.memory_space<vmem_shared>>
    tpu.wait_indirect_dma semaphore(%arg18 : memref<!tpu.dma_semaphore, #tpu.memory_space<semaphore_mem>>) src(%dma_wait3A_201 : memref<125x16xf32, #tpu.memory_space<vmem>>) dst(%dma_wait3A_207 : memref<10112x16xf32, #tpu.memory_space<vmem_shared>>)
    %dma_wait3A_208 = arith.constant 1 : i32
    %dma_wait3A_209 = arith.constant 0 : i32
    %dma_wait3A_210 = arith.constant 0 : i32
    %dma_wait3A_211 = arith.constant 0 : i32
    %dma_wait3A_212 = tpu.memref_slice %arg9[%dma_wait3A_208, %dma_wait3A_210, %dma_wait3A_211] : memref<4x125x16xf32, #tpu.memory_space<vmem>> -> memref<1x125x16xf32, #tpu.memory_space<vmem>>
    %dma_wait3A_213 = tpu.memref_squeeze %dma_wait3A_212 : memref<1x125x16xf32, #tpu.memory_space<vmem>> -> memref<125x16xf32, #tpu.memory_space<vmem>>
    %dma_wait3A_214 = arith.constant 0 : i32
    %dma_wait3A_215 = tpu.memref_slice %arg8[%dma_wait3A_209, %dma_wait3A_214] : memref<80x125xi32, #tpu.memory_space<vmem>> -> memref<1x125xi32, #tpu.memory_space<vmem>>
    %dma_wait3A_216 = tpu.memref_squeeze %dma_wait3A_215 : memref<1x125xi32, #tpu.memory_space<vmem>> -> memref<125xi32, #tpu.memory_space<vmem>>
    %dma_wait3A_217 = arith.constant 0 : i32
    %dma_wait3A_218 = arith.constant 0 : i32
    %dma_wait3A_219 = tpu.memref_slice %arg12[%dma_wait3A_217, %dma_wait3A_218] : memref<10112x16xf32, #tpu.memory_space<vmem_shared>> -> memref<10112x16xf32, #tpu.memory_space<vmem_shared>>
    tpu.wait_indirect_dma semaphore(%arg19 : memref<!tpu.dma_semaphore, #tpu.memory_space<semaphore_mem>>) src(%dma_wait3A_213 : memref<125x16xf32, #tpu.memory_space<vmem>>) dst(%dma_wait3A_219 : memref<10112x16xf32, #tpu.memory_space<vmem_shared>>)
    %dma_wait3A_220 = arith.constant 2 : i32
    %dma_wait3A_221 = arith.constant 0 : i32
    %dma_wait3A_222 = arith.constant 0 : i32
    %dma_wait3A_223 = arith.constant 0 : i32
    %dma_wait3A_224 = tpu.memref_slice %arg9[%dma_wait3A_220, %dma_wait3A_222, %dma_wait3A_223] : memref<4x125x16xf32, #tpu.memory_space<vmem>> -> memref<1x125x16xf32, #tpu.memory_space<vmem>>
    %dma_wait3A_225 = tpu.memref_squeeze %dma_wait3A_224 : memref<1x125x16xf32, #tpu.memory_space<vmem>> -> memref<125x16xf32, #tpu.memory_space<vmem>>
    %dma_wait3A_226 = arith.constant 0 : i32
    %dma_wait3A_227 = tpu.memref_slice %arg8[%dma_wait3A_221, %dma_wait3A_226] : memref<80x125xi32, #tpu.memory_space<vmem>> -> memref<1x125xi32, #tpu.memory_space<vmem>>
    %dma_wait3A_228 = tpu.memref_squeeze %dma_wait3A_227 : memref<1x125xi32, #tpu.memory_space<vmem>> -> memref<125xi32, #tpu.memory_space<vmem>>
    %dma_wait3A_229 = arith.constant 0 : i32
    %dma_wait3A_230 = arith.constant 0 : i32
    %dma_wait3A_231 = tpu.memref_slice %arg12[%dma_wait3A_229, %dma_wait3A_230] : memref<10112x16xf32, #tpu.memory_space<vmem_shared>> -> memref<10112x16xf32, #tpu.memory_space<vmem_shared>>
    tpu.wait_indirect_dma semaphore(%arg20 : memref<!tpu.dma_semaphore, #tpu.memory_space<semaphore_mem>>) src(%dma_wait3A_225 : memref<125x16xf32, #tpu.memory_space<vmem>>) dst(%dma_wait3A_231 : memref<10112x16xf32, #tpu.memory_space<vmem_shared>>)
    %dma_wait3A_232 = arith.constant 3 : i32
    %dma_wait3A_233 = arith.constant 0 : i32
    %dma_wait3A_234 = arith.constant 0 : i32
    %dma_wait3A_235 = arith.constant 0 : i32
    %dma_wait3A_236 = tpu.memref_slice %arg9[%dma_wait3A_232, %dma_wait3A_234, %dma_wait3A_235] : memref<4x125x16xf32, #tpu.memory_space<vmem>> -> memref<1x125x16xf32, #tpu.memory_space<vmem>>
    %dma_wait3A_237 = tpu.memref_squeeze %dma_wait3A_236 : memref<1x125x16xf32, #tpu.memory_space<vmem>> -> memref<125x16xf32, #tpu.memory_space<vmem>>
    %dma_wait3A_238 = arith.constant 0 : i32
    %dma_wait3A_239 = tpu.memref_slice %arg8[%dma_wait3A_233, %dma_wait3A_238] : memref<80x125xi32, #tpu.memory_space<vmem>> -> memref<1x125xi32, #tpu.memory_space<vmem>>
    %dma_wait3A_240 = tpu.memref_squeeze %dma_wait3A_239 : memref<1x125xi32, #tpu.memory_space<vmem>> -> memref<125xi32, #tpu.memory_space<vmem>>
    %dma_wait3A_241 = arith.constant 0 : i32
    %dma_wait3A_242 = arith.constant 0 : i32
    %dma_wait3A_243 = tpu.memref_slice %arg12[%dma_wait3A_241, %dma_wait3A_242] : memref<10112x16xf32, #tpu.memory_space<vmem_shared>> -> memref<10112x16xf32, #tpu.memory_space<vmem_shared>>
    tpu.wait_indirect_dma semaphore(%arg21 : memref<!tpu.dma_semaphore, #tpu.memory_space<semaphore_mem>>) src(%dma_wait3A_237 : memref<125x16xf32, #tpu.memory_space<vmem>>) dst(%dma_wait3A_243 : memref<10112x16xf32, #tpu.memory_space<vmem_shared>>)
    %barrier3A_244 = arith.constant 0 : index
    tpu.barrier barrier_id(%barrier3A_244)
    %mul3A_245 = arith.constant 632 : i32
    %mul3A_246 = arith.muli %arg1, %mul3A_245 : i32
    %mul3A_247 = arith.constant 632 : i32
    %mul3A_248 = arith.muli %arg1, %mul3A_247 : i32
    "tpu.region"() ({
      %run_scoped3A = tpu.sem_alloc : memref<!tpu.dma_semaphore, #tpu.memory_space<semaphore_mem>>
      %dma_start3A_249 = arith.constant 0 : i32
      %dma_start3A_250 = arith.constant 0 : i32
      %dma_start3A_251 = tpu.memref_slice %arg6[%arg0, %dma_start3A_249, %dma_start3A_250] : memref<2x10112x16xf32, #tpu.memory_space<hbm>> -> memref<1x10112x16xf32, #tpu.memory_space<hbm>>
      %dma_start3A_252 = tpu.memref_squeeze %dma_start3A_251 : memref<1x10112x16xf32, #tpu.memory_space<hbm>> -> memref<10112x16xf32, #tpu.memory_space<hbm>>
      %dma_start3A_253 = arith.constant 0 : i32
      %dma_start3A_254 = tpu.memref_slice %dma_start3A_252[%mul3A_248, %dma_start3A_253] : memref<10112x16xf32, #tpu.memory_space<hbm>> -> memref<632x16xf32, #tpu.memory_space<hbm>>
      %dma_start3A_255 = arith.constant 0 : i32
      %dma_start3A_256 = tpu.memref_slice %arg12[%mul3A_246, %dma_start3A_255] : memref<10112x16xf32, #tpu.memory_space<vmem_shared>> -> memref<632x16xf32, #tpu.memory_space<vmem_shared>>
      tpu.enqueue_dma source(%dma_start3A_256 : memref<632x16xf32, #tpu.memory_space<vmem_shared>>) target(%dma_start3A_254 : memref<632x16xf32, #tpu.memory_space<hbm>>) target_semaphore(%run_scoped3A : memref<!tpu.dma_semaphore, #tpu.memory_space<semaphore_mem>>)
      %dma_wait3A_257 = arith.constant 0 : i32
      %dma_wait3A_258 = arith.constant 0 : i32
      %dma_wait3A_259 = tpu.memref_slice %arg6[%arg0, %dma_wait3A_257, %dma_wait3A_258] : memref<2x10112x16xf32, #tpu.memory_space<hbm>> -> memref<1x10112x16xf32, #tpu.memory_space<hbm>>
      %dma_wait3A_260 = tpu.memref_squeeze %dma_wait3A_259 : memref<1x10112x16xf32, #tpu.memory_space<hbm>> -> memref<10112x16xf32, #tpu.memory_space<hbm>>
      %dma_wait3A_261 = arith.constant 0 : i32
      %dma_wait3A_262 = tpu.memref_slice %dma_wait3A_260[%mul3A_248, %dma_wait3A_261] : memref<10112x16xf32, #tpu.memory_space<hbm>> -> memref<632x16xf32, #tpu.memory_space<hbm>>
      %dma_wait3A_263 = arith.constant 0 : i32
      %dma_wait3A_264 = tpu.memref_slice %arg12[%mul3A_246, %dma_wait3A_263] : memref<10112x16xf32, #tpu.memory_space<vmem_shared>> -> memref<632x16xf32, #tpu.memory_space<vmem_shared>>
      tpu.wait_dma2 semaphore(%run_scoped3A : memref<!tpu.dma_semaphore, #tpu.memory_space<semaphore_mem>>) src(%dma_wait3A_264 : memref<632x16xf32, #tpu.memory_space<vmem_shared>>) dst(%dma_wait3A_262 : memref<632x16xf32, #tpu.memory_space<hbm>>)
      tpu.yield
    }) : () -> ()
    return
  }
}

module attributes {stable_mosaic.version = 14 : i64} {
  func.func @body(%arg0: memref<10000x128xf32, #tpu.memory_space<vmem>>, %arg1: memref<128x32xf32, #tpu.memory_space<vmem>>, %arg2: memref<2x10112x8xf32, #tpu.memory_space<vmem>>, %arg3: memref<10000x32xf32, #tpu.memory_space<vmem>>, %arg4: memref<10000x1xf32, #tpu.memory_space<vmem>>) attributes {dimension_semantics = [], scalar_prefetch = 0 : i64, scratch_operands = 0 : i64, tpu.core_type = #tpu.core_type<tc>} {
    %get3A = arith.constant 0 : index
    %get3A_0 = arith.constant 0 : index
    %get3A_1 = arith.constant 0 : index
    %get3A_2 = vector.load %arg2[%get3A, %get3A_0, %get3A_1] : memref<2x10112x8xf32, #tpu.memory_space<vmem>>, vector<1x10000x1xf32>
    %get3A_3 = vector.shape_cast %get3A_2 : vector<1x10000x1xf32> to vector<10000x1xf32>
    %get3A_4 = arith.constant 1 : index
    %get3A_5 = arith.constant 0 : index
    %get3A_6 = arith.constant 0 : index
    %get3A_7 = vector.load %arg2[%get3A_4, %get3A_5, %get3A_6] : memref<2x10112x8xf32, #tpu.memory_space<vmem>>, vector<1x10000x1xf32>
    %get3A_8 = vector.shape_cast %get3A_7 : vector<1x10000x1xf32> to vector<10000x1xf32>
    %add3A = arith.addf %get3A_3, %get3A_8 : vector<10000x1xf32>
    %gt3A = arith.constant 0.000000e+00 : f32
    %gt3A_9 = vector.broadcast %gt3A : f32 to vector<10000x1xf32>
    %gt3A_10 = arith.cmpf ogt, %add3A, %gt3A_9 : vector<10000x1xf32>
    %rsqrt3A = math.rsqrt %add3A : vector<10000x1xf32>
    %jit3A = arith.constant 0.000000e+00 : f32
    %broadcast_in_dim3A = vector.broadcast %jit3A : f32 to vector<10000x1xf32>
    %select_n3A = arith.select %gt3A_10, %rsqrt3A, %broadcast_in_dim3A : vector<10000x1xi1>, vector<10000x1xf32>
    %get3A_11 = arith.constant 0 : index
    %get3A_12 = arith.constant 0 : index
    %get3A_13 = vector.load %arg0[%get3A_11, %get3A_12] : memref<10000x128xf32, #tpu.memory_space<vmem>>, vector<10000x128xf32>
    %get3A_14 = arith.constant 0 : index
    %get3A_15 = arith.constant 0 : index
    %get3A_16 = vector.load %arg1[%get3A_14, %get3A_15] : memref<128x32xf32, #tpu.memory_space<vmem>>, vector<128x32xf32>
    %dot_general3A = arith.constant dense<0.000000e+00> : vector<10000x32xf32>
    %dot_general3A_17 = tpu.matmul %get3A_13, %get3A_16, %dot_general3A {dimension_numbers = #tpu.dot_dimension_numbers<[1], [0], [0], [1], [0, 0, 1, 1], [], []>, transpose_lhs_hint = false} : vector<10000x128xf32>, vector<128x32xf32>, vector<10000x32xf32> -> vector<10000x32xf32>
    %mul3A = vector.broadcast %select_n3A : vector<10000x1xf32> to vector<10000x32xf32>
    %mul3A_18 = arith.mulf %dot_general3A_17, %mul3A : vector<10000x32xf32>
    %swap3A = arith.constant 0 : index
    %swap3A_19 = arith.constant 0 : index
    %swap3A_20 = vector.load %arg3[%swap3A, %swap3A_19] : memref<10000x32xf32, #tpu.memory_space<vmem>>, vector<10000x32xf32>
    tpu.vector_store %arg3[%swap3A, %swap3A_19], %mul3A_18 {strides = array<i32>} : memref<10000x32xf32, #tpu.memory_space<vmem>>, vector<10000x32xf32>,
    %swap3A_21 = arith.constant 0 : index
    %swap3A_22 = arith.constant 0 : index
    %swap3A_23 = vector.load %arg4[%swap3A_21, %swap3A_22] : memref<10000x1xf32, #tpu.memory_space<vmem>>, vector<10000x1xf32>
    tpu.vector_store %arg4[%swap3A_21, %swap3A_22], %select_n3A {strides = array<i32>} : memref<10000x1xf32, #tpu.memory_space<vmem>>, vector<10000x1xf32>,
    return
  }
}

module attributes {stable_mosaic.version = 14 : i64} {
  func.func @body(%arg0: memref<2x10112x32xf32, #tpu.memory_space<vmem>>, %arg1: memref<10000x1xf32, #tpu.memory_space<vmem>>, %arg2: memref<1x32xf32, #tpu.memory_space<vmem>>, %arg3: memref<32x16xf32, #tpu.memory_space<vmem>>, %arg4: memref<10000x16xf32, #tpu.memory_space<vmem>>) attributes {dimension_semantics = [], scalar_prefetch = 0 : i64, scratch_operands = 0 : i64, tpu.core_type = #tpu.core_type<tc>} {
    %get3A = arith.constant 0 : index
    %get3A_0 = arith.constant 0 : index
    %get3A_1 = vector.load %arg1[%get3A, %get3A_0] : memref<10000x1xf32, #tpu.memory_space<vmem>>, vector<10000x1xf32>
    %get3A_2 = arith.constant 0 : index
    %get3A_3 = arith.constant 0 : index
    %get3A_4 = arith.constant 0 : index
    %get3A_5 = vector.load %arg0[%get3A_2, %get3A_3, %get3A_4] : memref<2x10112x32xf32, #tpu.memory_space<vmem>>, vector<1x10000x32xf32>
    %get3A_6 = vector.shape_cast %get3A_5 : vector<1x10000x32xf32> to vector<10000x32xf32>
    %get3A_7 = arith.constant 1 : index
    %get3A_8 = arith.constant 0 : index
    %get3A_9 = arith.constant 0 : index
    %get3A_10 = vector.load %arg0[%get3A_7, %get3A_8, %get3A_9] : memref<2x10112x32xf32, #tpu.memory_space<vmem>>, vector<1x10000x32xf32>
    %get3A_11 = vector.shape_cast %get3A_10 : vector<1x10000x32xf32> to vector<10000x32xf32>
    %add3A = arith.addf %get3A_6, %get3A_11 : vector<10000x32xf32>
    %mul3A = vector.broadcast %get3A_1 : vector<10000x1xf32> to vector<10000x32xf32>
    %mul3A_12 = arith.mulf %mul3A, %add3A : vector<10000x32xf32>
    %get3A_13 = arith.constant 0 : index
    %get3A_14 = arith.constant 0 : index
    %get3A_15 = vector.load %arg2[%get3A_13, %get3A_14] : memref<1x32xf32, #tpu.memory_space<vmem>>, vector<1x32xf32>
    %add3A_16 = vector.broadcast %get3A_15 : vector<1x32xf32> to vector<10000x32xf32>
    %add3A_17 = arith.addf %mul3A_12, %add3A_16 : vector<10000x32xf32>
    %max3A = arith.constant 0.000000e+00 : f32
    %max3A_18 = vector.broadcast %max3A : f32 to vector<10000x32xf32>
    %max3A_19 = arith.maximumf %add3A_17, %max3A_18 : vector<10000x32xf32>
    %get3A_20 = arith.constant 0 : index
    %get3A_21 = arith.constant 0 : index
    %get3A_22 = vector.load %arg3[%get3A_20, %get3A_21] : memref<32x16xf32, #tpu.memory_space<vmem>>, vector<32x16xf32>
    %dot_general3A = arith.constant dense<0.000000e+00> : vector<10000x16xf32>
    %dot_general3A_23 = tpu.matmul %max3A_19, %get3A_22, %dot_general3A {dimension_numbers = #tpu.dot_dimension_numbers<[1], [0], [0], [1], [0, 0, 1, 1], [], []>, transpose_lhs_hint = false} : vector<10000x32xf32>, vector<32x16xf32>, vector<10000x16xf32> -> vector<10000x16xf32>
    %mul3A_24 = vector.broadcast %get3A_1 : vector<10000x1xf32> to vector<10000x16xf32>
    %mul3A_25 = arith.mulf %mul3A_24, %dot_general3A_23 : vector<10000x16xf32>
    %swap3A = arith.constant 0 : index
    %swap3A_26 = arith.constant 0 : index
    %swap3A_27 = vector.load %arg4[%swap3A, %swap3A_26] : memref<10000x16xf32, #tpu.memory_space<vmem>>, vector<10000x16xf32>
    tpu.vector_store %arg4[%swap3A, %swap3A_26], %mul3A_25 {strides = array<i32>} : memref<10000x16xf32, #tpu.memory_space<vmem>>, vector<10000x16xf32>,
    return
  }
}

module attributes {stable_mosaic.version = 14 : i64} {
  func.func @body(%arg0: memref<2x10112x16xf32, #tpu.memory_space<vmem>>, %arg1: memref<10000x1xf32, #tpu.memory_space<vmem>>, %arg2: memref<1x16xf32, #tpu.memory_space<vmem>>, %arg3: memref<10000x16xf32, #tpu.memory_space<vmem>>) attributes {dimension_semantics = [], scalar_prefetch = 0 : i64, scratch_operands = 0 : i64, tpu.core_type = #tpu.core_type<tc>} {
    %get3A = arith.constant 0 : index
    %get3A_0 = arith.constant 0 : index
    %get3A_1 = arith.constant 0 : index
    %get3A_2 = vector.load %arg0[%get3A, %get3A_0, %get3A_1] : memref<2x10112x16xf32, #tpu.memory_space<vmem>>, vector<1x10000x16xf32>
    %get3A_3 = vector.shape_cast %get3A_2 : vector<1x10000x16xf32> to vector<10000x16xf32>
    %get3A_4 = arith.constant 1 : index
    %get3A_5 = arith.constant 0 : index
    %get3A_6 = arith.constant 0 : index
    %get3A_7 = vector.load %arg0[%get3A_4, %get3A_5, %get3A_6] : memref<2x10112x16xf32, #tpu.memory_space<vmem>>, vector<1x10000x16xf32>
    %get3A_8 = vector.shape_cast %get3A_7 : vector<1x10000x16xf32> to vector<10000x16xf32>
    %add3A = arith.addf %get3A_3, %get3A_8 : vector<10000x16xf32>
    %get3A_9 = arith.constant 0 : index
    %get3A_10 = arith.constant 0 : index
    %get3A_11 = vector.load %arg1[%get3A_9, %get3A_10] : memref<10000x1xf32, #tpu.memory_space<vmem>>, vector<10000x1xf32>
    %mul3A = vector.broadcast %get3A_11 : vector<10000x1xf32> to vector<10000x16xf32>
    %mul3A_12 = arith.mulf %mul3A, %add3A : vector<10000x16xf32>
    %get3A_13 = arith.constant 0 : index
    %get3A_14 = arith.constant 0 : index
    %get3A_15 = vector.load %arg2[%get3A_13, %get3A_14] : memref<1x16xf32, #tpu.memory_space<vmem>>, vector<1x16xf32>
    %add3A_16 = vector.broadcast %get3A_15 : vector<1x16xf32> to vector<10000x16xf32>
    %add3A_17 = arith.addf %mul3A_12, %add3A_16 : vector<10000x16xf32>
    %swap3A = arith.constant 0 : index
    %swap3A_18 = arith.constant 0 : index
    %swap3A_19 = vector.load %arg3[%swap3A, %swap3A_18] : memref<10000x16xf32, #tpu.memory_space<vmem>>, vector<10000x16xf32>
    tpu.vector_store %arg3[%swap3A, %swap3A_18], %add3A_17 {strides = array<i32>} : memref<10000x16xf32, #tpu.memory_space<vmem>>, vector<10000x16xf32>,
    return
  }
}

</mosaic_0001>

<sc_bundles>
// kernel: kernel.11.cloned.1.call-start
scs
__scs_entry_jumppad:
0x0: {  	(pc) =	sbr.rel $0x88, $3  }
0x1: {  	(tag) =	ssettag $0x0;
	lr =	simm.s32 $0x1  }
0x2: {  	[smem:$0x3F9B] =	sst lr;
	_ =	strace $0xD0000000  }
0x3: {  	_ = 	snop  }
0x4: {  	_ = 	snop  }
0x5: {  	_ = 	snop  }
0x6: {  	_ = 	snop  }
0x7: {  	_ = 	snop  }
__scs_overlays_trampoline_lowered:
0x8: {  	[smem:$0x3FAA] =	sst s0  }
0x9: {  	[smem:$0x3FAB] =	sst s1  }
0xa: {  	[smem:$0x3FAC] =	sst s2  }
0xb: {  	[smem:$0x3FAD] =	sst s3  }
0xc: {  	[smem:$0x3FAE] =	sst s4  }
0xd: {  	[smem:$0x3FAF] =	sst s5  }
0xe: {  	[smem:$0x3FB0] =	sst s6  }
0xf: {  	[smem:$0x3FB1] =	sst s7  }
0x10: {  	[smem:$0x3FB2] =	sst s8  }
0x11: {  	[smem:$0x3FB3] =	sst s9;
	s0 =	simm.s32 @!p0 $0x0  }
0x12: {  	s1 =	sld [smem:$0x3F99];
	s0 =	simm.s32 @p0 $0x1  }
0x13: {  	[smem:$0x3FB4] =	sst s0;
	s0 =	simm.s32 @!p1 $0x0  }
0x14: {  	s2 =	sld [smem:$0x3F98];
	s0 =	simm.s32 @p1 $0x1  }
0x15: {  	[smem:$0x3FB5] =	sst s0;
	s0 =	simm.s32 @!p2 $0x0  }
0x16: {  	s3 =	sld [smem:$0x3FDB];
	s0 =	simm.s32 @p2 $0x1  }
0x17: {  	s4 =	simm.s32 $0x1BF5;
	[smem:$0x3FB7] =	sst s0  }
0x18: {  	s0 =	sld [smem:$0x3F9A];
	_ =	swait.ge [sflag:s4], $0x0  }
0x19: {  	s7 =	sld [smem:$0x3F9B]  }
0x1a: {  	s8 =	sadd.s32 $0xFFFFE003, lr  }
0x1b: {  	s9 =	sadd.s32 $0xFFFFFEF7, lr;
	s5 =	simm.s32 $0xFFFFFFFF;
	p2 =	slt.u32 s8, $0xFFFFF086  }
0x1c: {  	p1 =	slt.u32 s9, $0xF7A;
	s5 =	simm.s32 @!p2 $0x0  }
0x1d: {  	s5 =	simm.s32 @p1 $0x1;
	p0 =	seq.s32 s7, s2  }
0x1e: {  	s7 =	smul.u32 @!p0 $0xF7A, s2;
	p2 =	seq.s32 @!p0 s5, $0x0  }
0x1f: {  	s9 =	smul.u32 $0xF7A, s1;
	s8 =	simm.s32 @!p0 $0x1BF5;
	p2 =	por !p2, p0  }
0x20: {  	[sflag:s8] =	ssyncset.s32 @!p0 $0xFFFFF086;
	s6 =	sadd.s32 @!p0 s3, s7;
	s7 =	simm.s32 @!p0 $0x108  }
0x21: {  	s3 =	sadd.s32 s3, s9;
	s6 =	sadd.s32 @!p0 $0x88, s6;
	s7 =	simm.s32 @p2 $0x1082  }
0x22: {  	[simem:s7], [sflag:s8] =	dma.local @!p0 [hbm:s6], $0xF7A  }
0x23: {  	s9 =	sor.u32 $0xD0000000, s2;
	s6 =	simm.s32 $0x108;
	_ =	swait.ge @!p0 [sflag:s8], $0x0  }
0x24: {  	s3 =	sadd.s32 $0x88, s3;
	s6 =	simm.s32 @!p1 $0x1082;
	[sflag:s4] =	ssyncset.s32 $0xFFFFF086  }
0x25: {  	[simem:s6], [sflag:s4] =	dma.local [hbm:s3], $0xF7A  }
0x26: {  	[smem:$0x3F9B] =	sst s1;
	(tag) =	ssettag s2;
	_ =	strace s9  }
0x27: {  	s1 =	sld [smem:$0x3FAB]  }
0x28: {  	s2 =	sld [smem:$0x3FAC]  }
0x29: {  	s4 =	sld [smem:$0x3FAE]  }
0x2a: {  	p0 =	seq.s32 s5, $0x0;
	s5 =	sld [smem:$0x3FAF]  }
0x2b: {  	s6 =	sld [smem:$0x3FB0]  }
0x2c: {  	s7 =	sld [smem:$0x3FB1]  }
0x2d: {  	s3 =	simm.s32 $0x108;
	s8 =	sld [smem:$0x3FB2]  }
0x2e: {  	s3 =	simm.s32 @!p0 $0x1082;
	s9 =	sld [smem:$0x3FB3]  }
0x2f: {  	lr =	sadd.s32 s0, s3;
	s0 =	sld [smem:$0x3FAA]  }
0x30: {  	s3 =	sld [smem:$0x3FAD]  }
0x31: {  	[smem:$0x3FB6] =	sst s10  }
0x32: {  	s10 =	sld [smem:$0x3FB4];
	_ =	sdelay $0x3  }
0x33: {  	p0 =	seq.s32 s10, $0x1;
	s10 =	sld [smem:$0x3FB6];
	_ =	sdelay $0x3  }
0x34: {  	[smem:$0x3FB6] =	sst s10  }
0x35: {  	s10 =	sld [smem:$0x3FB5];
	_ =	sdelay $0x3  }
0x36: {  	p1 =	seq.s32 s10, $0x1;
	s10 =	sld [smem:$0x3FB6];
	_ =	sdelay $0x3  }
0x37: {  	[smem:$0x3FB6] =	sst s10  }
0x38: {  	s10 =	sld [smem:$0x3FB7]  }
0x39: {  	_ = 	snop;
	(pc) =	sbr.ind lr, $3  }
0x3a: {  	_ = 	snop  }
0x3b: {  	_ = 	snop  }
0x3c: {  	p2 =	seq.s32 s10, $0x1;
	s10 =	sld [smem:$0x3FB6]  }
0x3d: {  	_ =	shalt  }
0x3e: {  	_ =	shalt  }
0x3f: {  	_ =	shalt  }
0x40: {  	_ =	shalt  }
0x41: {  	_ =	shalt  }
0x42: {  	_ =	shalt  }
0x43: {  	_ =	shalt  }
0x44: {  	_ =	shalt  }
0x45: {  	_ =	shalt  }
0x46: {  	_ =	shalt  }
0x47: {  	_ =	shalt  }
0x48: {  	_ =	shalt  }
0x49: {  	_ =	shalt  }
0x4a: {  	_ =	shalt  }
0x4b: {  	_ =	shalt  }
0x4c: {  	_ =	shalt  }
0x4d: {  	_ =	shalt  }
0x4e: {  	_ =	shalt  }
0x4f: {  	_ =	shalt  }
0x50: {  	_ =	shalt  }
0x51: {  	_ =	shalt  }
0x52: {  	_ =	shalt  }
0x53: {  	_ =	shalt  }
0x54: {  	_ =	shalt  }
0x55: {  	_ =	shalt  }
0x56: {  	_ =	shalt  }
0x57: {  	_ =	shalt  }
0x58: {  	_ =	shalt  }
0x59: {  	_ =	shalt  }
0x5a: {  	_ =	shalt  }
0x5b: {  	_ =	shalt  }
0x5c: {  	_ =	shalt  }
0x5d: {  	_ =	shalt  }
0x5e: {  	_ =	shalt  }
0x5f: {  	_ =	shalt  }
0x60: {  	_ =	shalt  }
0x61: {  	_ =	shalt  }
0x62: {  	_ =	shalt  }
0x63: {  	_ =	shalt  }
0x64: {  	_ =	shalt  }
0x65: {  	_ =	shalt  }
0x66: {  	_ =	shalt  }
0x67: {  	_ =	shalt  }
0x68: {  	_ =	shalt  }
0x69: {  	_ =	shalt  }
0x6a: {  	_ =	shalt  }
0x6b: {  	_ =	shalt  }
0x6c: {  	_ =	shalt  }
0x6d: {  	_ =	shalt  }
0x6e: {  	_ =	shalt  }
0x6f: {  	_ =	shalt  }
0x70: {  	_ =	shalt  }
0x71: {  	_ =	shalt  }
0x72: {  	_ =	shalt  }
0x73: {  	_ =	shalt  }
0x74: {  	_ =	shalt  }
0x75: {  	_ =	shalt  }
0x76: {  	_ =	shalt  }
0x77: {  	_ =	shalt  }
0x78: {  	_ =	shalt  }
0x79: {  	_ =	shalt  }
0x7a: {  	_ =	shalt  }
0x7b: {  	_ =	shalt  }
0x7c: {  	_ =	shalt  }
0x7d: {  	_ =	shalt  }
0x7e: {  	_ =	shalt  }
0x7f: {  	_ =	shalt  }
0x80: {  	_ =	shalt  }
0x81: {  	_ =	shalt  }
0x82: {  	_ =	shalt  }
0x83: {  	_ =	shalt  }
0x84: {  	_ =	shalt  }
0x85: {  	_ =	shalt  }
0x86: {  	_ =	shalt  }
0x87: {  	_ =	shalt  }
.Lfunc_end0:
.L_simem_size_0:
called_computation.1_lowered:
.L_overlay_start_0:
0x88: {  	s2 =	sld [smem:$0x3FD9]  }
0x89: {  	s3 =	sld [smem:$0x3FFE];
	_ =	sdelay $0x1  }
0x8a: {  	s1 =	srdreg.scid  }
0x8b: {  	s0 =	sand.u32 $0x1, s1  }
0x8c: {  	s14 =	sshll.u32 s0, $0xA;
	s2 =	sadd.s32 s3, s2  }
0x8d: {  	s2 =	sadd.s32 s2, s14  }
0x8e: {  	[smem:$0x3FC2] =	sst s2  }
0x8f: {  	_ = 	snop  }
0x90: {  	s2 =	sld [smem:$0x3FD0];
	_ =	sdelay $0x2  }
0x91: {  	s15 =	simm.s32 $0xA;
	s4 =	simm.s32 $0x10  }
0x92: {  	[smem:s4], [sflag:s15] =	dma.local [hbm:s2], $0x1  }
0x93: {  	_ =	swait.eq [sflag:s15], $0x1  }
0x94: {  	[sflag:s15] =	ssyncset.done $0x0  }
0x95: {  	[sflag:s15] =	ssyncadd.s32 $0xFFFFFFFF  }
0x96: {  	s16 =	sld [smem:$0x10];
	(tm) =	ssettm $0x1  }
0x97: {  	s17 =	sld [smem:$0x3FFB];
	_ =	sdelay $0x3  }
0x98: {  	_ =	strace s17  }
0x99: {  	s3 =	sld [smem:$0x3FFC];
	_ =	sdelay $0x3  }
0x9a: {  	_ =	strace s3  }
0x9b: {  	s3 =	sld [smem:$0x3FFD];
	_ =	sdelay $0x3  }
0x9c: {  	_ =	strace s3  }
0x9d: {  	_ =	strace $0x8FFFFFFF  }
0x9e: {  	s18 =	sld [smem:$0x3FDB];
	_ =	sdelay $0x1  }
0x9f: {  	s19 =	simm.s32 $_scs_section_size  }
0xa0: {  	s5 =	simm.s32 $_size__tile_overlayer_lowered;
	s6 =	simm.s32 $_tile_overlayer_lowered  }
0xa1: {  	s22 =	simm.s32 $0x1BFF;
	s21 =	sshll.u32 s6, $0x1;
	s3 =	sadd.s32 s19, s18  }
0xa2: {  	s7 =	simm.s32 $0x0;
	s20 =	sshll.u32 s5, $0x1;
	s5 =	sadd.s32 s21, s3  }
0xa3: {  	[timem:s7], [sflag:s22] =	dma.local [hbm:s5], s20  }
0xa4: {  	_ =	swait.ge [sflag:s22], s20  }
0xa5: {  	s4 =	ssub.s32 $0x0, s20;
	[sflag:s22] =	ssyncset.done $0x0  }
0xa6: {  	[sflag:s22] =	ssyncadd.s32 s4;
	_ =	sdelay $0x1  }
0xa7: {  	s23 =	simm.s32 $0x1B8B  }
0xa8: {  	_ =	swait.ge [sflag:s23], $0x1  }
0xa9: {  	[sflag:s23] =	ssyncset.done $0x0  }
0xaa: {  	s25 =	simm.s32 $0x1B8E;
	s24 =	sld [smem:$0x3FFE];
	[sflag:s23] =	ssyncadd.s32 $0xFFFFFFFF  }
0xab: {  	s26 =	simm.s32 $execute0_lowered;
	[smem:$0x3FD2] =	sst s25  }
0xac: {  	s5 =	sshll.u32 s26, $0x1;
	_ =	strace $0x80000049;
	[dreg:$0x1] =	wrdreg $0xFFFFFFFF  }
0xad: {  	s28 =	simm.s32 $_size_execute0_lowered;
	s3 =	sadd.s32 s3, s5;
	[dreg:$0x0] =	wrdreg $0x0  }
0xae: {  	s5 =	sshll.u32 s28, $0x1;
	[dreg:$0x2] =	wrdreg s3  }
0xaf: {  	[dreg:$0x3] =	wrdreg s5  }
0xb0: {  	[dreg:$0x4] =	wrdreg $0xC0  }
0xb1: {  	_ =	task [dreg:s7], $0x5FFFF  }
0xb2: {  	[dreg:$0x1] =	wrdreg $0xFFFFFFFF  }
0xb3: {  	[dreg:$0x0] =	wrdreg $0x60  }
0xb4: {  	[dreg:$0x2] =	wrdreg s24  }
0xb5: {  	[dreg:$0x3] =	wrdreg s16  }
0xb6: {  	[dreg:$0x4] =	wrdreg $0x12BA00  }
0xb7: {  	[dreg:$0x5] =	wrdreg $0x17AA00  }
0xb8: {  	[dreg:$0x6] =	wrdreg $0x9  }
0xb9: {  	_ =	task.clear_ibuf [dreg:s7], $0x7FFFF;
	_ =	strace $0x90000049  }
0xba: {  	s29 =	simm.s32 $0x9;
	_ =	strace $0x8000004B  }
0xbb: {  	_ =	swait.ge [sflag:s29], $0x1  }
0xbc: {  	[sflag:s29] =	ssyncadd.s32 $0xFFFFFFFF  }
0xbd: {  	_ =	strace $0x9000004B  }
0xbe: {  	_ =	sfence  }
0xbf: {  	s30 =	sld [smem:$0x0];
	_ =	sdelay $0x2  }
0xc0: {  	s31 =	sshll.u32 s1, $0xD;
	s1 =	sshrl.u32 s1, $0x2  }
0xc1: {  	s3 =	sand.u32 $0x4000, s31;
	s1 =	sadd.s32 s1, s30  }
0xc2: {  	s0 =	sor.u32 s3, s0;
	s1 =	sshll.u32 s1, $0x11  }
0xc3: {  	s0 =	sor.u32 s1, s0  }
0xc4: {  	s0 =	sadd.s32 $0x8F2B, s0  }
0xc5: {  	[sflag:s0] =	ssyncadd.remote.s32 $0x1  }
0xc6: {  	_ =	sfence.sel $0xFFFF  }
0xc7: {  	[dreg:$0x0] =	wrdreg $0xFFFFFFFF;
	(pc) =	sbr.abs _section_cstart, $3  }
0xc8: {  	[dreg:$0x1] =	wrdreg $0xFFFFFFFF  }
0xc9: {  	_ =	task.clear_ibuf [dreg:s7], $0x2FFFF;
	_ =	strace $0x9FFFFFFF  }
0xca: {  	(tm) =	ssettm $0x7FFFFFFF  }
0xcb: {  	_ =	shalt  }
tec
execute0_lowered:
.L_overlay_start_1:
0x0: {  	(tag) =	ssettag $0x1  }
0x1: {  	s0 =	rddreg [dreg:$0x0]  }
0x2: {  	s2 =	rddreg [dreg:$0x2]  }
0x3: {  	s3 =	rddreg [dreg:$0x3];
	s1 =	srdreg.scid  }
0x4: {  	s5 =	simm.s32 $0x0;
	s10 =	stileid.u32;
	s12 =	simm.s32 $0x2800  }
0x5: {  	s13 =	simm.s32 $0xDD80;
	s14 =	simm.s32 $0x8E80;
	s15 =	simm.s32 $0xC  }
0x6: {  	s16 =	simm.s32 $0xB;
	s17 =	simm.s32 $0x9;
	s18 =	simm.s32 $0xA  }
0x7: {  	s19 =	simm.s32 $0x7D;
	s20 =	simm.s32 $0x5000;
	s22 =	simm.s32 $0x5FA0  }
0x8: {  	s23 =	simm.s32 $0x1;
	s28 =	simm.s32 $0x2;
	s31 =	simm.s32 $0x7EE0  }
0x9: {  	s21 =	simm.s32 $0x6;
	s29 =	simm.s32 $0x8;
	s30 =	simm.s32 $0x0  }
0xa: {  	s1 =	sand.u32 $0x1, s1;
	[smem:$0x7FF] =	sst s5;
	s6 =	smul.u32 $0x4E20, s10  }
0xb: {  	s11 =	smul.u32 $0x4F00, s10;
	s4 =	sshll.u32 s1, $0x4;
	_ =	strace $0x8000004A  }
0xc: {  	s8 =	smul.u32 $0x9E00, s1;
	s1 =	ssub.s32 $0x2, s1;
	s4 =	sor.u32 s10, s4  }
0xd: {  	s7 =	sshrl.u32 s6, $0x3;
	s9 =	sshrl.u32 s1, $0x1;
	s10 =	sadd.s32 s6, s3  }
0xe: {  	s26 =	sshrl.u32 s11, $0x3;
	s4 =	smul.u32 $0x500, s4;
	s7 =	sadd.s32 s7, s0  }
0xf: {  	s1 =	ssub.s32 s1, s9;
	s9 =	sadd.s32 s11, s2;
	s25 =	sadd.s32 $0x15C00, s7  }
0x10: {  	s11 =	smax.u32 s1, $0x1;
	s1 =	simm.s32 $0x5;
	s4 =	sadd.s32 s4, s0  }
0x11: {  	s0 =	sadd.s32 s8, s0;
	[dreg:$0x7] =	wrdreg s25;
	s24 =	sadd.s32 $0xBC00, s4  }
0x12: {  	s4 =	sadd.s32 $0x1600, s4;
	s0 =	sadd.s32 $0x1FA00, s0;
	[dreg:$0x5] =	wrdreg s24  }
0x13: {  	s25 =	simm.s32 $0x7;
	[dreg:$0x6] =	wrdreg s4;
	s24 =	sadd.s32 s26, s0  }
0x14: {  	s26 =	simm.s32 $0x6F40;
	s0 =	simm.s32 $0x3;
	s4 =	simm.s32 $0x4  }
.LBB2_1:
0x15: {  	s6 =	rddreg [dreg:$0x5]  }
0x16: {  	[tilespmem:s5], [sflag:$0x9] =	stream.linear.gather [hbm4b:s6+s5], $0x2800, $0x38;
	[tilespmem:$0x1C8C0] =	vst v63  }
0x17: {  	s7 =	rddreg [dreg:$0x6]  }
0x18: {  	[tilespmem:s12], [sflag:$0xA] =	stream.linear.gather [hbm4b:s7+s5], $0x2800, $0x38;
	[tilespmem:$0x1C8C0] =	vst v63  }
0x19: {  	s8 =	rddreg [dreg:$0x7]  }
0x1a: {  	[tilespmem:s13], [sflag:$0xB] =	stream.linear.gather [hbm4b:s8+s5], $0x4E20, $0x38;
	[tilespmem:$0x1C8C0] =	vst v63  }
0x1b: {  	s7 =	rddreg [dreg:$0x1]  }
0x1c: {  	[tilespmem:s14], [sflag:$0xC] =	stream.linear.gather [hbm4b:s7+s5], $0x4F00, $0x38;
	[tilespmem:$0x1C8C0] =	vst v63  }
0x1d: {  	_ =	swait.ge [sflag:s15], $0x4F00  }
0x1e: {  	[sflag:s15] =	ssyncset.done $0x0  }
0x1f: {  	[sflag:s15] =	ssyncadd.s32 $0xFFFFB100  }
0x20: {  	[spmem:s9] =	stream.linear.scatter [tilespmem:s14], [sflag:$0xC], $0x4F00, $0x38;
	[tilespmem:$0x1C8C0] =	vst v63  }
0x21: {  	_ =	swait.ge [sflag:s15], $0x4F00  }
0x22: {  	[sflag:s15] =	ssyncset.done $0x0  }
0x23: {  	[sflag:s15] =	ssyncadd.s32 $0xFFFFB100  }
0x24: {  	_ =	swait.ge [sflag:s16], $0x4E20  }
0x25: {  	[sflag:s16] =	ssyncset.done $0x0  }
0x26: {  	[sflag:s16] =	ssyncadd.s32 $0xFFFFB1E0  }
0x27: {  	[spmem:s10] =	stream.linear.scatter [tilespmem:s13], [sflag:$0xC], $0x4E20, $0x38;
	[tilespmem:$0x1C8C0] =	vst v63  }
0x28: {  	_ =	swait.ge [sflag:s15], $0x4E20  }
0x29: {  	[sflag:s15] =	ssyncset.done $0x0  }
0x2a: {  	[sflag:s15] =	ssyncadd.s32 $0xFFFFB1E0  }
0x2b: {  	_ =	swait.ge [sflag:s17], $0x2800  }
0x2c: {  	[sflag:s17] =	ssyncset.done $0x0  }
0x2d: {  	[sflag:s17] =	ssyncadd.s32 $0xFFFFD800  }
0x2e: {  	_ =	swait.ge [sflag:s18], $0x2800  }
0x2f: {  	[sflag:s18] =	ssyncset.done $0x0  }
0x30: {  	[sflag:s18] =	ssyncadd.s32 $0xFFFFD800  }
0x31: {  	[bflag:$0x0] =	sbarrier.arrive $0xFFFF  }
0x32: {  	[tilespmem:s20], [sflag:$0x1] =	stream.indirect.gather [spmem:s3], $0x20, s5, s19, $0xb8;
	[tilespmem:$0x1C8C0] =	vst v63  }
0x33: {  	s8 =	simm.s32 $0x80  }
0x34: {  	[tilespmem:s22], [sflag:$0x2] =	stream.indirect.gather [spmem:s3], $0x20, s8, s19, $0xb8;
	[tilespmem:$0x1C8C0] =	vst v63  }
0x35: {  	_ =	swait.ge [sflag:s23], $0xFA0  }
0x36: {  	[sflag:s23] =	ssyncset.done $0x0  }
0x37: {  	[sflag:s23] =	ssyncadd.s32 $0xFFFFF060  }
0x38: {  	[spmem:s2] =	stream.indirect.scatter.add.f32 [tilespmem:s20], [sflag:$0x5], $0x20, s12, s19, $0xb8;
	[tilespmem:$0x1C8C0] =	vst v63  }
0x39: {  	s7 =	simm.s32 $0x100  }
0x3a: {  	[tilespmem:s26], [sflag:$0x3] =	stream.indirect.gather [spmem:s3], $0x20, s7, s19, $0xb8;
	[tilespmem:$0x1C8C0] =	vst v63  }
0x3b: {  	_ =	swait.ge [sflag:s28], $0xFA0  }
0x3c: {  	[sflag:s28] =	ssyncset.done $0x0  }
0x3d: {  	s8 =	simm.s32 $0x2880;
	[sflag:s28] =	ssyncadd.s32 $0xFFFFF060  }
0x3e: {  	[spmem:s2] =	stream.indirect.scatter.add.f32 [tilespmem:s22], [sflag:$0x6], $0x20, s8, s19, $0xb8;
	[tilespmem:$0x1C8C0] =	vst v63  }
0x3f: {  	s7 =	simm.s32 $0x180  }
0x40: {  	[tilespmem:s31], [sflag:$0x4] =	stream.indirect.gather [spmem:s3], $0x20, s7, s19, $0xb8;
	[tilespmem:$0x1C8C0] =	vst v63  }
0x41: {  	_ =	swait.ge [sflag:s0], $0xFA0  }
0x42: {  	[sflag:s0] =	ssyncset.done $0x0  }
0x43: {  	s8 =	simm.s32 $0x2900;
	[sflag:s0] =	ssyncadd.s32 $0xFFFFF060  }
0x44: {  	[spmem:s2] =	stream.indirect.scatter.add.f32 [tilespmem:s26], [sflag:$0x7], $0x20, s8, s19, $0xb8;
	[tilespmem:$0x1C8C0] =	vst v63  }
0x45: {  	_ =	swait.ge [sflag:s1], $0xFA0  }
0x46: {  	[sflag:s1] =	ssyncset.done $0x0  }
0x47: {  	s7 =	simm.s32 $0x200;
	[sflag:s1] =	ssyncadd.s32 $0xFFFFF060  }
0x48: {  	[tilespmem:s20], [sflag:$0x1] =	stream.indirect.gather [spmem:s3], $0x20, s7, s19, $0xb8;
	[tilespmem:$0x1C8C0] =	vst v63  }
0x49: {  	_ =	swait.ge [sflag:s4], $0xFA0  }
0x4a: {  	[sflag:s4] =	ssyncset.done $0x0  }
0x4b: {  	s8 =	simm.s32 $0x2980;
	[sflag:s4] =	ssyncadd.s32 $0xFFFFF060  }
0x4c: {  	[spmem:s2] =	stream.indirect.scatter.add.f32 [tilespmem:s31], [sflag:$0x8], $0x20, s8, s19, $0xb8;
	[tilespmem:$0x1C8C0] =	vst v63  }
0x4d: {  	_ =	swait.ge [sflag:s21], $0xFA0  }
0x4e: {  	[sflag:s21] =	ssyncset.done $0x0  }
0x4f: {  	s7 =	simm.s32 $0x280;
	[sflag:s21] =	ssyncadd.s32 $0xFFFFF060  }
0x50: {  	[tilespmem:s22], [sflag:$0x2] =	stream.indirect.gather [spmem:s3], $0x20, s7, s19, $0xb8;
	[tilespmem:$0x1C8C0] =	vst v63  }
0x51: {  	_ =	swait.ge [sflag:s23], $0xFA0  }
0x52: {  	[sflag:s23] =	ssyncset.done $0x0  }
0x53: {  	s8 =	simm.s32 $0x2A00;
	[sflag:s23] =	ssyncadd.s32 $0xFFFFF060  }
0x54: {  	[spmem:s2] =	stream.indirect.scatter.add.f32 [tilespmem:s20], [sflag:$0x5], $0x20, s8, s19, $0xb8;
	[tilespmem:$0x1C8C0] =	vst v63  }
0x55: {  	_ =	swait.ge [sflag:s25], $0xFA0  }
0x56: {  	[sflag:s25] =	ssyncset.done $0x0  }
0x57: {  	s7 =	simm.s32 $0x300;
	[sflag:s25] =	ssyncadd.s32 $0xFFFFF060  }
0x58: {  	[tilespmem:s26], [sflag:$0x3] =	stream.indirect.gather [spmem:s3], $0x20, s7, s19, $0xb8;
	[tilespmem:$0x1C8C0] =	vst v63  }
0x59: {  	_ =	swait.ge [sflag:s28], $0xFA0  }
0x5a: {  	[sflag:s28] =	ssyncset.done $0x0  }
0x5b: {  	s8 =	simm.s32 $0x2A80;
	[sflag:s28] =	ssyncadd.s32 $0xFFFFF060  }
0x5c: {  	[spmem:s2] =	stream.indirect.scatter.add.f32 [tilespmem:s22], [sflag:$0x6], $0x20, s8, s19, $0xb8;
	[tilespmem:$0x1C8C0] =	vst v63  }
0x5d: {  	_ =	swait.ge [sflag:s29], $0xFA0  }
0x5e: {  	[sflag:s29] =	ssyncset.done $0x0  }
0x5f: {  	s6 =	simm.s32 $0x800;
	s7 =	simm.s32 $0x380;
	[sflag:s29] =	ssyncadd.s32 $0xFFFFF060  }
.LBB2_2:
0x60: {  	[tilespmem:s31], [sflag:$0x4] =	stream.indirect.gather [spmem:s3], $0x20, s7, s19, $0xb8;
	[tilespmem:$0x1C8C0] =	vst v63  }
0x61: {  	s7 =	smov.u32 s6  }
0x62: {  	p0 =	sne.s32 s6, $0x9000;
	s6 =	sadd.s32 $0x800, s6;
	_ =	swait.ge [sflag:s0], $0xFA0  }
0x63: {  	s7 =	sshra.s32 s7, $0x2;
	[sflag:s0] =	ssyncset.done $0x0  }
0x64: {  	s8 =	sadd.s32 $0x2900, s7;
	[sflag:s0] =	ssyncadd.s32 $0xFFFFF060  }
0x65: {  	[spmem:s2] =	stream.indirect.scatter.add.f32 [tilespmem:s26], [sflag:$0x7], $0x20, s8, s19, $0xb8;
	[tilespmem:$0x1C8C0] =	vst v63  }
0x66: {  	_ =	swait.ge [sflag:s1], $0xFA0  }
0x67: {  	[sflag:s1] =	ssyncset.done $0x0  }
0x68: {  	s8 =	sadd.s32 $0x200, s7;
	[sflag:s1] =	ssyncadd.s32 $0xFFFFF060  }
0x69: {  	[tilespmem:s20], [sflag:$0x1] =	stream.indirect.gather [spmem:s3], $0x20, s8, s19, $0xb8;
	[tilespmem:$0x1C8C0] =	vst v63  }
0x6a: {  	_ =	swait.ge [sflag:s4], $0xFA0  }
0x6b: {  	[sflag:s4] =	ssyncset.done $0x0  }
0x6c: {  	s8 =	sadd.s32 $0x2980, s7;
	[sflag:s4] =	ssyncadd.s32 $0xFFFFF060  }
0x6d: {  	[spmem:s2] =	stream.indirect.scatter.add.f32 [tilespmem:s31], [sflag:$0x8], $0x20, s8, s19, $0xb8;
	[tilespmem:$0x1C8C0] =	vst v63  }
0x6e: {  	_ =	swait.ge [sflag:s21], $0xFA0  }
0x6f: {  	[sflag:s21] =	ssyncset.done $0x0  }
0x70: {  	s8 =	sadd.s32 $0x280, s7;
	[sflag:s21] =	ssyncadd.s32 $0xFFFFF060  }
0x71: {  	[tilespmem:s22], [sflag:$0x2] =	stream.indirect.gather [spmem:s3], $0x20, s8, s19, $0xb8;
	[tilespmem:$0x1C8C0] =	vst v63  }
0x72: {  	_ =	swait.ge [sflag:s23], $0xFA0  }
0x73: {  	[sflag:s23] =	ssyncset.done $0x0  }
0x74: {  	s8 =	sadd.s32 $0x2A00, s7;
	[sflag:s23] =	ssyncadd.s32 $0xFFFFF060  }
0x75: {  	[spmem:s2] =	stream.indirect.scatter.add.f32 [tilespmem:s20], [sflag:$0x5], $0x20, s8, s19, $0xb8;
	[tilespmem:$0x1C8C0] =	vst v63  }
0x76: {  	_ =	swait.ge [sflag:s25], $0xFA0  }
0x77: {  	[sflag:s25] =	ssyncset.done $0x0  }
0x78: {  	s8 =	sadd.s32 $0x300, s7;
	[sflag:s25] =	ssyncadd.s32 $0xFFFFF060  }
0x79: {  	[tilespmem:s26], [sflag:$0x3] =	stream.indirect.gather [spmem:s3], $0x20, s8, s19, $0xb8;
	[tilespmem:$0x1C8C0] =	vst v63  }
0x7a: {  	_ =	swait.ge [sflag:s28], $0xFA0  }
0x7b: {  	[sflag:s28] =	ssyncset.done $0x0  }
.Ltmp0:
0x7c: {  	s8 =	sadd.s32 $0x2A80, s7;
	[sflag:s28] =	ssyncadd.s32 $0xFFFFF060;
	(pc) =	sbr.rel @p0 .LBB2_2-.Ltmp0, $4  }
0x7d: {  	[spmem:s2] =	stream.indirect.scatter.add.f32 [tilespmem:s22], [sflag:$0x6], $0x20, s8, s19, $0xb8;
	[tilespmem:$0x1C8C0] =	vst v63  }
0x7e: {  	_ =	swait.ge [sflag:s29], $0xFA0  }
0x7f: {  	[sflag:s29] =	ssyncset.done $0x0  }
0x80: {  	s7 =	sadd.s32 $0x380, s7;
	[sflag:s29] =	ssyncadd.s32 $0xFFFFF060  }
0x81: {  	[tilespmem:s31], [sflag:$0x4] =	stream.indirect.gather [spmem:s3], $0x20, s7, s19, $0xb8;
	[tilespmem:$0x1C8C0] =	vst v63  }
0x82: {  	_ =	swait.ge [sflag:s0], $0xFA0  }
0x83: {  	[sflag:s0] =	ssyncset.done $0x0  }
0x84: {  	s6 =	simm.s32 $0x4F00;
	[sflag:s0] =	ssyncadd.s32 $0xFFFFF060  }
0x85: {  	[spmem:s2] =	stream.indirect.scatter.add.f32 [tilespmem:s26], [sflag:$0x7], $0x20, s6, s19, $0xb8;
	[tilespmem:$0x1C8C0] =	vst v63  }
0x86: {  	_ =	swait.ge [sflag:s4], $0xFA0  }
0x87: {  	[sflag:s4] =	ssyncset.done $0x0  }
0x88: {  	s8 =	simm.s32 $0x4F80;
	[sflag:s4] =	ssyncadd.s32 $0xFFFFF060  }
0x89: {  	[spmem:s2] =	stream.indirect.scatter.add.f32 [tilespmem:s31], [sflag:$0x8], $0x20, s8, s19, $0xb8;
	[tilespmem:$0x1C8C0] =	vst v63  }
0x8a: {  	_ =	swait.ge [sflag:s1], $0xFA0  }
0x8b: {  	[sflag:s1] =	ssyncset.done $0x0  }
0x8c: {  	[sflag:s1] =	ssyncadd.s32 $0xFFFFF060  }
0x8d: {  	_ =	swait.ge [sflag:s21], $0xFA0  }
0x8e: {  	[sflag:s21] =	ssyncset.done $0x0  }
0x8f: {  	[sflag:s21] =	ssyncadd.s32 $0xFFFFF060  }
0x90: {  	_ =	swait.ge [sflag:s25], $0xFA0  }
0x91: {  	[sflag:s25] =	ssyncset.done $0x0  }
0x92: {  	[sflag:s25] =	ssyncadd.s32 $0xFFFFF060  }
0x93: {  	s7 =	stileid.u32;
	_ =	swait.ge [sflag:s29], $0xFA0  }
0x94: {  	s30 =	sadd.s32 $0x1, s30;
	s6 =	sshll.u32 s7, $0x6;
	[sflag:s29] =	ssyncset.done $0x0  }
0x95: {  	p0 =	sne.s32 s30, s11;
	s6 =	sor.u32 $0x1C0C, s6;
	[sflag:s29] =	ssyncadd.s32 $0xFFFFF060  }
.Ltmp1:
0x96: {  	s8 =	sshrl.u32 s9, $0x3;
	[bflag:$0x0] =	sbarrier.arrive $0xFFFF;
	(pc) =	sbr.rel @p0 .LBB2_1-.Ltmp1, $4  }
0x97: {  	[hbm:s24], [sflag:s6] =	dma.local [spmem:s8], $0x9E0  }
0x98: {  	_ =	swait.ge [sflag:s15], $0x9E0  }
0x99: {  	[sflag:s15] =	ssyncset.done $0x0  }
0x9a: {  	[sflag:s15] =	ssyncadd.s32 $0xFFFFF620  }
0x9b: {  	_ =	sfence.sel $0x180000  }
0x9c: {  	[bflag:$0x0] =	sbarrier.arrive $0xFFFF  }
0x9d: {  	_ =	strace $0x9000004A  }
0x9e: {  	s0 =	stileid.u32;
	[bflag:$0x2] =	sbarrier.arrive $0xFFFF  }
0x9f: {  	p0 =	sne.s32 s0, $0x0;
	s0 =	rddreg [dreg:$0x4]  }
0xa0: {  	s0 =	sadd.s32 @!p0 $0x100000, s0  }
0xa1: {  	[sflag:s0] =	ssyncadd.tile.s32 @!p0 $0x1;
	_ =	shalt  }
.Lfunc_end2:
_tile_overlayer_lowered:
.L_overlay_start_2:
0xa2: {  	(tag) =	ssettag $0x2  }
0xa3: {  	s0 =	rddreg [dreg:$0x0];
	s2 =	stileid.u32  }
0xa4: {  	s1 =	rddreg [dreg:$0x1];
	p0 =	sne.s32 s2, $0x0  }
0xa5: {  	s3 =	rddreg [dreg:$0x2];
	[bflag:$0x3] =	sbarrier.arrive $0xFFFF;
	s2 =	simm.s32 @!p0 $0x1C0C  }
0xa6: {  	[timem:s3], [sflag:s2] =	dma.local @!p0 [hbm:s0], s1  }
0xa7: {  	s0 =	simm.s32 @!p0 $0xC  }
0xa8: {  	_ =	swait.ge @!p0 [sflag:s0], s1  }
0xa9: {  	s1 =	ssub.s32 @!p0 $0x0, s1;
	[sflag:s0] =	ssyncset.done @!p0 $0x0  }
0xaa: {  	[sflag:s0] =	ssyncadd.s32 @!p0 s1  }
0xab: {  	[bflag:$0x3] =	sbarrier.arrive $0xFFFF  }
0xac: {  	_ =	shalt  }

// kernel: kernel.14.cloned.1.call-start
scs
__scs_entry_jumppad:
0x0: {  	(pc) =	sbr.rel $0x88, $3  }
0x1: {  	(tag) =	ssettag $0x0;
	lr =	simm.s32 $0x1  }
0x2: {  	[smem:$0x3F9B] =	sst lr;
	_ =	strace $0xD0000000  }
0x3: {  	_ = 	snop  }
0x4: {  	_ = 	snop  }
0x5: {  	_ = 	snop  }
0x6: {  	_ = 	snop  }
0x7: {  	_ = 	snop  }
__scs_overlays_trampoline_lowered:
0x8: {  	[smem:$0x3FAA] =	sst s0  }
0x9: {  	[smem:$0x3FAB] =	sst s1  }
0xa: {  	[smem:$0x3FAC] =	sst s2  }
0xb: {  	[smem:$0x3FAD] =	sst s3  }
0xc: {  	[smem:$0x3FAE] =	sst s4  }
0xd: {  	[smem:$0x3FAF] =	sst s5  }
0xe: {  	[smem:$0x3FB0] =	sst s6  }
0xf: {  	[smem:$0x3FB1] =	sst s7  }
0x10: {  	[smem:$0x3FB2] =	sst s8  }
0x11: {  	[smem:$0x3FB3] =	sst s9;
	s0 =	simm.s32 @!p0 $0x0  }
0x12: {  	s1 =	sld [smem:$0x3F99];
	s0 =	simm.s32 @p0 $0x1  }
0x13: {  	[smem:$0x3FB4] =	sst s0;
	s0 =	simm.s32 @!p1 $0x0  }
0x14: {  	s2 =	sld [smem:$0x3F98];
	s0 =	simm.s32 @p1 $0x1  }
0x15: {  	[smem:$0x3FB5] =	sst s0;
	s0 =	simm.s32 @!p2 $0x0  }
0x16: {  	s3 =	sld [smem:$0x3FDB];
	s0 =	simm.s32 @p2 $0x1  }
0x17: {  	s4 =	simm.s32 $0x1BF5;
	[smem:$0x3FB7] =	sst s0  }
0x18: {  	s0 =	sld [smem:$0x3F9A];
	_ =	swait.ge [sflag:s4], $0x0  }
0x19: {  	s7 =	sld [smem:$0x3F9B]  }
0x1a: {  	s8 =	sadd.s32 $0xFFFFE003, lr  }
0x1b: {  	s9 =	sadd.s32 $0xFFFFFEF7, lr;
	s5 =	simm.s32 $0xFFFFFFFF;
	p2 =	slt.u32 s8, $0xFFFFF086  }
0x1c: {  	p1 =	slt.u32 s9, $0xF7A;
	s5 =	simm.s32 @!p2 $0x0  }
0x1d: {  	s5 =	simm.s32 @p1 $0x1;
	p0 =	seq.s32 s7, s2  }
0x1e: {  	s7 =	smul.u32 @!p0 $0xF7A, s2;
	p2 =	seq.s32 @!p0 s5, $0x0  }
0x1f: {  	s9 =	smul.u32 $0xF7A, s1;
	s8 =	simm.s32 @!p0 $0x1BF5;
	p2 =	por !p2, p0  }
0x20: {  	[sflag:s8] =	ssyncset.s32 @!p0 $0xFFFFF086;
	s6 =	sadd.s32 @!p0 s3, s7;
	s7 =	simm.s32 @!p0 $0x108  }
0x21: {  	s3 =	sadd.s32 s3, s9;
	s6 =	sadd.s32 @!p0 $0x88, s6;
	s7 =	simm.s32 @p2 $0x1082  }
0x22: {  	[simem:s7], [sflag:s8] =	dma.local @!p0 [hbm:s6], $0xF7A  }
0x23: {  	s9 =	sor.u32 $0xD0000000, s2;
	s6 =	simm.s32 $0x108;
	_ =	swait.ge @!p0 [sflag:s8], $0x0  }
0x24: {  	s3 =	sadd.s32 $0x88, s3;
	s6 =	simm.s32 @!p1 $0x1082;
	[sflag:s4] =	ssyncset.s32 $0xFFFFF086  }
0x25: {  	[simem:s6], [sflag:s4] =	dma.local [hbm:s3], $0xF7A  }
0x26: {  	[smem:$0x3F9B] =	sst s1;
	(tag) =	ssettag s2;
	_ =	strace s9  }
0x27: {  	s1 =	sld [smem:$0x3FAB]  }
0x28: {  	s2 =	sld [smem:$0x3FAC]  }
0x29: {  	s4 =	sld [smem:$0x3FAE]  }
0x2a: {  	p0 =	seq.s32 s5, $0x0;
	s5 =	sld [smem:$0x3FAF]  }
0x2b: {  	s6 =	sld [smem:$0x3FB0]  }
0x2c: {  	s7 =	sld [smem:$0x3FB1]  }
0x2d: {  	s3 =	simm.s32 $0x108;
	s8 =	sld [smem:$0x3FB2]  }
0x2e: {  	s3 =	simm.s32 @!p0 $0x1082;
	s9 =	sld [smem:$0x3FB3]  }
0x2f: {  	lr =	sadd.s32 s0, s3;
	s0 =	sld [smem:$0x3FAA]  }
0x30: {  	s3 =	sld [smem:$0x3FAD]  }
0x31: {  	[smem:$0x3FB6] =	sst s10  }
0x32: {  	s10 =	sld [smem:$0x3FB4];
	_ =	sdelay $0x3  }
0x33: {  	p0 =	seq.s32 s10, $0x1;
	s10 =	sld [smem:$0x3FB6];
	_ =	sdelay $0x3  }
0x34: {  	[smem:$0x3FB6] =	sst s10  }
0x35: {  	s10 =	sld [smem:$0x3FB5];
	_ =	sdelay $0x3  }
0x36: {  	p1 =	seq.s32 s10, $0x1;
	s10 =	sld [smem:$0x3FB6];
	_ =	sdelay $0x3  }
0x37: {  	[smem:$0x3FB6] =	sst s10  }
0x38: {  	s10 =	sld [smem:$0x3FB7]  }
0x39: {  	_ = 	snop;
	(pc) =	sbr.ind lr, $3  }
0x3a: {  	_ = 	snop  }
0x3b: {  	_ = 	snop  }
0x3c: {  	p2 =	seq.s32 s10, $0x1;
	s10 =	sld [smem:$0x3FB6]  }
0x3d: {  	_ =	shalt  }
0x3e: {  	_ =	shalt  }
0x3f: {  	_ =	shalt  }
0x40: {  	_ =	shalt  }
0x41: {  	_ =	shalt  }
0x42: {  	_ =	shalt  }
0x43: {  	_ =	shalt  }
0x44: {  	_ =	shalt  }
0x45: {  	_ =	shalt  }
0x46: {  	_ =	shalt  }
0x47: {  	_ =	shalt  }
0x48: {  	_ =	shalt  }
0x49: {  	_ =	shalt  }
0x4a: {  	_ =	shalt  }
0x4b: {  	_ =	shalt  }
0x4c: {  	_ =	shalt  }
0x4d: {  	_ =	shalt  }
0x4e: {  	_ =	shalt  }
0x4f: {  	_ =	shalt  }
0x50: {  	_ =	shalt  }
0x51: {  	_ =	shalt  }
0x52: {  	_ =	shalt  }
0x53: {  	_ =	shalt  }
0x54: {  	_ =	shalt  }
0x55: {  	_ =	shalt  }
0x56: {  	_ =	shalt  }
0x57: {  	_ =	shalt  }
0x58: {  	_ =	shalt  }
0x59: {  	_ =	shalt  }
0x5a: {  	_ =	shalt  }
0x5b: {  	_ =	shalt  }
0x5c: {  	_ =	shalt  }
0x5d: {  	_ =	shalt  }
0x5e: {  	_ =	shalt  }
0x5f: {  	_ =	shalt  }
0x60: {  	_ =	shalt  }
0x61: {  	_ =	shalt  }
0x62: {  	_ =	shalt  }
0x63: {  	_ =	shalt  }
0x64: {  	_ =	shalt  }
0x65: {  	_ =	shalt  }
0x66: {  	_ =	shalt  }
0x67: {  	_ =	shalt  }
0x68: {  	_ =	shalt  }
0x69: {  	_ =	shalt  }
0x6a: {  	_ =	shalt  }
0x6b: {  	_ =	shalt  }
0x6c: {  	_ =	shalt  }
0x6d: {  	_ =	shalt  }
0x6e: {  	_ =	shalt  }
0x6f: {  	_ =	shalt  }
0x70: {  	_ =	shalt  }
0x71: {  	_ =	shalt  }
0x72: {  	_ =	shalt  }
0x73: {  	_ =	shalt  }
0x74: {  	_ =	shalt  }
0x75: {  	_ =	shalt  }
0x76: {  	_ =	shalt  }
0x77: {  	_ =	shalt  }
0x78: {  	_ =	shalt  }
0x79: {  	_ =	shalt  }
0x7a: {  	_ =	shalt  }
0x7b: {  	_ =	shalt  }
0x7c: {  	_ =	shalt  }
0x7d: {  	_ =	shalt  }
0x7e: {  	_ =	shalt  }
0x7f: {  	_ =	shalt  }
0x80: {  	_ =	shalt  }
0x81: {  	_ =	shalt  }
0x82: {  	_ =	shalt  }
0x83: {  	_ =	shalt  }
0x84: {  	_ =	shalt  }
0x85: {  	_ =	shalt  }
0x86: {  	_ =	shalt  }
0x87: {  	_ =	shalt  }
.Lfunc_end0:
.L_simem_size_0:
called_computation.2_lowered:
.L_overlay_start_0:
0x88: {  	s2 =	sld [smem:$0x3FD9]  }
0x89: {  	s3 =	sld [smem:$0x3FFE];
	_ =	sdelay $0x1  }
0x8a: {  	s1 =	srdreg.scid  }
0x8b: {  	s0 =	sand.u32 $0x1, s1  }
0x8c: {  	s14 =	sshll.u32 s0, $0xA;
	s2 =	sadd.s32 s3, s2  }
0x8d: {  	s2 =	sadd.s32 s2, s14  }
0x8e: {  	[smem:$0x3FC2] =	sst s2  }
0x8f: {  	_ = 	snop  }
0x90: {  	s2 =	sld [smem:$0x3FD0];
	_ =	sdelay $0x2  }
0x91: {  	s15 =	simm.s32 $0xA;
	s4 =	simm.s32 $0x10  }
0x92: {  	[smem:s4], [sflag:s15] =	dma.local [hbm:s2], $0x1  }
0x93: {  	_ =	swait.eq [sflag:s15], $0x1  }
0x94: {  	[sflag:s15] =	ssyncset.done $0x0  }
0x95: {  	[sflag:s15] =	ssyncadd.s32 $0xFFFFFFFF  }
0x96: {  	s16 =	sld [smem:$0x10];
	(tm) =	ssettm $0x1  }
0x97: {  	s17 =	sld [smem:$0x3FFB];
	_ =	sdelay $0x3  }
0x98: {  	_ =	strace s17  }
0x99: {  	s3 =	sld [smem:$0x3FFC];
	_ =	sdelay $0x3  }
0x9a: {  	_ =	strace s3  }
0x9b: {  	s3 =	sld [smem:$0x3FFD];
	_ =	sdelay $0x3  }
0x9c: {  	_ =	strace s3  }
0x9d: {  	_ =	strace $0x8FFFFFFF  }
0x9e: {  	s18 =	sld [smem:$0x3FDB];
	_ =	sdelay $0x1  }
0x9f: {  	s19 =	simm.s32 $_scs_section_size  }
0xa0: {  	s5 =	simm.s32 $_size__tile_overlayer_lowered;
	s6 =	simm.s32 $_tile_overlayer_lowered  }
0xa1: {  	s22 =	simm.s32 $0x1BFF;
	s21 =	sshll.u32 s6, $0x1;
	s3 =	sadd.s32 s19, s18  }
0xa2: {  	s7 =	simm.s32 $0x0;
	s20 =	sshll.u32 s5, $0x1;
	s5 =	sadd.s32 s21, s3  }
0xa3: {  	[timem:s7], [sflag:s22] =	dma.local [hbm:s5], s20  }
0xa4: {  	_ =	swait.ge [sflag:s22], s20  }
0xa5: {  	s4 =	ssub.s32 $0x0, s20;
	[sflag:s22] =	ssyncset.done $0x0  }
0xa6: {  	[sflag:s22] =	ssyncadd.s32 s4;
	_ =	sdelay $0x1  }
0xa7: {  	s23 =	simm.s32 $0x1B8B  }
0xa8: {  	_ =	swait.ge [sflag:s23], $0x1  }
0xa9: {  	[sflag:s23] =	ssyncset.done $0x0  }
0xaa: {  	s25 =	simm.s32 $0x1B8E;
	s24 =	sld [smem:$0x3FFE];
	[sflag:s23] =	ssyncadd.s32 $0xFFFFFFFF  }
0xab: {  	s26 =	simm.s32 $execute0_lowered;
	[smem:$0x3FD2] =	sst s25  }
0xac: {  	s5 =	sshll.u32 s26, $0x1;
	_ =	strace $0x8000004C;
	[dreg:$0x1] =	wrdreg $0xFFFFFFFF  }
0xad: {  	s28 =	simm.s32 $_size_execute0_lowered;
	s3 =	sadd.s32 s3, s5;
	[dreg:$0x0] =	wrdreg $0x0  }
0xae: {  	s5 =	sshll.u32 s28, $0x1;
	[dreg:$0x2] =	wrdreg s3  }
0xaf: {  	[dreg:$0x3] =	wrdreg s5  }
0xb0: {  	[dreg:$0x4] =	wrdreg $0xC0  }
0xb1: {  	_ =	task [dreg:s7], $0x5FFFF  }
0xb2: {  	[dreg:$0x1] =	wrdreg $0xFFFFFFFF  }
0xb3: {  	[dreg:$0x0] =	wrdreg $0x60  }
0xb4: {  	[dreg:$0x2] =	wrdreg s16  }
0xb5: {  	[dreg:$0x3] =	wrdreg s24  }
0xb6: {  	[dreg:$0x4] =	wrdreg $0xBDD00  }
0xb7: {  	[dreg:$0x5] =	wrdreg $0xE5500  }
0xb8: {  	[dreg:$0x6] =	wrdreg $0x9  }
0xb9: {  	_ =	task.clear_ibuf [dreg:s7], $0x7FFFF;
	_ =	strace $0x9000004C  }
0xba: {  	s29 =	simm.s32 $0x9;
	_ =	strace $0x8000004E  }
0xbb: {  	_ =	swait.ge [sflag:s29], $0x1  }
0xbc: {  	[sflag:s29] =	ssyncadd.s32 $0xFFFFFFFF  }
0xbd: {  	_ =	strace $0x9000004E  }
0xbe: {  	_ =	sfence  }
0xbf: {  	s30 =	sld [smem:$0x0];
	_ =	sdelay $0x2  }
0xc0: {  	s31 =	sshll.u32 s1, $0xD;
	s1 =	sshrl.u32 s1, $0x2  }
0xc1: {  	s3 =	sand.u32 $0x4000, s31;
	s1 =	sadd.s32 s1, s30  }
0xc2: {  	s0 =	sor.u32 s3, s0;
	s1 =	sshll.u32 s1, $0x11  }
0xc3: {  	s0 =	sor.u32 s1, s0  }
0xc4: {  	s0 =	sadd.s32 $0x8F2B, s0  }
0xc5: {  	[sflag:s0] =	ssyncadd.remote.s32 $0x1  }
0xc6: {  	_ =	sfence.sel $0xFFFF  }
0xc7: {  	[dreg:$0x0] =	wrdreg $0xFFFFFFFF;
	(pc) =	sbr.abs _section_cstart, $3  }
0xc8: {  	[dreg:$0x1] =	wrdreg $0xFFFFFFFF  }
0xc9: {  	_ =	task.clear_ibuf [dreg:s7], $0x2FFFF;
	_ =	strace $0x9FFFFFFF  }
0xca: {  	(tm) =	ssettm $0x7FFFFFFF  }
0xcb: {  	_ =	shalt  }
tec
execute0_lowered:
.L_overlay_start_1:
0x0: {  	(tag) =	ssettag $0x1  }
0x1: {  	s0 =	rddreg [dreg:$0x0]  }
0x2: {  	s1 =	rddreg [dreg:$0x1];
	s3 =	srdreg.scid  }
0x3: {  	s2 =	rddreg [dreg:$0x2];
	s8 =	stileid.u32;
	s4 =	simm.s32 $0x0  }
0x4: {  	s12 =	simm.s32 $0x2800;
	s13 =	simm.s32 $0x96C0;
	s14 =	simm.s32 $0x6F40  }
0x5: {  	s15 =	simm.s32 $0xC;
	s16 =	simm.s32 $0xB;
	s17 =	simm.s32 $0x9  }
0x6: {  	s18 =	simm.s32 $0xA;
	s19 =	simm.s32 $0x7D;
	s20 =	simm.s32 $0x5000  }
0x7: {  	s28 =	simm.s32 $0x2;
	s31 =	simm.s32 $0x6770;
	s21 =	simm.s32 $0x4  }
0x8: {  	s29 =	simm.s32 $0x7;
	s5 =	sand.u32 $0x1, s3;
	s3 =	rddreg [dreg:$0x3]  }
0x9: {  	s30 =	simm.s32 $0x8;
	[smem:$0x7FF] =	sst s4;
	s10 =	smul.u32 $0x2710, s8  }
0xa: {  	s9 =	sadd.s32 $0x15C00, s1;
	s11 =	smul.u32 $0x2780, s8;
	s6 =	sshll.u32 s5, $0x4  }
0xb: {  	_ =	strace $0x8000004D;
	s7 =	smul.u32 $0x4F00, s5;
	s5 =	ssub.s32 $0x2, s5  }
0xc: {  	[dreg:$0x5] =	wrdreg s9;
	s6 =	sor.u32 s8, s6;
	s22 =	sshrl.u32 s5, $0x1  }
0xd: {  	s23 =	sshrl.u32 s10, $0x3;
	s9 =	sadd.s32 s11, s2;
	s10 =	sadd.s32 s10, s3  }
0xe: {  	s26 =	sshrl.u32 s11, $0x3;
	s6 =	smul.u32 $0x500, s6;
	s5 =	ssub.s32 s5, s22  }
0xf: {  	s0 =	sadd.s32 s0, s23;
	s22 =	simm.s32 $0x57D0;
	s23 =	simm.s32 $0x1  }
0x10: {  	[dreg:$0x8] =	wrdreg s0;
	s11 =	smax.u32 s5, $0x1;
	s6 =	sadd.s32 s6, s1  }
0x11: {  	s0 =	simm.s32 $0x3;
	s5 =	simm.s32 $0x0;
	s24 =	sadd.s32 $0xBC00, s6  }
0x12: {  	s1 =	sadd.s32 s7, s1;
	s6 =	sadd.s32 $0x1600, s6;
	[dreg:$0x6] =	wrdreg s24  }
0x13: {  	s25 =	sadd.s32 $0x16200, s1;
	s1 =	simm.s32 $0x5;
	[dreg:$0x7] =	wrdreg s6  }
0x14: {  	s24 =	sadd.s32 s26, s25;
	s26 =	simm.s32 $0x5FA0;
	s25 =	simm.s32 $0x6  }
.LBB2_1:
0x15: {  	s6 =	rddreg [dreg:$0x6]  }
0x16: {  	[tilespmem:s4], [sflag:$0x9] =	stream.linear.gather [hbm4b:s6+s4], $0x2800, $0x38;
	[tilespmem:$0x10C60] =	vst v63  }
0x17: {  	s7 =	rddreg [dreg:$0x7]  }
0x18: {  	[tilespmem:s12], [sflag:$0xA] =	stream.linear.gather [hbm4b:s7+s4], $0x2800, $0x38;
	[tilespmem:$0x10C60] =	vst v63  }
0x19: {  	s8 =	rddreg [dreg:$0x8]  }
0x1a: {  	[tilespmem:s13], [sflag:$0xB] =	stream.linear.gather [hbm4b:s8+s4], $0x2710, $0x38;
	[tilespmem:$0x10C60] =	vst v63  }
0x1b: {  	s7 =	rddreg [dreg:$0x5]  }
0x1c: {  	[tilespmem:s14], [sflag:$0xC] =	stream.linear.gather [hbm4b:s7+s4], $0x2780, $0x38;
	[tilespmem:$0x10C60] =	vst v63  }
0x1d: {  	_ =	swait.ge [sflag:s15], $0x2780  }
0x1e: {  	[sflag:s15] =	ssyncset.done $0x0  }
0x1f: {  	[sflag:s15] =	ssyncadd.s32 $0xFFFFD880  }
0x20: {  	[spmem:s9] =	stream.linear.scatter [tilespmem:s14], [sflag:$0xC], $0x2780, $0x38;
	[tilespmem:$0x10C60] =	vst v63  }
0x21: {  	_ =	swait.ge [sflag:s15], $0x2780  }
0x22: {  	[sflag:s15] =	ssyncset.done $0x0  }
0x23: {  	[sflag:s15] =	ssyncadd.s32 $0xFFFFD880  }
0x24: {  	_ =	swait.ge [sflag:s16], $0x2710  }
0x25: {  	[sflag:s16] =	ssyncset.done $0x0  }
0x26: {  	[sflag:s16] =	ssyncadd.s32 $0xFFFFD8F0  }
0x27: {  	[spmem:s10] =	stream.linear.scatter [tilespmem:s13], [sflag:$0xC], $0x2710, $0x38;
	[tilespmem:$0x10C60] =	vst v63  }
0x28: {  	_ =	swait.ge [sflag:s15], $0x2710  }
0x29: {  	[sflag:s15] =	ssyncset.done $0x0  }
0x2a: {  	[sflag:s15] =	ssyncadd.s32 $0xFFFFD8F0  }
0x2b: {  	_ =	swait.ge [sflag:s17], $0x2800  }
0x2c: {  	[sflag:s17] =	ssyncset.done $0x0  }
0x2d: {  	[sflag:s17] =	ssyncadd.s32 $0xFFFFD800  }
0x2e: {  	_ =	swait.ge [sflag:s18], $0x2800  }
0x2f: {  	[sflag:s18] =	ssyncset.done $0x0  }
0x30: {  	[sflag:s18] =	ssyncadd.s32 $0xFFFFD800  }
0x31: {  	[bflag:$0x0] =	sbarrier.arrive $0xFFFF  }
0x32: {  	[tilespmem:s20], [sflag:$0x1] =	stream.indirect.gather [spmem:s3], $0x10, s4, s19, $0xb8;
	[tilespmem:$0x10C60] =	vst v63  }
0x33: {  	s8 =	simm.s32 $0x80  }
0x34: {  	[tilespmem:s22], [sflag:$0x2] =	stream.indirect.gather [spmem:s3], $0x10, s8, s19, $0xb8;
	[tilespmem:$0x10C60] =	vst v63  }
0x35: {  	_ =	swait.ge [sflag:s23], $0x7D0  }
0x36: {  	[sflag:s23] =	ssyncset.done $0x0  }
0x37: {  	[sflag:s23] =	ssyncadd.s32 $0xFFFFF830  }
0x38: {  	[spmem:s2] =	stream.indirect.scatter.add.f32 [tilespmem:s20], [sflag:$0x5], $0x10, s12, s19, $0xb8;
	[tilespmem:$0x10C60] =	vst v63  }
0x39: {  	s7 =	simm.s32 $0x100  }
0x3a: {  	[tilespmem:s26], [sflag:$0x3] =	stream.indirect.gather [spmem:s3], $0x10, s7, s19, $0xb8;
	[tilespmem:$0x10C60] =	vst v63  }
0x3b: {  	_ =	swait.ge [sflag:s28], $0x7D0  }
0x3c: {  	[sflag:s28] =	ssyncset.done $0x0  }
0x3d: {  	s8 =	simm.s32 $0x2880;
	[sflag:s28] =	ssyncadd.s32 $0xFFFFF830  }
0x3e: {  	[spmem:s2] =	stream.indirect.scatter.add.f32 [tilespmem:s22], [sflag:$0x6], $0x10, s8, s19, $0xb8;
	[tilespmem:$0x10C60] =	vst v63  }
0x3f: {  	s7 =	simm.s32 $0x180  }
0x40: {  	[tilespmem:s31], [sflag:$0x4] =	stream.indirect.gather [spmem:s3], $0x10, s7, s19, $0xb8;
	[tilespmem:$0x10C60] =	vst v63  }
0x41: {  	_ =	swait.ge [sflag:s0], $0x7D0  }
0x42: {  	[sflag:s0] =	ssyncset.done $0x0  }
0x43: {  	s8 =	simm.s32 $0x2900;
	[sflag:s0] =	ssyncadd.s32 $0xFFFFF830  }
0x44: {  	[spmem:s2] =	stream.indirect.scatter.add.f32 [tilespmem:s26], [sflag:$0x7], $0x10, s8, s19, $0xb8;
	[tilespmem:$0x10C60] =	vst v63  }
0x45: {  	_ =	swait.ge [sflag:s1], $0x7D0  }
0x46: {  	[sflag:s1] =	ssyncset.done $0x0  }
0x47: {  	s7 =	simm.s32 $0x200;
	[sflag:s1] =	ssyncadd.s32 $0xFFFFF830  }
0x48: {  	[tilespmem:s20], [sflag:$0x1] =	stream.indirect.gather [spmem:s3], $0x10, s7, s19, $0xb8;
	[tilespmem:$0x10C60] =	vst v63  }
0x49: {  	_ =	swait.ge [sflag:s21], $0x7D0  }
0x4a: {  	[sflag:s21] =	ssyncset.done $0x0  }
0x4b: {  	s8 =	simm.s32 $0x2980;
	[sflag:s21] =	ssyncadd.s32 $0xFFFFF830  }
0x4c: {  	[spmem:s2] =	stream.indirect.scatter.add.f32 [tilespmem:s31], [sflag:$0x8], $0x10, s8, s19, $0xb8;
	[tilespmem:$0x10C60] =	vst v63  }
0x4d: {  	_ =	swait.ge [sflag:s25], $0x7D0  }
0x4e: {  	[sflag:s25] =	ssyncset.done $0x0  }
0x4f: {  	s7 =	simm.s32 $0x280;
	[sflag:s25] =	ssyncadd.s32 $0xFFFFF830  }
0x50: {  	[tilespmem:s22], [sflag:$0x2] =	stream.indirect.gather [spmem:s3], $0x10, s7, s19, $0xb8;
	[tilespmem:$0x10C60] =	vst v63  }
0x51: {  	_ =	swait.ge [sflag:s23], $0x7D0  }
0x52: {  	[sflag:s23] =	ssyncset.done $0x0  }
0x53: {  	s8 =	simm.s32 $0x2A00;
	[sflag:s23] =	ssyncadd.s32 $0xFFFFF830  }
0x54: {  	[spmem:s2] =	stream.indirect.scatter.add.f32 [tilespmem:s20], [sflag:$0x5], $0x10, s8, s19, $0xb8;
	[tilespmem:$0x10C60] =	vst v63  }
0x55: {  	_ =	swait.ge [sflag:s29], $0x7D0  }
0x56: {  	[sflag:s29] =	ssyncset.done $0x0  }
0x57: {  	s7 =	simm.s32 $0x300;
	[sflag:s29] =	ssyncadd.s32 $0xFFFFF830  }
0x58: {  	[tilespmem:s26], [sflag:$0x3] =	stream.indirect.gather [spmem:s3], $0x10, s7, s19, $0xb8;
	[tilespmem:$0x10C60] =	vst v63  }
0x59: {  	_ =	swait.ge [sflag:s28], $0x7D0  }
0x5a: {  	[sflag:s28] =	ssyncset.done $0x0  }
0x5b: {  	s8 =	simm.s32 $0x2A80;
	[sflag:s28] =	ssyncadd.s32 $0xFFFFF830  }
0x5c: {  	[spmem:s2] =	stream.indirect.scatter.add.f32 [tilespmem:s22], [sflag:$0x6], $0x10, s8, s19, $0xb8;
	[tilespmem:$0x10C60] =	vst v63  }
0x5d: {  	_ =	swait.ge [sflag:s30], $0x7D0  }
0x5e: {  	[sflag:s30] =	ssyncset.done $0x0  }
0x5f: {  	s6 =	simm.s32 $0x800;
	s7 =	simm.s32 $0x380;
	[sflag:s30] =	ssyncadd.s32 $0xFFFFF830  }
.LBB2_2:
0x60: {  	[tilespmem:s31], [sflag:$0x4] =	stream.indirect.gather [spmem:s3], $0x10, s7, s19, $0xb8;
	[tilespmem:$0x10C60] =	vst v63  }
0x61: {  	s7 =	smov.u32 s6  }
0x62: {  	p0 =	sne.s32 s6, $0x9000;
	s6 =	sadd.s32 $0x800, s6;
	_ =	swait.ge [sflag:s0], $0x7D0  }
0x63: {  	s7 =	sshra.s32 s7, $0x2;
	[sflag:s0] =	ssyncset.done $0x0  }
0x64: {  	s8 =	sadd.s32 $0x2900, s7;
	[sflag:s0] =	ssyncadd.s32 $0xFFFFF830  }
0x65: {  	[spmem:s2] =	stream.indirect.scatter.add.f32 [tilespmem:s26], [sflag:$0x7], $0x10, s8, s19, $0xb8;
	[tilespmem:$0x10C60] =	vst v63  }
0x66: {  	_ =	swait.ge [sflag:s1], $0x7D0  }
0x67: {  	[sflag:s1] =	ssyncset.done $0x0  }
0x68: {  	s8 =	sadd.s32 $0x200, s7;
	[sflag:s1] =	ssyncadd.s32 $0xFFFFF830  }
0x69: {  	[tilespmem:s20], [sflag:$0x1] =	stream.indirect.gather [spmem:s3], $0x10, s8, s19, $0xb8;
	[tilespmem:$0x10C60] =	vst v63  }
0x6a: {  	_ =	swait.ge [sflag:s21], $0x7D0  }
0x6b: {  	[sflag:s21] =	ssyncset.done $0x0  }
0x6c: {  	s8 =	sadd.s32 $0x2980, s7;
	[sflag:s21] =	ssyncadd.s32 $0xFFFFF830  }
0x6d: {  	[spmem:s2] =	stream.indirect.scatter.add.f32 [tilespmem:s31], [sflag:$0x8], $0x10, s8, s19, $0xb8;
	[tilespmem:$0x10C60] =	vst v63  }
0x6e: {  	_ =	swait.ge [sflag:s25], $0x7D0  }
0x6f: {  	[sflag:s25] =	ssyncset.done $0x0  }
0x70: {  	s8 =	sadd.s32 $0x280, s7;
	[sflag:s25] =	ssyncadd.s32 $0xFFFFF830  }
0x71: {  	[tilespmem:s22], [sflag:$0x2] =	stream.indirect.gather [spmem:s3], $0x10, s8, s19, $0xb8;
	[tilespmem:$0x10C60] =	vst v63  }
0x72: {  	_ =	swait.ge [sflag:s23], $0x7D0  }
0x73: {  	[sflag:s23] =	ssyncset.done $0x0  }
0x74: {  	s8 =	sadd.s32 $0x2A00, s7;
	[sflag:s23] =	ssyncadd.s32 $0xFFFFF830  }
0x75: {  	[spmem:s2] =	stream.indirect.scatter.add.f32 [tilespmem:s20], [sflag:$0x5], $0x10, s8, s19, $0xb8;
	[tilespmem:$0x10C60] =	vst v63  }
0x76: {  	_ =	swait.ge [sflag:s29], $0x7D0  }
0x77: {  	[sflag:s29] =	ssyncset.done $0x0  }
0x78: {  	s8 =	sadd.s32 $0x300, s7;
	[sflag:s29] =	ssyncadd.s32 $0xFFFFF830  }
0x79: {  	[tilespmem:s26], [sflag:$0x3] =	stream.indirect.gather [spmem:s3], $0x10, s8, s19, $0xb8;
	[tilespmem:$0x10C60] =	vst v63  }
0x7a: {  	_ =	swait.ge [sflag:s28], $0x7D0  }
0x7b: {  	[sflag:s28] =	ssyncset.done $0x0  }
.Ltmp0:
0x7c: {  	s8 =	sadd.s32 $0x2A80, s7;
	[sflag:s28] =	ssyncadd.s32 $0xFFFFF830;
	(pc) =	sbr.rel @p0 .LBB2_2-.Ltmp0, $4  }
0x7d: {  	[spmem:s2] =	stream.indirect.scatter.add.f32 [tilespmem:s22], [sflag:$0x6], $0x10, s8, s19, $0xb8;
	[tilespmem:$0x10C60] =	vst v63  }
0x7e: {  	_ =	swait.ge [sflag:s30], $0x7D0  }
0x7f: {  	[sflag:s30] =	ssyncset.done $0x0  }
0x80: {  	s7 =	sadd.s32 $0x380, s7;
	[sflag:s30] =	ssyncadd.s32 $0xFFFFF830  }
0x81: {  	[tilespmem:s31], [sflag:$0x4] =	stream.indirect.gather [spmem:s3], $0x10, s7, s19, $0xb8;
	[tilespmem:$0x10C60] =	vst v63  }
0x82: {  	_ =	swait.ge [sflag:s0], $0x7D0  }
0x83: {  	[sflag:s0] =	ssyncset.done $0x0  }
0x84: {  	s6 =	simm.s32 $0x4F00;
	[sflag:s0] =	ssyncadd.s32 $0xFFFFF830  }
0x85: {  	[spmem:s2] =	stream.indirect.scatter.add.f32 [tilespmem:s26], [sflag:$0x7], $0x10, s6, s19, $0xb8;
	[tilespmem:$0x10C60] =	vst v63  }
0x86: {  	_ =	swait.ge [sflag:s21], $0x7D0  }
0x87: {  	[sflag:s21] =	ssyncset.done $0x0  }
0x88: {  	s8 =	simm.s32 $0x4F80;
	[sflag:s21] =	ssyncadd.s32 $0xFFFFF830  }
0x89: {  	[spmem:s2] =	stream.indirect.scatter.add.f32 [tilespmem:s31], [sflag:$0x8], $0x10, s8, s19, $0xb8;
	[tilespmem:$0x10C60] =	vst v63  }
0x8a: {  	_ =	swait.ge [sflag:s1], $0x7D0  }
0x8b: {  	[sflag:s1] =	ssyncset.done $0x0  }
0x8c: {  	[sflag:s1] =	ssyncadd.s32 $0xFFFFF830  }
0x8d: {  	_ =	swait.ge [sflag:s25], $0x7D0  }
0x8e: {  	[sflag:s25] =	ssyncset.done $0x0  }
0x8f: {  	[sflag:s25] =	ssyncadd.s32 $0xFFFFF830  }
0x90: {  	_ =	swait.ge [sflag:s29], $0x7D0  }
0x91: {  	[sflag:s29] =	ssyncset.done $0x0  }
0x92: {  	[sflag:s29] =	ssyncadd.s32 $0xFFFFF830  }
0x93: {  	s7 =	stileid.u32;
	_ =	swait.ge [sflag:s30], $0x7D0  }
0x94: {  	s5 =	sadd.s32 $0x1, s5;
	s6 =	sshll.u32 s7, $0x6;
	[sflag:s30] =	ssyncset.done $0x0  }
0x95: {  	p0 =	sne.s32 s5, s11;
	s6 =	sor.u32 $0x1C0C, s6;
	[sflag:s30] =	ssyncadd.s32 $0xFFFFF830  }
.Ltmp1:
0x96: {  	s8 =	sshrl.u32 s9, $0x3;
	[bflag:$0x0] =	sbarrier.arrive $0xFFFF;
	(pc) =	sbr.rel @p0 .LBB2_1-.Ltmp1, $4  }
0x97: {  	[hbm:s24], [sflag:s6] =	dma.local [spmem:s8], $0x4F0  }
0x98: {  	_ =	swait.ge [sflag:s15], $0x4F0  }
0x99: {  	[sflag:s15] =	ssyncset.done $0x0  }
0x9a: {  	[sflag:s15] =	ssyncadd.s32 $0xFFFFFB10  }
0x9b: {  	_ =	sfence.sel $0x180000  }
0x9c: {  	[bflag:$0x0] =	sbarrier.arrive $0xFFFF  }
0x9d: {  	_ =	strace $0x9000004D  }
0x9e: {  	s0 =	stileid.u32;
	[bflag:$0x2] =	sbarrier.arrive $0xFFFF  }
0x9f: {  	p0 =	sne.s32 s0, $0x0;
	s0 =	rddreg [dreg:$0x4]  }
0xa0: {  	s0 =	sadd.s32 @!p0 $0x100000, s0  }
0xa1: {  	[sflag:s0] =	ssyncadd.tile.s32 @!p0 $0x1;
	_ =	shalt  }
.Lfunc_end2:
_tile_overlayer_lowered:
.L_overlay_start_2:
0xa2: {  	(tag) =	ssettag $0x2  }
0xa3: {  	s0 =	rddreg [dreg:$0x0];
	s2 =	stileid.u32  }
0xa4: {  	s1 =	rddreg [dreg:$0x1];
	p0 =	sne.s32 s2, $0x0  }
0xa5: {  	s3 =	rddreg [dreg:$0x2];
	[bflag:$0x3] =	sbarrier.arrive $0xFFFF;
	s2 =	simm.s32 @!p0 $0x1C0C  }
0xa6: {  	[timem:s3], [sflag:s2] =	dma.local @!p0 [hbm:s0], s1  }
0xa7: {  	s0 =	simm.s32 @!p0 $0xC  }
0xa8: {  	_ =	swait.ge @!p0 [sflag:s0], s1  }
0xa9: {  	s1 =	ssub.s32 @!p0 $0x0, s1;
	[sflag:s0] =	ssyncset.done @!p0 $0x0  }
0xaa: {  	[sflag:s0] =	ssyncadd.s32 @!p0 s1  }
0xab: {  	[bflag:$0x3] =	sbarrier.arrive $0xFFFF  }
0xac: {  	_ =	shalt  }

// kernel: kernel.8.cloned.1.call-start
scs
__scs_entry_jumppad:
0x0: {  	(pc) =	sbr.rel $0x88, $3  }
0x1: {  	(tag) =	ssettag $0x0;
	lr =	simm.s32 $0x1  }
0x2: {  	[smem:$0x3F9B] =	sst lr;
	_ =	strace $0xD0000000  }
0x3: {  	_ = 	snop  }
0x4: {  	_ = 	snop  }
0x5: {  	_ = 	snop  }
0x6: {  	_ = 	snop  }
0x7: {  	_ = 	snop  }
__scs_overlays_trampoline_lowered:
0x8: {  	[smem:$0x3FAA] =	sst s0  }
0x9: {  	[smem:$0x3FAB] =	sst s1  }
0xa: {  	[smem:$0x3FAC] =	sst s2  }
0xb: {  	[smem:$0x3FAD] =	sst s3  }
0xc: {  	[smem:$0x3FAE] =	sst s4  }
0xd: {  	[smem:$0x3FAF] =	sst s5  }
0xe: {  	[smem:$0x3FB0] =	sst s6  }
0xf: {  	[smem:$0x3FB1] =	sst s7  }
0x10: {  	[smem:$0x3FB2] =	sst s8  }
0x11: {  	[smem:$0x3FB3] =	sst s9;
	s0 =	simm.s32 @!p0 $0x0  }
0x12: {  	s1 =	sld [smem:$0x3F99];
	s0 =	simm.s32 @p0 $0x1  }
0x13: {  	[smem:$0x3FB4] =	sst s0;
	s0 =	simm.s32 @!p1 $0x0  }
0x14: {  	s2 =	sld [smem:$0x3F98];
	s0 =	simm.s32 @p1 $0x1  }
0x15: {  	[smem:$0x3FB5] =	sst s0;
	s0 =	simm.s32 @!p2 $0x0  }
0x16: {  	s3 =	sld [smem:$0x3FDB];
	s0 =	simm.s32 @p2 $0x1  }
0x17: {  	s4 =	simm.s32 $0x1BF5;
	[smem:$0x3FB7] =	sst s0  }
0x18: {  	s0 =	sld [smem:$0x3F9A];
	_ =	swait.ge [sflag:s4], $0x0  }
0x19: {  	s7 =	sld [smem:$0x3F9B]  }
0x1a: {  	s8 =	sadd.s32 $0xFFFFE003, lr  }
0x1b: {  	s9 =	sadd.s32 $0xFFFFFEF7, lr;
	s5 =	simm.s32 $0xFFFFFFFF;
	p2 =	slt.u32 s8, $0xFFFFF086  }
0x1c: {  	p1 =	slt.u32 s9, $0xF7A;
	s5 =	simm.s32 @!p2 $0x0  }
0x1d: {  	s5 =	simm.s32 @p1 $0x1;
	p0 =	seq.s32 s7, s2  }
0x1e: {  	s7 =	smul.u32 @!p0 $0xF7A, s2;
	p2 =	seq.s32 @!p0 s5, $0x0  }
0x1f: {  	s9 =	smul.u32 $0xF7A, s1;
	s8 =	simm.s32 @!p0 $0x1BF5;
	p2 =	por !p2, p0  }
0x20: {  	[sflag:s8] =	ssyncset.s32 @!p0 $0xFFFFF086;
	s6 =	sadd.s32 @!p0 s3, s7;
	s7 =	simm.s32 @!p0 $0x108  }
0x21: {  	s3 =	sadd.s32 s3, s9;
	s6 =	sadd.s32 @!p0 $0x88, s6;
	s7 =	simm.s32 @p2 $0x1082  }
0x22: {  	[simem:s7], [sflag:s8] =	dma.local @!p0 [hbm:s6], $0xF7A  }
0x23: {  	s9 =	sor.u32 $0xD0000000, s2;
	s6 =	simm.s32 $0x108;
	_ =	swait.ge @!p0 [sflag:s8], $0x0  }
0x24: {  	s3 =	sadd.s32 $0x88, s3;
	s6 =	simm.s32 @!p1 $0x1082;
	[sflag:s4] =	ssyncset.s32 $0xFFFFF086  }
0x25: {  	[simem:s6], [sflag:s4] =	dma.local [hbm:s3], $0xF7A  }
0x26: {  	[smem:$0x3F9B] =	sst s1;
	(tag) =	ssettag s2;
	_ =	strace s9  }
0x27: {  	s1 =	sld [smem:$0x3FAB]  }
0x28: {  	s2 =	sld [smem:$0x3FAC]  }
0x29: {  	s4 =	sld [smem:$0x3FAE]  }
0x2a: {  	p0 =	seq.s32 s5, $0x0;
	s5 =	sld [smem:$0x3FAF]  }
0x2b: {  	s6 =	sld [smem:$0x3FB0]  }
0x2c: {  	s7 =	sld [smem:$0x3FB1]  }
0x2d: {  	s3 =	simm.s32 $0x108;
	s8 =	sld [smem:$0x3FB2]  }
0x2e: {  	s3 =	simm.s32 @!p0 $0x1082;
	s9 =	sld [smem:$0x3FB3]  }
0x2f: {  	lr =	sadd.s32 s0, s3;
	s0 =	sld [smem:$0x3FAA]  }
0x30: {  	s3 =	sld [smem:$0x3FAD]  }
0x31: {  	[smem:$0x3FB6] =	sst s10  }
0x32: {  	s10 =	sld [smem:$0x3FB4];
	_ =	sdelay $0x3  }
0x33: {  	p0 =	seq.s32 s10, $0x1;
	s10 =	sld [smem:$0x3FB6];
	_ =	sdelay $0x3  }
0x34: {  	[smem:$0x3FB6] =	sst s10  }
0x35: {  	s10 =	sld [smem:$0x3FB5];
	_ =	sdelay $0x3  }
0x36: {  	p1 =	seq.s32 s10, $0x1;
	s10 =	sld [smem:$0x3FB6];
	_ =	sdelay $0x3  }
0x37: {  	[smem:$0x3FB6] =	sst s10  }
0x38: {  	s10 =	sld [smem:$0x3FB7]  }
0x39: {  	_ = 	snop;
	(pc) =	sbr.ind lr, $3  }
0x3a: {  	_ = 	snop  }
0x3b: {  	_ = 	snop  }
0x3c: {  	p2 =	seq.s32 s10, $0x1;
	s10 =	sld [smem:$0x3FB6]  }
0x3d: {  	_ =	shalt  }
0x3e: {  	_ =	shalt  }
0x3f: {  	_ =	shalt  }
0x40: {  	_ =	shalt  }
0x41: {  	_ =	shalt  }
0x42: {  	_ =	shalt  }
0x43: {  	_ =	shalt  }
0x44: {  	_ =	shalt  }
0x45: {  	_ =	shalt  }
0x46: {  	_ =	shalt  }
0x47: {  	_ =	shalt  }
0x48: {  	_ =	shalt  }
0x49: {  	_ =	shalt  }
0x4a: {  	_ =	shalt  }
0x4b: {  	_ =	shalt  }
0x4c: {  	_ =	shalt  }
0x4d: {  	_ =	shalt  }
0x4e: {  	_ =	shalt  }
0x4f: {  	_ =	shalt  }
0x50: {  	_ =	shalt  }
0x51: {  	_ =	shalt  }
0x52: {  	_ =	shalt  }
0x53: {  	_ =	shalt  }
0x54: {  	_ =	shalt  }
0x55: {  	_ =	shalt  }
0x56: {  	_ =	shalt  }
0x57: {  	_ =	shalt  }
0x58: {  	_ =	shalt  }
0x59: {  	_ =	shalt  }
0x5a: {  	_ =	shalt  }
0x5b: {  	_ =	shalt  }
0x5c: {  	_ =	shalt  }
0x5d: {  	_ =	shalt  }
0x5e: {  	_ =	shalt  }
0x5f: {  	_ =	shalt  }
0x60: {  	_ =	shalt  }
0x61: {  	_ =	shalt  }
0x62: {  	_ =	shalt  }
0x63: {  	_ =	shalt  }
0x64: {  	_ =	shalt  }
0x65: {  	_ =	shalt  }
0x66: {  	_ =	shalt  }
0x67: {  	_ =	shalt  }
0x68: {  	_ =	shalt  }
0x69: {  	_ =	shalt  }
0x6a: {  	_ =	shalt  }
0x6b: {  	_ =	shalt  }
0x6c: {  	_ =	shalt  }
0x6d: {  	_ =	shalt  }
0x6e: {  	_ =	shalt  }
0x6f: {  	_ =	shalt  }
0x70: {  	_ =	shalt  }
0x71: {  	_ =	shalt  }
0x72: {  	_ =	shalt  }
0x73: {  	_ =	shalt  }
0x74: {  	_ =	shalt  }
0x75: {  	_ =	shalt  }
0x76: {  	_ =	shalt  }
0x77: {  	_ =	shalt  }
0x78: {  	_ =	shalt  }
0x79: {  	_ =	shalt  }
0x7a: {  	_ =	shalt  }
0x7b: {  	_ =	shalt  }
0x7c: {  	_ =	shalt  }
0x7d: {  	_ =	shalt  }
0x7e: {  	_ =	shalt  }
0x7f: {  	_ =	shalt  }
0x80: {  	_ =	shalt  }
0x81: {  	_ =	shalt  }
0x82: {  	_ =	shalt  }
0x83: {  	_ =	shalt  }
0x84: {  	_ =	shalt  }
0x85: {  	_ =	shalt  }
0x86: {  	_ =	shalt  }
0x87: {  	_ =	shalt  }
.Lfunc_end0:
.L_simem_size_0:
called_computation_lowered:
.L_overlay_start_0:
0x88: {  	s2 =	sld [smem:$0x3FD9]  }
0x89: {  	s3 =	sld [smem:$0x3FFE];
	_ =	sdelay $0x1  }
0x8a: {  	s1 =	srdreg.scid  }
0x8b: {  	s0 =	sand.u32 $0x1, s1  }
0x8c: {  	s14 =	sshll.u32 s0, $0xA;
	s2 =	sadd.s32 s3, s2  }
0x8d: {  	s2 =	sadd.s32 s2, s14  }
0x8e: {  	[smem:$0x3FC2] =	sst s2  }
0x8f: {  	_ = 	snop  }
0x90: {  	s2 =	sld [smem:$0x3FD0];
	_ =	sdelay $0x2  }
0x91: {  	s15 =	simm.s32 $0xA;
	s4 =	simm.s32 $0x10  }
0x92: {  	[smem:s4], [sflag:s15] =	dma.local [hbm:s2], $0x1  }
0x93: {  	_ =	swait.eq [sflag:s15], $0x1  }
0x94: {  	[sflag:s15] =	ssyncset.done $0x0  }
0x95: {  	[sflag:s15] =	ssyncadd.s32 $0xFFFFFFFF  }
0x96: {  	s16 =	sld [smem:$0x10];
	(tm) =	ssettm $0x1  }
0x97: {  	s17 =	sld [smem:$0x3FFB];
	_ =	sdelay $0x3  }
0x98: {  	_ =	strace s17  }
0x99: {  	s3 =	sld [smem:$0x3FFC];
	_ =	sdelay $0x3  }
0x9a: {  	_ =	strace s3  }
0x9b: {  	s3 =	sld [smem:$0x3FFD];
	_ =	sdelay $0x3  }
0x9c: {  	_ =	strace s3  }
0x9d: {  	_ =	strace $0x8FFFFFFF  }
0x9e: {  	s18 =	sld [smem:$0x3FDB];
	_ =	sdelay $0x1  }
0x9f: {  	s19 =	simm.s32 $_scs_section_size  }
0xa0: {  	s5 =	simm.s32 $_size__tile_overlayer_lowered;
	s6 =	simm.s32 $_tile_overlayer_lowered  }
0xa1: {  	s22 =	simm.s32 $0x1BFF;
	s21 =	sshll.u32 s6, $0x1;
	s3 =	sadd.s32 s19, s18  }
0xa2: {  	s7 =	simm.s32 $0x0;
	s20 =	sshll.u32 s5, $0x1;
	s5 =	sadd.s32 s21, s3  }
0xa3: {  	[timem:s7], [sflag:s22] =	dma.local [hbm:s5], s20  }
0xa4: {  	_ =	swait.ge [sflag:s22], s20  }
0xa5: {  	s4 =	ssub.s32 $0x0, s20;
	[sflag:s22] =	ssyncset.done $0x0  }
0xa6: {  	[sflag:s22] =	ssyncadd.s32 s4;
	_ =	sdelay $0x1  }
0xa7: {  	s23 =	simm.s32 $0x1B8B  }
0xa8: {  	_ =	swait.ge [sflag:s23], $0x1  }
0xa9: {  	[sflag:s23] =	ssyncset.done $0x0  }
0xaa: {  	s25 =	simm.s32 $0x1B8E;
	s24 =	sld [smem:$0x3FFE];
	[sflag:s23] =	ssyncadd.s32 $0xFFFFFFFF  }
0xab: {  	s26 =	simm.s32 $execute0_lowered;
	[smem:$0x3FD2] =	sst s25  }
0xac: {  	s5 =	sshll.u32 s26, $0x1;
	_ =	strace $0x80000046;
	[dreg:$0x1] =	wrdreg $0xFFFFFFFF  }
0xad: {  	s28 =	simm.s32 $_size_execute0_lowered;
	s3 =	sadd.s32 s3, s5;
	[dreg:$0x0] =	wrdreg $0x0  }
0xae: {  	s5 =	sshll.u32 s28, $0x1;
	[dreg:$0x2] =	wrdreg s3  }
0xaf: {  	[dreg:$0x3] =	wrdreg s5  }
0xb0: {  	[dreg:$0x4] =	wrdreg $0xC0  }
0xb1: {  	_ =	task [dreg:s7], $0x5FFFF  }
0xb2: {  	[dreg:$0x1] =	wrdreg $0xFFFFFFFF  }
0xb3: {  	[dreg:$0x0] =	wrdreg $0x60  }
0xb4: {  	[dreg:$0x2] =	wrdreg s24  }
0xb5: {  	[dreg:$0x3] =	wrdreg s16  }
0xb6: {  	[dreg:$0x4] =	wrdreg $0x3FA80  }
0xb7: {  	[dreg:$0x5] =	wrdreg $0x9  }
0xb8: {  	_ =	task.clear_ibuf [dreg:s7], $0x6FFFF;
	_ =	strace $0x90000046  }
0xb9: {  	s29 =	simm.s32 $0x9;
	_ =	strace $0x80000048  }
0xba: {  	_ =	swait.ge [sflag:s29], $0x1  }
0xbb: {  	[sflag:s29] =	ssyncadd.s32 $0xFFFFFFFF  }
0xbc: {  	_ =	strace $0x90000048  }
0xbd: {  	_ =	sfence  }
0xbe: {  	s30 =	sld [smem:$0x0];
	_ =	sdelay $0x2  }
0xbf: {  	s31 =	sshll.u32 s1, $0xD;
	s1 =	sshrl.u32 s1, $0x2  }
0xc0: {  	s3 =	sand.u32 $0x4000, s31;
	s1 =	sadd.s32 s1, s30  }
0xc1: {  	s0 =	sor.u32 s3, s0;
	s1 =	sshll.u32 s1, $0x11  }
0xc2: {  	s0 =	sor.u32 s1, s0  }
0xc3: {  	s0 =	sadd.s32 $0x8F2B, s0  }
0xc4: {  	[sflag:s0] =	ssyncadd.remote.s32 $0x1  }
0xc5: {  	_ =	sfence.sel $0xFFFF  }
0xc6: {  	[dreg:$0x0] =	wrdreg $0xFFFFFFFF;
	(pc) =	sbr.abs _section_cstart, $3  }
0xc7: {  	[dreg:$0x1] =	wrdreg $0xFFFFFFFF  }
0xc8: {  	_ =	task.clear_ibuf [dreg:s7], $0x2FFFF;
	_ =	strace $0x9FFFFFFF  }
0xc9: {  	(tm) =	ssettm $0x7FFFFFFF  }
tec
execute0_lowered:
.L_overlay_start_1:
0x0: {  	(tag) =	ssettag $0x1  }
0x1: {  	s5 =	rddreg [dreg:$0x0]  }
0x2: {  	s8 =	rddreg [dreg:$0x1]  }
0x3: {  	s0 =	srdreg.scid;
	s2 =	rddreg [dreg:$0x2];
	s3 =	simm.s32 $0x0  }
0x4: {  	s13 =	simm.s32 $0x3;
	s14 =	simm.s32 $0x7D;
	s15 =	simm.s32 $0x1  }
0x5: {  	s19 =	simm.s32 $0x0;
	s6 =	sand.u32 $0x1, s0;
	s0 =	stileid.u32  }
0x6: {  	[smem:$0x7FF] =	sst s3;
	s1 =	sshll.u32 s6, $0x4;
	s10 =	smul.u32 $0x13C0, s0  }
0x7: {  	s9 =	ssub.s32 $0x2, s6;
	s12 =	smul.u32 $0x2780, s6;
	s31 =	sshll.u32 s0, $0x6  }
0x8: {  	s4 =	sor.u32 s0, s1;
	s1 =	rddreg [dreg:$0x3];
	s11 =	sshrl.u32 s9, $0x1  }
0x9: {  	_ =	strace $0x80000047;
	s4 =	smul.u32 $0x500, s4;
	s9 =	ssub.s32 s9, s11  }
0xa: {  	s16 =	sadd.s32 s8, s12;
	s17 =	sshrl.u32 s10, $0x3;
	s11 =	simm.s32 $0x4  }
0xb: {  	s12 =	simm.s32 $0x2;
	s8 =	smax.u32 s9, $0x1;
	s9 =	simm.s32 $0x2800  }
0xc: {  	s16 =	sadd.s32 s17, s16;
	s17 =	sor.u32 $0x1C04, s31;
	s7 =	sadd.s32 s4, s5  }
0xd: {  	s4 =	sadd.s32 $0xBA00, s5;
	s6 =	sadd.s32 $0x1600, s7;
	s7 =	sadd.s32 s10, s2  }
0xe: {  	s5 =	sadd.s32 $0xB600, s5;
	s10 =	simm.s32 $0x2BE8;
	s18 =	sshrl.u32 s7, $0x3  }
.LBB2_1:
0xf: {  	[tilespmem:s3], [sflag:$0x2] =	stream.linear.gather [hbm4b:s6+s3], $0x2800, $0x38;
	[tilespmem:$0x5368] =	vst v63  }
0x10: {  	_ = 	snop  }
0x11: {  	[tilespmem:s9], [sflag:$0x3] =	stream.linear.gather [hbm4b:s4+s3], $0x3E8, $0x38;
	[tilespmem:$0x5368] =	vst v63  }
0x12: {  	_ = 	snop  }
0x13: {  	[tilespmem:s10], [sflag:$0x4] =	stream.linear.gather [hbm4b:s5+s3], $0x13C0, $0x38;
	[tilespmem:$0x5368] =	vst v63  }
0x14: {  	_ =	swait.ge [sflag:s11], $0x13C0  }
0x15: {  	[sflag:s11] =	ssyncset.done $0x0  }
0x16: {  	[sflag:s11] =	ssyncadd.s32 $0xFFFFEC40  }
0x17: {  	[spmem:s7] =	stream.linear.scatter [tilespmem:s10], [sflag:$0x4], $0x13C0, $0x38;
	[tilespmem:$0x5368] =	vst v63  }
0x18: {  	_ =	swait.ge [sflag:s11], $0x13C0  }
0x19: {  	[sflag:s11] =	ssyncset.done $0x0  }
0x1a: {  	[sflag:s11] =	ssyncadd.s32 $0xFFFFEC40  }
0x1b: {  	_ =	swait.ge [sflag:s12], $0x2800  }
0x1c: {  	[sflag:s12] =	ssyncset.done $0x0  }
0x1d: {  	[sflag:s12] =	ssyncadd.s32 $0xFFFFD800  }
0x1e: {  	_ =	swait.ge [sflag:s13], $0x3E8  }
0x1f: {  	[sflag:s13] =	ssyncset.done $0x0  }
0x20: {  	[sflag:s13] =	ssyncadd.s32 $0xFFFFFC18  }
0x21: {  	s20 =	simm.s32 $0x0;
	[bflag:$0x0] =	sbarrier.arrive $0xFFFF  }
.LBB2_2:
0x22: {  	p0 =	sne.s32 s20, $0x9E00  }
.Ltmp0:
0x23: {  	_ = 	snop;
	(pc) =	sbr.rel @p0 .LBB2_2-.Ltmp0, $3  }
0x24: {  	_ =	sdelay $0x1  }
0x25: {  	s21 =	sshra.s32 s20, $0x2;
	s20 =	sadd.s32 $0x200, s20  }
0x26: {  	[spmem:s2] =	stream.indirect.scatter.add.f32 [tilespmem:s9], [sflag:$0x1], $0x8, s21, s14, $0xb8;
	[tilespmem:$0x5368] =	vst v63  }
0x27: {  	_ =	swait.ge [sflag:s15], $0x3E8  }
0x28: {  	s20 =	simm.s32 $0x4F;
	[sflag:s15] =	ssyncset.done $0x0  }
.LBB2_4:
0x29: {  	p0 =	sne.s32 s20, $0x1;
	s20 =	sadd.s32 $0xFFFFFFFF, s20;
	[sflag:s15] =	ssyncadd.s32 $0xFFFFFC18  }
.Ltmp1:
0x2a: {  	(pc) =	sbr.rel @p0 .LBB2_4-.Ltmp1, $3  }
0x2b: {  	_ =	sdelay $0x1  }
0x2c: {  	_ =	swait.ge [sflag:s15], $0x3E8  }
0x2d: {  	[sflag:s15] =	ssyncset.done $0x0  }
0x2e: {  	s19 =	sadd.s32 $0x1, s19  }
0x2f: {  	[sflag:s15] =	ssyncadd.s32 $0xFFFFFC18;
	p0 =	sne.s32 s19, s8  }
.Ltmp2:
0x30: {  	[bflag:$0x0] =	sbarrier.arrive $0xFFFF;
	(pc) =	sbr.rel @p0 .LBB2_1-.Ltmp2, $4  }
0x31: {  	[hbm:s16], [sflag:s17] =	dma.local [spmem:s18], $0x278  }
0x32: {  	_ =	swait.ge [sflag:s11], $0x278  }
0x33: {  	[sflag:s11] =	ssyncset.done $0x0  }
0x34: {  	[sflag:s11] =	ssyncadd.s32 $0xFFFFFD88  }
0x35: {  	_ =	sfence.sel $0x180000  }
0x36: {  	[bflag:$0x0] =	sbarrier.arrive $0xFFFF  }
0x37: {  	p0 =	sne.s32 s0, $0x0;
	_ =	strace $0x90000047  }
0x38: {  	s0 =	sadd.s32 @!p0 $0x100000, s1;
	[bflag:$0x2] =	sbarrier.arrive $0xFFFF  }
0x39: {  	[sflag:s0] =	ssyncadd.tile.s32 @!p0 $0x1;
	_ =	shalt  }
.Lfunc_end2:
_tile_overlayer_lowered:
.L_overlay_start_2:
0x3a: {  	(tag) =	ssettag $0x2  }
0x3b: {  	s0 =	rddreg [dreg:$0x0];
	s2 =	stileid.u32  }
0x3c: {  	s1 =	rddreg [dreg:$0x1];
	p0 =	sne.s32 s2, $0x0  }
0x3d: {  	s3 =	rddreg [dreg:$0x2];
	[bflag:$0x3] =	sbarrier.arrive $0xFFFF;
	s2 =	simm.s32 @!p0 $0x1C04  }
0x3e: {  	[timem:s3], [sflag:s2] =	dma.local @!p0 [hbm:s0], s1  }
0x3f: {  	s0 =	simm.s32 @!p0 $0x4  }
0x40: {  	_ =	swait.ge @!p0 [sflag:s0], s1  }
0x41: {  	s1 =	ssub.s32 @!p0 $0x0, s1;
	[sflag:s0] =	ssyncset.done @!p0 $0x0  }
0x42: {  	[sflag:s0] =	ssyncadd.s32 @!p0 s1  }
0x43: {  	[bflag:$0x3] =	sbarrier.arrive $0xFFFF  }
0x44: {  	_ =	shalt  }

</sc_bundles>
